<compile_context>
chip_gen: v7x
topology: tpu7x:2x2x1
jax: 0.10.2.dev20260603
libtpu: 0.0.44.dev20260713+nightly
codegen_flags: <defaults>
</compile_context>

<pallas_src>
import functools

import jax
import jax.numpy as jnp
from jax import lax
from jax.experimental import pallas as pl
from jax.experimental.pallas import tpu as pltpu
from jax.experimental.pallas import tpu_sc as plsc

B = 4096
F = 26
D = 32
NW = 32
BPW = B // NW
ROWS = BPW * F
OUTW = D + 1
LANES = 16
HALF = 16
QS = 245760
QROWS = 270336
VR = QROWS * 8
NF = 3
GROUPS = [list(range(s, min(s + NF, F))) for s in range(0, F, NF)]


def _build():
    mesh = plsc.VectorSubcoreMesh(core_axis_name="c", subcore_axis_name="s")

    @functools.partial(
        pl.kernel,
        out_type=jax.ShapeDtypeStruct((B * OUTW,), jnp.float32),
        mesh=mesh,
        compiler_params=pltpu.CompilerParams(use_tc_tiling_on_sc=False),
        scratch_types=[
            pltpu.VMEM((F, BPW), jnp.int32),
            pltpu.VMEM((F, BPW), jnp.int32),
            pltpu.VMEM((F, BPW), jnp.int32),
            *[pltpu.VMEM((BPW, HALF), jnp.float32) for _ in range(4 * NF)],
            pltpu.VMEM((BPW * OUTW,), jnp.float32),
            pltpu.SemaphoreType.DMA,
            pltpu.SemaphoreType.DMA,
        ],
    )
    def sc_kernel(idx_hbm, table_hbm, out_hbm, idx_v, ev_v, od_v, *rest):
        bufs, (out_v, s0, s1) = rest[: 4 * NF], rest[4 * NF:]

        def buf_ev(par, fl):
            return bufs[(par * NF + fl) * 2]

        def buf_od(par, fl):
            return bufs[(par * NF + fl) * 2 + 1]

        wid = lax.axis_index("s") * 2 + lax.axis_index("c")
        sems = (s0, s1)

        pltpu.sync_copy(idx_hbm.at[:, pl.ds(wid * BPW, BPW)], idx_v)

        def shift_body(f, carry):
            for j in range(BPW // LANES):
                v = idx_v[f, pl.ds(j * LANES, LANES)]
                one = jnp.ones((LANES,), jnp.int32)
                zero = jnp.zeros((LANES,), jnp.int32)
                q = (
                    jnp.where(v >= QS, one, zero)
                    + jnp.where(v >= 2 * QS, one, zero)
                    + jnp.where(v >= 3 * QS, one, zero)
                )
                e = lax.shift_left(v - q * QS, 3) + lax.shift_left(q, 1)
                ev_v[f, pl.ds(j * LANES, LANES)] = e
                od_v[f, pl.ds(j * LANES, LANES)] = e + 1
            return carry

        lax.fori_loop(0, F, shift_body, 0)

        def fire(g):
            par = g % 2
            for fl, f in enumerate(GROUPS[g]):
                pltpu.async_copy(
                    table_hbm.at[ev_v.at[f]],
                    buf_ev(par, fl),
                    sems[par],
                )
                pltpu.async_copy(
                    table_hbm.at[od_v.at[f]],
                    buf_od(par, fl),
                    sems[par],
                )

        def drain(g):
            par = g % 2
            for fl, f in enumerate(GROUPS[g]):
                pltpu.make_async_copy(
                    table_hbm.at[ev_v.at[f]],
                    buf_ev(par, fl),
                    sems[par],
                ).wait()
                pltpu.make_async_copy(
                    table_hbm.at[od_v.at[f]],
                    buf_od(par, fl),
                    sems[par],
                ).wait()

        def pool(g):
            par = g % 2
            first = g == 0
            nf = len(GROUPS[g])

            def body(b, carry):
                o = b * OUTW
                if first:
                    out_v[pl.ds(o, LANES)] = jnp.ones((LANES,), jnp.float32)
                    acc_lo = buf_ev(par, 0)[b, pl.ds(0, LANES)]
                    acc_hi = buf_od(par, 0)[b, pl.ds(0, LANES)]
                    start = 1
                else:
                    acc_lo = out_v[pl.ds(o + 1, LANES)]
                    acc_hi = out_v[pl.ds(o + 1 + LANES, LANES)]
                    start = 0
                for fl in range(start, nf):
                    acc_lo = acc_lo + buf_ev(par, fl)[b, pl.ds(0, LANES)]
                    acc_hi = acc_hi + buf_od(par, fl)[b, pl.ds(0, LANES)]
                out_v[pl.ds(o + 1, LANES)] = acc_lo
                out_v[pl.ds(o + 1 + LANES, LANES)] = acc_hi
                return carry

            lax.fori_loop(0, BPW, body, 0)

        fire(0)
        for g in range(1, len(GROUPS)):
            fire(g)
            drain(g - 1)
            pool(g - 1)
        last = len(GROUPS) - 1
        drain(last)
        pool(last)

        pltpu.sync_copy(
            out_v, out_hbm.at[pl.ds(wid * (BPW * OUTW), BPW * OUTW)]
        )

    return sc_kernel


_SC_KERNEL = _build()

TCB = 8192
WIDE = 128


def _tc_linearize_body(x0, x1, x2, x3, o_ref):
    eye = jnp.eye(D, dtype=jnp.float32)
    ts = [
        jax.lax.dot_general(
            x[...], eye, (((0,), (0,)), ((), ())),
            preferred_element_type=jnp.float32,
        )
        for x in (x0, x1, x2, x3)
    ]
    o_ref[...] = jnp.concatenate(ts, axis=1)


_TC_LINEARIZE = pl.pallas_call(
    _tc_linearize_body,
    grid=(QROWS // TCB,),
    in_specs=[
        pl.BlockSpec((D, TCB), lambda i, q=q: (0, q * (QS // TCB) + i))
        for q in range(4)
    ],
    out_specs=pl.BlockSpec((TCB, WIDE), lambda i: (i, 0)),
    out_shape=jax.ShapeDtypeStruct((QROWS, WIDE), jnp.float32),
)


@jax.jit
def kernel(user_feature_ids, embedding_weight):
    idx_t = jnp.asarray(user_feature_ids, jnp.int32).T
    table_lin = _TC_LINEARIZE(*([embedding_weight.T] * 4))
    table2 = table_lin.reshape(VR, HALF)
    flat = _SC_KERNEL(idx_t, table2)
    return flat.reshape(B, OUTW)

# --- scband reference (transcript-rebuilt; emitter-appended) ---
"""Pipeline reference for scband-user-tower-56006373540336 (READ-ONLY COPY).

The authoritative reference and input builder live on the scoring server;
editing this copy changes nothing except your own understanding.
"""

import jax, jax.numpy as jnp
import numpy as np

NUM_USER_FEATURES = 1000000
EMBEDDING_DIM = 32
BATCH = 4096
N_FIELDS = 26


def setup_inputs(seed: int = 0) -> dict:
    key = jax.random.key(seed)
    k_idx, k_emb = jax.random.split(key)
    user_feature_ids = jax.random.randint(k_idx, (BATCH, N_FIELDS), 0, NUM_USER_FEATURES, dtype=jnp.int64 if jax.config.jax_enable_x64 else jnp.int32)
    embedding_weight = jax.random.normal(k_emb, (NUM_USER_FEATURES, EMBEDDING_DIM), dtype=jnp.float32) * 0.02
    return {"user_feature_ids": user_feature_ids, "embedding_weight": embedding_weight}


def reference(user_feature_ids, embedding_weight):
    # nn.Embedding lookup: gather rows of the table
    user_embeddings = jnp.take(embedding_weight, user_feature_ids, axis=0)  # [B, F, D]
    user_embedding_sum = jnp.sum(user_embeddings, axis=1)  # [B, D]
    ones = jnp.ones((user_embedding_sum.shape[0], 1), dtype=user_embedding_sum.dtype)
    user_vector = jnp.concatenate([ones, user_embedding_sum], axis=1)  # [B, 1+D]
    return user_vector

if __name__ == "__main__":
    import jax
    _d = setup_inputs()
    print(jax.jit(kernel)(*tuple(_d.values())))

</pallas_src>

<mosaic_0001>
#map = affine_map<(d0, d1) -> (0, 0)>
#map1 = affine_map<(d0, d1) -> (0)>
module attributes {stable_mosaic.version = 14 : i64} {
  func.func @sc_kernel(%arg0: i32, %arg1: i32, %arg2: memref<26x4096xi32, #tpu.memory_space<hbm>>, %arg3: memref<2162688x16xf32, #tpu.memory_space<hbm>>, %arg4: memref<135168xf32, #tpu.memory_space<hbm>>, %arg5: memref<26x128xi32, #tpu.memory_space<vmem>>, %arg6: memref<26x128xi32, #tpu.memory_space<vmem>>, %arg7: memref<26x128xi32, #tpu.memory_space<vmem>>, %arg8: memref<128x16xf32, #tpu.memory_space<vmem>>, %arg9: memref<128x16xf32, #tpu.memory_space<vmem>>, %arg10: memref<128x16xf32, #tpu.memory_space<vmem>>, %arg11: memref<128x16xf32, #tpu.memory_space<vmem>>, %arg12: memref<128x16xf32, #tpu.memory_space<vmem>>, %arg13: memref<128x16xf32, #tpu.memory_space<vmem>>, %arg14: memref<128x16xf32, #tpu.memory_space<vmem>>, %arg15: memref<128x16xf32, #tpu.memory_space<vmem>>, %arg16: memref<128x16xf32, #tpu.memory_space<vmem>>, %arg17: memref<128x16xf32, #tpu.memory_space<vmem>>, %arg18: memref<128x16xf32, #tpu.memory_space<vmem>>, %arg19: memref<128x16xf32, #tpu.memory_space<vmem>>, %arg20: memref<4224xf32, #tpu.memory_space<vmem>>, %arg21: memref<!tpu.dma_semaphore, #tpu.memory_space<semaphore_mem>>, %arg22: memref<!tpu.dma_semaphore, #tpu.memory_space<semaphore_mem>>) attributes {dimension_semantics = [#tpu.dimension_semantics<core_parallel>, #tpu.dimension_semantics<subcore_parallel>], iteration_bounds = array<i64: 2, 16>, scalar_prefetch = 0 : i64, scratch_operands = 18 : i64, tpu.core_type = #tpu.core_type<sc_vector_subcore>, window_params = [{transform_indices = #map}, {transform_indices = #map}, {transform_indices = #map1}]} {
    %mul3A = arith.constant 2 : i32
    %mul3A_0 = arith.muli %arg1, %mul3A : i32
    %add3A = arith.addi %mul3A_0, %arg0 : i32
    %mul3A_1 = arith.constant 128 : i32
    %mul3A_2 = arith.muli %add3A, %mul3A_1 : i32
    "tpu.region"() ({
      %run_scoped3A = tpu.sem_alloc : memref<!tpu.dma_semaphore, #tpu.memory_space<semaphore_mem>>
      %dma_start3A_790 = arith.constant 0 : i32
      %dma_start3A_791 = tpu.memref_slice %arg2[%dma_start3A_790, %mul3A_2] : memref<26x4096xi32, #tpu.memory_space<hbm>> -> memref<26x128xi32, #tpu.memory_space<hbm>>
      %dma_start3A_792 = arith.constant 0 : i32
      %dma_start3A_793 = tpu.memref_slice %arg2[%dma_start3A_792, %mul3A_2] : memref<26x4096xi32, #tpu.memory_space<hbm>> -> memref<26x128xi32, #tpu.memory_space<hbm>>
      tpu.enqueue_dma source(%dma_start3A_793 : memref<26x128xi32, #tpu.memory_space<hbm>>) target(%arg5 : memref<26x128xi32, #tpu.memory_space<vmem>>) target_semaphore(%run_scoped3A : memref<!tpu.dma_semaphore, #tpu.memory_space<semaphore_mem>>)
      %dma_wait3A_794 = arith.constant 0 : i32
      %dma_wait3A_795 = tpu.memref_slice %arg2[%dma_wait3A_794, %mul3A_2] : memref<26x4096xi32, #tpu.memory_space<hbm>> -> memref<26x128xi32, #tpu.memory_space<hbm>>
      %dma_wait3A_796 = arith.constant 0 : i32
      %dma_wait3A_797 = tpu.memref_slice %arg2[%dma_wait3A_796, %mul3A_2] : memref<26x4096xi32, #tpu.memory_space<hbm>> -> memref<26x128xi32, #tpu.memory_space<hbm>>
      tpu.wait_dma2 semaphore(%run_scoped3A : memref<!tpu.dma_semaphore, #tpu.memory_space<semaphore_mem>>) src(%dma_wait3A_797 : memref<26x128xi32, #tpu.memory_space<hbm>>) dst(%arg5 : memref<26x128xi32, #tpu.memory_space<vmem>>)
      tpu.yield
    }) : () -> ()
    %scan3A = arith.constant 0 : i32
    %scan3A_3 = arith.constant 0 : i32
    %scan3A_4 = arith.constant 26 : i32
    %scan3A_5 = arith.addi %scan3A_3, %scan3A_4 : i32
    %scan3A_6 = arith.constant 1 : i32
    scf.for %scan3A_790 = %scan3A_3 to %scan3A_5 step %scan3A_6  : i32 {
      %get3A = arith.index_cast %scan3A_790 : i32 to index
      %get3A_791 = arith.constant 0 : index
      %get3A_792 = tpu.vector_load %arg5[%get3A, %get3A_791] {strides = array<i32>} : memref<26x128xi32, #tpu.memory_space<vmem>>, vector<1x16xi32>,
      %get3A_793 = vector.shape_cast %get3A_792 : vector<1x16xi32> to vector<16xi32>
      %broadcast_in_dim3A = arith.constant 1 : i32
      %broadcast_in_dim3A_794 = vector.broadcast %broadcast_in_dim3A : i32 to vector<16xi32>
      %broadcast_in_dim3A_795 = arith.constant 0 : i32
      %broadcast_in_dim3A_796 = vector.broadcast %broadcast_in_dim3A_795 : i32 to vector<16xi32>
      %ge3A = arith.constant 245760 : i32
      %ge3A_797 = vector.broadcast %ge3A : i32 to vector<16xi32>
      %ge3A_798 = arith.cmpi sge, %get3A_793, %ge3A_797 : vector<16xi32>
      %select_n3A = arith.select %ge3A_798, %broadcast_in_dim3A_794, %broadcast_in_dim3A_796 : vector<16xi1>, vector<16xi32>
      %ge3A_799 = arith.constant 491520 : i32
      %ge3A_800 = vector.broadcast %ge3A_799 : i32 to vector<16xi32>
      %ge3A_801 = arith.cmpi sge, %get3A_793, %ge3A_800 : vector<16xi32>
      %select_n3A_802 = arith.select %ge3A_801, %broadcast_in_dim3A_794, %broadcast_in_dim3A_796 : vector<16xi1>, vector<16xi32>
      %add3A_803 = arith.addi %select_n3A, %select_n3A_802 : vector<16xi32>
      %ge3A_804 = arith.constant 737280 : i32
      %ge3A_805 = vector.broadcast %ge3A_804 : i32 to vector<16xi32>
      %ge3A_806 = arith.cmpi sge, %get3A_793, %ge3A_805 : vector<16xi32>
      %select_n3A_807 = arith.select %ge3A_806, %broadcast_in_dim3A_794, %broadcast_in_dim3A_796 : vector<16xi1>, vector<16xi32>
      %add3A_808 = arith.addi %add3A_803, %select_n3A_807 : vector<16xi32>
      %mul3A_809 = arith.constant 245760 : i32
      %mul3A_810 = vector.broadcast %mul3A_809 : i32 to vector<16xi32>
      %mul3A_811 = arith.muli %add3A_808, %mul3A_810 : vector<16xi32>
      %sub3A = arith.subi %get3A_793, %mul3A_811 : vector<16xi32>
      %shift_left3A = arith.constant 3 : i32
      %shift_left3A_812 = vector.broadcast %shift_left3A : i32 to vector<16xi32>
      %shift_left3A_813 = arith.shli %sub3A, %shift_left3A_812 : vector<16xi32>
      %shift_left3A_814 = arith.constant 1 : i32
      %shift_left3A_815 = vector.broadcast %shift_left3A_814 : i32 to vector<16xi32>
      %shift_left3A_816 = arith.shli %add3A_808, %shift_left3A_815 : vector<16xi32>
      %add3A_817 = arith.addi %shift_left3A_813, %shift_left3A_816 : vector<16xi32>
      %swap3A = arith.index_cast %scan3A_790 : i32 to index
      %swap3A_818 = arith.constant 0 : index
      %swap3A_819 = tpu.vector_load %arg6[%swap3A, %swap3A_818] {strides = array<i32>} : memref<26x128xi32, #tpu.memory_space<vmem>>, vector<1x16xi32>,
      %swap3A_820 = vector.shape_cast %swap3A_819 : vector<1x16xi32> to vector<16xi32>
      %swap3A_821 = vector.shape_cast %add3A_817 : vector<16xi32> to vector<1x16xi32>
      tpu.vector_store %arg6[%swap3A, %swap3A_818], %swap3A_821 {strides = array<i32>} : memref<26x128xi32, #tpu.memory_space<vmem>>, vector<1x16xi32>,
      %add3A_822 = arith.constant 1 : i32
      %add3A_823 = vector.broadcast %add3A_822 : i32 to vector<16xi32>
      %add3A_824 = arith.addi %add3A_817, %add3A_823 : vector<16xi32>
      %swap3A_825 = arith.index_cast %scan3A_790 : i32 to index
      %swap3A_826 = arith.constant 0 : index
      %swap3A_827 = tpu.vector_load %arg7[%swap3A_825, %swap3A_826] {strides = array<i32>} : memref<26x128xi32, #tpu.memory_space<vmem>>, vector<1x16xi32>,
      %swap3A_828 = vector.shape_cast %swap3A_827 : vector<1x16xi32> to vector<16xi32>
      %swap3A_829 = vector.shape_cast %add3A_824 : vector<16xi32> to vector<1x16xi32>
      tpu.vector_store %arg7[%swap3A_825, %swap3A_826], %swap3A_829 {strides = array<i32>} : memref<26x128xi32, #tpu.memory_space<vmem>>, vector<1x16xi32>,
      %get3A_830 = arith.index_cast %scan3A_790 : i32 to index
      %get3A_831 = arith.constant 16 : index
      %get3A_832 = tpu.vector_load %arg5[%get3A_830, %get3A_831] {strides = array<i32>} : memref<26x128xi32, #tpu.memory_space<vmem>>, vector<1x16xi32>,
      %get3A_833 = vector.shape_cast %get3A_832 : vector<1x16xi32> to vector<16xi32>
      %broadcast_in_dim3A_834 = arith.constant 1 : i32
      %broadcast_in_dim3A_835 = vector.broadcast %broadcast_in_dim3A_834 : i32 to vector<16xi32>
      %broadcast_in_dim3A_836 = arith.constant 0 : i32
      %broadcast_in_dim3A_837 = vector.broadcast %broadcast_in_dim3A_836 : i32 to vector<16xi32>
      %ge3A_838 = arith.constant 245760 : i32
      %ge3A_839 = vector.broadcast %ge3A_838 : i32 to vector<16xi32>
      %ge3A_840 = arith.cmpi sge, %get3A_833, %ge3A_839 : vector<16xi32>
      %select_n3A_841 = arith.select %ge3A_840, %broadcast_in_dim3A_835, %broadcast_in_dim3A_837 : vector<16xi1>, vector<16xi32>
      %ge3A_842 = arith.constant 491520 : i32
      %ge3A_843 = vector.broadcast %ge3A_842 : i32 to vector<16xi32>
      %ge3A_844 = arith.cmpi sge, %get3A_833, %ge3A_843 : vector<16xi32>
      %select_n3A_845 = arith.select %ge3A_844, %broadcast_in_dim3A_835, %broadcast_in_dim3A_837 : vector<16xi1>, vector<16xi32>
      %add3A_846 = arith.addi %select_n3A_841, %select_n3A_845 : vector<16xi32>
      %ge3A_847 = arith.constant 737280 : i32
      %ge3A_848 = vector.broadcast %ge3A_847 : i32 to vector<16xi32>
      %ge3A_849 = arith.cmpi sge, %get3A_833, %ge3A_848 : vector<16xi32>
      %select_n3A_850 = arith.select %ge3A_849, %broadcast_in_dim3A_835, %broadcast_in_dim3A_837 : vector<16xi1>, vector<16xi32>
      %add3A_851 = arith.addi %add3A_846, %select_n3A_850 : vector<16xi32>
      %mul3A_852 = arith.constant 245760 : i32
      %mul3A_853 = vector.broadcast %mul3A_852 : i32 to vector<16xi32>
      %mul3A_854 = arith.muli %add3A_851, %mul3A_853 : vector<16xi32>
      %sub3A_855 = arith.subi %get3A_833, %mul3A_854 : vector<16xi32>
      %shift_left3A_856 = arith.constant 3 : i32
      %shift_left3A_857 = vector.broadcast %shift_left3A_856 : i32 to vector<16xi32>
      %shift_left3A_858 = arith.shli %sub3A_855, %shift_left3A_857 : vector<16xi32>
      %shift_left3A_859 = arith.constant 1 : i32
      %shift_left3A_860 = vector.broadcast %shift_left3A_859 : i32 to vector<16xi32>
      %shift_left3A_861 = arith.shli %add3A_851, %shift_left3A_860 : vector<16xi32>
      %add3A_862 = arith.addi %shift_left3A_858, %shift_left3A_861 : vector<16xi32>
      %swap3A_863 = arith.index_cast %scan3A_790 : i32 to index
      %swap3A_864 = arith.constant 16 : index
      %swap3A_865 = tpu.vector_load %arg6[%swap3A_863, %swap3A_864] {strides = array<i32>} : memref<26x128xi32, #tpu.memory_space<vmem>>, vector<1x16xi32>,
      %swap3A_866 = vector.shape_cast %swap3A_865 : vector<1x16xi32> to vector<16xi32>
      %swap3A_867 = vector.shape_cast %add3A_862 : vector<16xi32> to vector<1x16xi32>
      tpu.vector_store %arg6[%swap3A_863, %swap3A_864], %swap3A_867 {strides = array<i32>} : memref<26x128xi32, #tpu.memory_space<vmem>>, vector<1x16xi32>,
      %add3A_868 = arith.constant 1 : i32
      %add3A_869 = vector.broadcast %add3A_868 : i32 to vector<16xi32>
      %add3A_870 = arith.addi %add3A_862, %add3A_869 : vector<16xi32>
      %swap3A_871 = arith.index_cast %scan3A_790 : i32 to index
      %swap3A_872 = arith.constant 16 : index
      %swap3A_873 = tpu.vector_load %arg7[%swap3A_871, %swap3A_872] {strides = array<i32>} : memref<26x128xi32, #tpu.memory_space<vmem>>, vector<1x16xi32>,
      %swap3A_874 = vector.shape_cast %swap3A_873 : vector<1x16xi32> to vector<16xi32>
      %swap3A_875 = vector.shape_cast %add3A_870 : vector<16xi32> to vector<1x16xi32>
      tpu.vector_store %arg7[%swap3A_871, %swap3A_872], %swap3A_875 {strides = array<i32>} : memref<26x128xi32, #tpu.memory_space<vmem>>, vector<1x16xi32>,
      %get3A_876 = arith.index_cast %scan3A_790 : i32 to index
      %get3A_877 = arith.constant 32 : index
      %get3A_878 = tpu.vector_load %arg5[%get3A_876, %get3A_877] {strides = array<i32>} : memref<26x128xi32, #tpu.memory_space<vmem>>, vector<1x16xi32>,
      %get3A_879 = vector.shape_cast %get3A_878 : vector<1x16xi32> to vector<16xi32>
      %broadcast_in_dim3A_880 = arith.constant 1 : i32
      %broadcast_in_dim3A_881 = vector.broadcast %broadcast_in_dim3A_880 : i32 to vector<16xi32>
      %broadcast_in_dim3A_882 = arith.constant 0 : i32
      %broadcast_in_dim3A_883 = vector.broadcast %broadcast_in_dim3A_882 : i32 to vector<16xi32>
      %ge3A_884 = arith.constant 245760 : i32
      %ge3A_885 = vector.broadcast %ge3A_884 : i32 to vector<16xi32>
      %ge3A_886 = arith.cmpi sge, %get3A_879, %ge3A_885 : vector<16xi32>
      %select_n3A_887 = arith.select %ge3A_886, %broadcast_in_dim3A_881, %broadcast_in_dim3A_883 : vector<16xi1>, vector<16xi32>
      %ge3A_888 = arith.constant 491520 : i32
      %ge3A_889 = vector.broadcast %ge3A_888 : i32 to vector<16xi32>
      %ge3A_890 = arith.cmpi sge, %get3A_879, %ge3A_889 : vector<16xi32>
      %select_n3A_891 = arith.select %ge3A_890, %broadcast_in_dim3A_881, %broadcast_in_dim3A_883 : vector<16xi1>, vector<16xi32>
      %add3A_892 = arith.addi %select_n3A_887, %select_n3A_891 : vector<16xi32>
      %ge3A_893 = arith.constant 737280 : i32
      %ge3A_894 = vector.broadcast %ge3A_893 : i32 to vector<16xi32>
      %ge3A_895 = arith.cmpi sge, %get3A_879, %ge3A_894 : vector<16xi32>
      %select_n3A_896 = arith.select %ge3A_895, %broadcast_in_dim3A_881, %broadcast_in_dim3A_883 : vector<16xi1>, vector<16xi32>
      %add3A_897 = arith.addi %add3A_892, %select_n3A_896 : vector<16xi32>
      %mul3A_898 = arith.constant 245760 : i32
      %mul3A_899 = vector.broadcast %mul3A_898 : i32 to vector<16xi32>
      %mul3A_900 = arith.muli %add3A_897, %mul3A_899 : vector<16xi32>
      %sub3A_901 = arith.subi %get3A_879, %mul3A_900 : vector<16xi32>
      %shift_left3A_902 = arith.constant 3 : i32
      %shift_left3A_903 = vector.broadcast %shift_left3A_902 : i32 to vector<16xi32>
      %shift_left3A_904 = arith.shli %sub3A_901, %shift_left3A_903 : vector<16xi32>
      %shift_left3A_905 = arith.constant 1 : i32
      %shift_left3A_906 = vector.broadcast %shift_left3A_905 : i32 to vector<16xi32>
      %shift_left3A_907 = arith.shli %add3A_897, %shift_left3A_906 : vector<16xi32>
      %add3A_908 = arith.addi %shift_left3A_904, %shift_left3A_907 : vector<16xi32>
      %swap3A_909 = arith.index_cast %scan3A_790 : i32 to index
      %swap3A_910 = arith.constant 32 : index
      %swap3A_911 = tpu.vector_load %arg6[%swap3A_909, %swap3A_910] {strides = array<i32>} : memref<26x128xi32, #tpu.memory_space<vmem>>, vector<1x16xi32>,
      %swap3A_912 = vector.shape_cast %swap3A_911 : vector<1x16xi32> to vector<16xi32>
      %swap3A_913 = vector.shape_cast %add3A_908 : vector<16xi32> to vector<1x16xi32>
      tpu.vector_store %arg6[%swap3A_909, %swap3A_910], %swap3A_913 {strides = array<i32>} : memref<26x128xi32, #tpu.memory_space<vmem>>, vector<1x16xi32>,
      %add3A_914 = arith.constant 1 : i32
      %add3A_915 = vector.broadcast %add3A_914 : i32 to vector<16xi32>
      %add3A_916 = arith.addi %add3A_908, %add3A_915 : vector<16xi32>
      %swap3A_917 = arith.index_cast %scan3A_790 : i32 to index
      %swap3A_918 = arith.constant 32 : index
      %swap3A_919 = tpu.vector_load %arg7[%swap3A_917, %swap3A_918] {strides = array<i32>} : memref<26x128xi32, #tpu.memory_space<vmem>>, vector<1x16xi32>,
      %swap3A_920 = vector.shape_cast %swap3A_919 : vector<1x16xi32> to vector<16xi32>
      %swap3A_921 = vector.shape_cast %add3A_916 : vector<16xi32> to vector<1x16xi32>
      tpu.vector_store %arg7[%swap3A_917, %swap3A_918], %swap3A_921 {strides = array<i32>} : memref<26x128xi32, #tpu.memory_space<vmem>>, vector<1x16xi32>,
      %get3A_922 = arith.index_cast %scan3A_790 : i32 to index
      %get3A_923 = arith.constant 48 : index
      %get3A_924 = tpu.vector_load %arg5[%get3A_922, %get3A_923] {strides = array<i32>} : memref<26x128xi32, #tpu.memory_space<vmem>>, vector<1x16xi32>,
      %get3A_925 = vector.shape_cast %get3A_924 : vector<1x16xi32> to vector<16xi32>
      %broadcast_in_dim3A_926 = arith.constant 1 : i32
      %broadcast_in_dim3A_927 = vector.broadcast %broadcast_in_dim3A_926 : i32 to vector<16xi32>
      %broadcast_in_dim3A_928 = arith.constant 0 : i32
      %broadcast_in_dim3A_929 = vector.broadcast %broadcast_in_dim3A_928 : i32 to vector<16xi32>
      %ge3A_930 = arith.constant 245760 : i32
      %ge3A_931 = vector.broadcast %ge3A_930 : i32 to vector<16xi32>
      %ge3A_932 = arith.cmpi sge, %get3A_925, %ge3A_931 : vector<16xi32>
      %select_n3A_933 = arith.select %ge3A_932, %broadcast_in_dim3A_927, %broadcast_in_dim3A_929 : vector<16xi1>, vector<16xi32>
      %ge3A_934 = arith.constant 491520 : i32
      %ge3A_935 = vector.broadcast %ge3A_934 : i32 to vector<16xi32>
      %ge3A_936 = arith.cmpi sge, %get3A_925, %ge3A_935 : vector<16xi32>
      %select_n3A_937 = arith.select %ge3A_936, %broadcast_in_dim3A_927, %broadcast_in_dim3A_929 : vector<16xi1>, vector<16xi32>
      %add3A_938 = arith.addi %select_n3A_933, %select_n3A_937 : vector<16xi32>
      %ge3A_939 = arith.constant 737280 : i32
      %ge3A_940 = vector.broadcast %ge3A_939 : i32 to vector<16xi32>
      %ge3A_941 = arith.cmpi sge, %get3A_925, %ge3A_940 : vector<16xi32>
      %select_n3A_942 = arith.select %ge3A_941, %broadcast_in_dim3A_927, %broadcast_in_dim3A_929 : vector<16xi1>, vector<16xi32>
      %add3A_943 = arith.addi %add3A_938, %select_n3A_942 : vector<16xi32>
      %mul3A_944 = arith.constant 245760 : i32
      %mul3A_945 = vector.broadcast %mul3A_944 : i32 to vector<16xi32>
      %mul3A_946 = arith.muli %add3A_943, %mul3A_945 : vector<16xi32>
      %sub3A_947 = arith.subi %get3A_925, %mul3A_946 : vector<16xi32>
      %shift_left3A_948 = arith.constant 3 : i32
      %shift_left3A_949 = vector.broadcast %shift_left3A_948 : i32 to vector<16xi32>
      %shift_left3A_950 = arith.shli %sub3A_947, %shift_left3A_949 : vector<16xi32>
      %shift_left3A_951 = arith.constant 1 : i32
      %shift_left3A_952 = vector.broadcast %shift_left3A_951 : i32 to vector<16xi32>
      %shift_left3A_953 = arith.shli %add3A_943, %shift_left3A_952 : vector<16xi32>
      %add3A_954 = arith.addi %shift_left3A_950, %shift_left3A_953 : vector<16xi32>
      %swap3A_955 = arith.index_cast %scan3A_790 : i32 to index
      %swap3A_956 = arith.constant 48 : index
      %swap3A_957 = tpu.vector_load %arg6[%swap3A_955, %swap3A_956] {strides = array<i32>} : memref<26x128xi32, #tpu.memory_space<vmem>>, vector<1x16xi32>,
      %swap3A_958 = vector.shape_cast %swap3A_957 : vector<1x16xi32> to vector<16xi32>
      %swap3A_959 = vector.shape_cast %add3A_954 : vector<16xi32> to vector<1x16xi32>
      tpu.vector_store %arg6[%swap3A_955, %swap3A_956], %swap3A_959 {strides = array<i32>} : memref<26x128xi32, #tpu.memory_space<vmem>>, vector<1x16xi32>,
      %add3A_960 = arith.constant 1 : i32
      %add3A_961 = vector.broadcast %add3A_960 : i32 to vector<16xi32>
      %add3A_962 = arith.addi %add3A_954, %add3A_961 : vector<16xi32>
      %swap3A_963 = arith.index_cast %scan3A_790 : i32 to index
      %swap3A_964 = arith.constant 48 : index
      %swap3A_965 = tpu.vector_load %arg7[%swap3A_963, %swap3A_964] {strides = array<i32>} : memref<26x128xi32, #tpu.memory_space<vmem>>, vector<1x16xi32>,
      %swap3A_966 = vector.shape_cast %swap3A_965 : vector<1x16xi32> to vector<16xi32>
      %swap3A_967 = vector.shape_cast %add3A_962 : vector<16xi32> to vector<1x16xi32>
      tpu.vector_store %arg7[%swap3A_963, %swap3A_964], %swap3A_967 {strides = array<i32>} : memref<26x128xi32, #tpu.memory_space<vmem>>, vector<1x16xi32>,
      %get3A_968 = arith.index_cast %scan3A_790 : i32 to index
      %get3A_969 = arith.constant 64 : index
      %get3A_970 = tpu.vector_load %arg5[%get3A_968, %get3A_969] {strides = array<i32>} : memref<26x128xi32, #tpu.memory_space<vmem>>, vector<1x16xi32>,
      %get3A_971 = vector.shape_cast %get3A_970 : vector<1x16xi32> to vector<16xi32>
      %broadcast_in_dim3A_972 = arith.constant 1 : i32
      %broadcast_in_dim3A_973 = vector.broadcast %broadcast_in_dim3A_972 : i32 to vector<16xi32>
      %broadcast_in_dim3A_974 = arith.constant 0 : i32
      %broadcast_in_dim3A_975 = vector.broadcast %broadcast_in_dim3A_974 : i32 to vector<16xi32>
      %ge3A_976 = arith.constant 245760 : i32
      %ge3A_977 = vector.broadcast %ge3A_976 : i32 to vector<16xi32>
      %ge3A_978 = arith.cmpi sge, %get3A_971, %ge3A_977 : vector<16xi32>
      %select_n3A_979 = arith.select %ge3A_978, %broadcast_in_dim3A_973, %broadcast_in_dim3A_975 : vector<16xi1>, vector<16xi32>
      %ge3A_980 = arith.constant 491520 : i32
      %ge3A_981 = vector.broadcast %ge3A_980 : i32 to vector<16xi32>
      %ge3A_982 = arith.cmpi sge, %get3A_971, %ge3A_981 : vector<16xi32>
      %select_n3A_983 = arith.select %ge3A_982, %broadcast_in_dim3A_973, %broadcast_in_dim3A_975 : vector<16xi1>, vector<16xi32>
      %add3A_984 = arith.addi %select_n3A_979, %select_n3A_983 : vector<16xi32>
      %ge3A_985 = arith.constant 737280 : i32
      %ge3A_986 = vector.broadcast %ge3A_985 : i32 to vector<16xi32>
      %ge3A_987 = arith.cmpi sge, %get3A_971, %ge3A_986 : vector<16xi32>
      %select_n3A_988 = arith.select %ge3A_987, %broadcast_in_dim3A_973, %broadcast_in_dim3A_975 : vector<16xi1>, vector<16xi32>
      %add3A_989 = arith.addi %add3A_984, %select_n3A_988 : vector<16xi32>
      %mul3A_990 = arith.constant 245760 : i32
      %mul3A_991 = vector.broadcast %mul3A_990 : i32 to vector<16xi32>
      %mul3A_992 = arith.muli %add3A_989, %mul3A_991 : vector<16xi32>
      %sub3A_993 = arith.subi %get3A_971, %mul3A_992 : vector<16xi32>
      %shift_left3A_994 = arith.constant 3 : i32
      %shift_left3A_995 = vector.broadcast %shift_left3A_994 : i32 to vector<16xi32>
      %shift_left3A_996 = arith.shli %sub3A_993, %shift_left3A_995 : vector<16xi32>
      %shift_left3A_997 = arith.constant 1 : i32
      %shift_left3A_998 = vector.broadcast %shift_left3A_997 : i32 to vector<16xi32>
      %shift_left3A_999 = arith.shli %add3A_989, %shift_left3A_998 : vector<16xi32>
      %add3A_1000 = arith.addi %shift_left3A_996, %shift_left3A_999 : vector<16xi32>
      %swap3A_1001 = arith.index_cast %scan3A_790 : i32 to index
      %swap3A_1002 = arith.constant 64 : index
      %swap3A_1003 = tpu.vector_load %arg6[%swap3A_1001, %swap3A_1002] {strides = array<i32>} : memref<26x128xi32, #tpu.memory_space<vmem>>, vector<1x16xi32>,
      %swap3A_1004 = vector.shape_cast %swap3A_1003 : vector<1x16xi32> to vector<16xi32>
      %swap3A_1005 = vector.shape_cast %add3A_1000 : vector<16xi32> to vector<1x16xi32>
      tpu.vector_store %arg6[%swap3A_1001, %swap3A_1002], %swap3A_1005 {strides = array<i32>} : memref<26x128xi32, #tpu.memory_space<vmem>>, vector<1x16xi32>,
      %add3A_1006 = arith.constant 1 : i32
      %add3A_1007 = vector.broadcast %add3A_1006 : i32 to vector<16xi32>
      %add3A_1008 = arith.addi %add3A_1000, %add3A_1007 : vector<16xi32>
      %swap3A_1009 = arith.index_cast %scan3A_790 : i32 to index
      %swap3A_1010 = arith.constant 64 : index
      %swap3A_1011 = tpu.vector_load %arg7[%swap3A_1009, %swap3A_1010] {strides = array<i32>} : memref<26x128xi32, #tpu.memory_space<vmem>>, vector<1x16xi32>,
      %swap3A_1012 = vector.shape_cast %swap3A_1011 : vector<1x16xi32> to vector<16xi32>
      %swap3A_1013 = vector.shape_cast %add3A_1008 : vector<16xi32> to vector<1x16xi32>
      tpu.vector_store %arg7[%swap3A_1009, %swap3A_1010], %swap3A_1013 {strides = array<i32>} : memref<26x128xi32, #tpu.memory_space<vmem>>, vector<1x16xi32>,
      %get3A_1014 = arith.index_cast %scan3A_790 : i32 to index
      %get3A_1015 = arith.constant 80 : index
      %get3A_1016 = tpu.vector_load %arg5[%get3A_1014, %get3A_1015] {strides = array<i32>} : memref<26x128xi32, #tpu.memory_space<vmem>>, vector<1x16xi32>,
      %get3A_1017 = vector.shape_cast %get3A_1016 : vector<1x16xi32> to vector<16xi32>
      %broadcast_in_dim3A_1018 = arith.constant 1 : i32
      %broadcast_in_dim3A_1019 = vector.broadcast %broadcast_in_dim3A_1018 : i32 to vector<16xi32>
      %broadcast_in_dim3A_1020 = arith.constant 0 : i32
      %broadcast_in_dim3A_1021 = vector.broadcast %broadcast_in_dim3A_1020 : i32 to vector<16xi32>
      %ge3A_1022 = arith.constant 245760 : i32
      %ge3A_1023 = vector.broadcast %ge3A_1022 : i32 to vector<16xi32>
      %ge3A_1024 = arith.cmpi sge, %get3A_1017, %ge3A_1023 : vector<16xi32>
      %select_n3A_1025 = arith.select %ge3A_1024, %broadcast_in_dim3A_1019, %broadcast_in_dim3A_1021 : vector<16xi1>, vector<16xi32>
      %ge3A_1026 = arith.constant 491520 : i32
      %ge3A_1027 = vector.broadcast %ge3A_1026 : i32 to vector<16xi32>
      %ge3A_1028 = arith.cmpi sge, %get3A_1017, %ge3A_1027 : vector<16xi32>
      %select_n3A_1029 = arith.select %ge3A_1028, %broadcast_in_dim3A_1019, %broadcast_in_dim3A_1021 : vector<16xi1>, vector<16xi32>
      %add3A_1030 = arith.addi %select_n3A_1025, %select_n3A_1029 : vector<16xi32>
      %ge3A_1031 = arith.constant 737280 : i32
      %ge3A_1032 = vector.broadcast %ge3A_1031 : i32 to vector<16xi32>
      %ge3A_1033 = arith.cmpi sge, %get3A_1017, %ge3A_1032 : vector<16xi32>
      %select_n3A_1034 = arith.select %ge3A_1033, %broadcast_in_dim3A_1019, %broadcast_in_dim3A_1021 : vector<16xi1>, vector<16xi32>
      %add3A_1035 = arith.addi %add3A_1030, %select_n3A_1034 : vector<16xi32>
      %mul3A_1036 = arith.constant 245760 : i32
      %mul3A_1037 = vector.broadcast %mul3A_1036 : i32 to vector<16xi32>
      %mul3A_1038 = arith.muli %add3A_1035, %mul3A_1037 : vector<16xi32>
      %sub3A_1039 = arith.subi %get3A_1017, %mul3A_1038 : vector<16xi32>
      %shift_left3A_1040 = arith.constant 3 : i32
      %shift_left3A_1041 = vector.broadcast %shift_left3A_1040 : i32 to vector<16xi32>
      %shift_left3A_1042 = arith.shli %sub3A_1039, %shift_left3A_1041 : vector<16xi32>
      %shift_left3A_1043 = arith.constant 1 : i32
      %shift_left3A_1044 = vector.broadcast %shift_left3A_1043 : i32 to vector<16xi32>
      %shift_left3A_1045 = arith.shli %add3A_1035, %shift_left3A_1044 : vector<16xi32>
      %add3A_1046 = arith.addi %shift_left3A_1042, %shift_left3A_1045 : vector<16xi32>
      %swap3A_1047 = arith.index_cast %scan3A_790 : i32 to index
      %swap3A_1048 = arith.constant 80 : index
      %swap3A_1049 = tpu.vector_load %arg6[%swap3A_1047, %swap3A_1048] {strides = array<i32>} : memref<26x128xi32, #tpu.memory_space<vmem>>, vector<1x16xi32>,
      %swap3A_1050 = vector.shape_cast %swap3A_1049 : vector<1x16xi32> to vector<16xi32>
      %swap3A_1051 = vector.shape_cast %add3A_1046 : vector<16xi32> to vector<1x16xi32>
      tpu.vector_store %arg6[%swap3A_1047, %swap3A_1048], %swap3A_1051 {strides = array<i32>} : memref<26x128xi32, #tpu.memory_space<vmem>>, vector<1x16xi32>,
      %add3A_1052 = arith.constant 1 : i32
      %add3A_1053 = vector.broadcast %add3A_1052 : i32 to vector<16xi32>
      %add3A_1054 = arith.addi %add3A_1046, %add3A_1053 : vector<16xi32>
      %swap3A_1055 = arith.index_cast %scan3A_790 : i32 to index
      %swap3A_1056 = arith.constant 80 : index
      %swap3A_1057 = tpu.vector_load %arg7[%swap3A_1055, %swap3A_1056] {strides = array<i32>} : memref<26x128xi32, #tpu.memory_space<vmem>>, vector<1x16xi32>,
      %swap3A_1058 = vector.shape_cast %swap3A_1057 : vector<1x16xi32> to vector<16xi32>
      %swap3A_1059 = vector.shape_cast %add3A_1054 : vector<16xi32> to vector<1x16xi32>
      tpu.vector_store %arg7[%swap3A_1055, %swap3A_1056], %swap3A_1059 {strides = array<i32>} : memref<26x128xi32, #tpu.memory_space<vmem>>, vector<1x16xi32>,
      %get3A_1060 = arith.index_cast %scan3A_790 : i32 to index
      %get3A_1061 = arith.constant 96 : index
      %get3A_1062 = tpu.vector_load %arg5[%get3A_1060, %get3A_1061] {strides = array<i32>} : memref<26x128xi32, #tpu.memory_space<vmem>>, vector<1x16xi32>,
      %get3A_1063 = vector.shape_cast %get3A_1062 : vector<1x16xi32> to vector<16xi32>
      %broadcast_in_dim3A_1064 = arith.constant 1 : i32
      %broadcast_in_dim3A_1065 = vector.broadcast %broadcast_in_dim3A_1064 : i32 to vector<16xi32>
      %broadcast_in_dim3A_1066 = arith.constant 0 : i32
      %broadcast_in_dim3A_1067 = vector.broadcast %broadcast_in_dim3A_1066 : i32 to vector<16xi32>
      %ge3A_1068 = arith.constant 245760 : i32
      %ge3A_1069 = vector.broadcast %ge3A_1068 : i32 to vector<16xi32>
      %ge3A_1070 = arith.cmpi sge, %get3A_1063, %ge3A_1069 : vector<16xi32>
      %select_n3A_1071 = arith.select %ge3A_1070, %broadcast_in_dim3A_1065, %broadcast_in_dim3A_1067 : vector<16xi1>, vector<16xi32>
      %ge3A_1072 = arith.constant 491520 : i32
      %ge3A_1073 = vector.broadcast %ge3A_1072 : i32 to vector<16xi32>
      %ge3A_1074 = arith.cmpi sge, %get3A_1063, %ge3A_1073 : vector<16xi32>
      %select_n3A_1075 = arith.select %ge3A_1074, %broadcast_in_dim3A_1065, %broadcast_in_dim3A_1067 : vector<16xi1>, vector<16xi32>
      %add3A_1076 = arith.addi %select_n3A_1071, %select_n3A_1075 : vector<16xi32>
      %ge3A_1077 = arith.constant 737280 : i32
      %ge3A_1078 = vector.broadcast %ge3A_1077 : i32 to vector<16xi32>
      %ge3A_1079 = arith.cmpi sge, %get3A_1063, %ge3A_1078 : vector<16xi32>
      %select_n3A_1080 = arith.select %ge3A_1079, %broadcast_in_dim3A_1065, %broadcast_in_dim3A_1067 : vector<16xi1>, vector<16xi32>
      %add3A_1081 = arith.addi %add3A_1076, %select_n3A_1080 : vector<16xi32>
      %mul3A_1082 = arith.constant 245760 : i32
      %mul3A_1083 = vector.broadcast %mul3A_1082 : i32 to vector<16xi32>
      %mul3A_1084 = arith.muli %add3A_1081, %mul3A_1083 : vector<16xi32>
      %sub3A_1085 = arith.subi %get3A_1063, %mul3A_1084 : vector<16xi32>
      %shift_left3A_1086 = arith.constant 3 : i32
      %shift_left3A_1087 = vector.broadcast %shift_left3A_1086 : i32 to vector<16xi32>
      %shift_left3A_1088 = arith.shli %sub3A_1085, %shift_left3A_1087 : vector<16xi32>
      %shift_left3A_1089 = arith.constant 1 : i32
      %shift_left3A_1090 = vector.broadcast %shift_left3A_1089 : i32 to vector<16xi32>
      %shift_left3A_1091 = arith.shli %add3A_1081, %shift_left3A_1090 : vector<16xi32>
      %add3A_1092 = arith.addi %shift_left3A_1088, %shift_left3A_1091 : vector<16xi32>
      %swap3A_1093 = arith.index_cast %scan3A_790 : i32 to index
      %swap3A_1094 = arith.constant 96 : index
      %swap3A_1095 = tpu.vector_load %arg6[%swap3A_1093, %swap3A_1094] {strides = array<i32>} : memref<26x128xi32, #tpu.memory_space<vmem>>, vector<1x16xi32>,
      %swap3A_1096 = vector.shape_cast %swap3A_1095 : vector<1x16xi32> to vector<16xi32>
      %swap3A_1097 = vector.shape_cast %add3A_1092 : vector<16xi32> to vector<1x16xi32>
      tpu.vector_store %arg6[%swap3A_1093, %swap3A_1094], %swap3A_1097 {strides = array<i32>} : memref<26x128xi32, #tpu.memory_space<vmem>>, vector<1x16xi32>,
      %add3A_1098 = arith.constant 1 : i32
      %add3A_1099 = vector.broadcast %add3A_1098 : i32 to vector<16xi32>
      %add3A_1100 = arith.addi %add3A_1092, %add3A_1099 : vector<16xi32>
      %swap3A_1101 = arith.index_cast %scan3A_790 : i32 to index
      %swap3A_1102 = arith.constant 96 : index
      %swap3A_1103 = tpu.vector_load %arg7[%swap3A_1101, %swap3A_1102] {strides = array<i32>} : memref<26x128xi32, #tpu.memory_space<vmem>>, vector<1x16xi32>,
      %swap3A_1104 = vector.shape_cast %swap3A_1103 : vector<1x16xi32> to vector<16xi32>
      %swap3A_1105 = vector.shape_cast %add3A_1100 : vector<16xi32> to vector<1x16xi32>
      tpu.vector_store %arg7[%swap3A_1101, %swap3A_1102], %swap3A_1105 {strides = array<i32>} : memref<26x128xi32, #tpu.memory_space<vmem>>, vector<1x16xi32>,
      %get3A_1106 = arith.index_cast %scan3A_790 : i32 to index
      %get3A_1107 = arith.constant 112 : index
      %get3A_1108 = tpu.vector_load %arg5[%get3A_1106, %get3A_1107] {strides = array<i32>} : memref<26x128xi32, #tpu.memory_space<vmem>>, vector<1x16xi32>,
      %get3A_1109 = vector.shape_cast %get3A_1108 : vector<1x16xi32> to vector<16xi32>
      %broadcast_in_dim3A_1110 = arith.constant 1 : i32
      %broadcast_in_dim3A_1111 = vector.broadcast %broadcast_in_dim3A_1110 : i32 to vector<16xi32>
      %broadcast_in_dim3A_1112 = arith.constant 0 : i32
      %broadcast_in_dim3A_1113 = vector.broadcast %broadcast_in_dim3A_1112 : i32 to vector<16xi32>
      %ge3A_1114 = arith.constant 245760 : i32
      %ge3A_1115 = vector.broadcast %ge3A_1114 : i32 to vector<16xi32>
      %ge3A_1116 = arith.cmpi sge, %get3A_1109, %ge3A_1115 : vector<16xi32>
      %select_n3A_1117 = arith.select %ge3A_1116, %broadcast_in_dim3A_1111, %broadcast_in_dim3A_1113 : vector<16xi1>, vector<16xi32>
      %ge3A_1118 = arith.constant 491520 : i32
      %ge3A_1119 = vector.broadcast %ge3A_1118 : i32 to vector<16xi32>
      %ge3A_1120 = arith.cmpi sge, %get3A_1109, %ge3A_1119 : vector<16xi32>
      %select_n3A_1121 = arith.select %ge3A_1120, %broadcast_in_dim3A_1111, %broadcast_in_dim3A_1113 : vector<16xi1>, vector<16xi32>
      %add3A_1122 = arith.addi %select_n3A_1117, %select_n3A_1121 : vector<16xi32>
      %ge3A_1123 = arith.constant 737280 : i32
      %ge3A_1124 = vector.broadcast %ge3A_1123 : i32 to vector<16xi32>
      %ge3A_1125 = arith.cmpi sge, %get3A_1109, %ge3A_1124 : vector<16xi32>
      %select_n3A_1126 = arith.select %ge3A_1125, %broadcast_in_dim3A_1111, %broadcast_in_dim3A_1113 : vector<16xi1>, vector<16xi32>
      %add3A_1127 = arith.addi %add3A_1122, %select_n3A_1126 : vector<16xi32>
      %mul3A_1128 = arith.constant 245760 : i32
      %mul3A_1129 = vector.broadcast %mul3A_1128 : i32 to vector<16xi32>
      %mul3A_1130 = arith.muli %add3A_1127, %mul3A_1129 : vector<16xi32>
      %sub3A_1131 = arith.subi %get3A_1109, %mul3A_1130 : vector<16xi32>
      %shift_left3A_1132 = arith.constant 3 : i32
      %shift_left3A_1133 = vector.broadcast %shift_left3A_1132 : i32 to vector<16xi32>
      %shift_left3A_1134 = arith.shli %sub3A_1131, %shift_left3A_1133 : vector<16xi32>
      %shift_left3A_1135 = arith.constant 1 : i32
      %shift_left3A_1136 = vector.broadcast %shift_left3A_1135 : i32 to vector<16xi32>
      %shift_left3A_1137 = arith.shli %add3A_1127, %shift_left3A_1136 : vector<16xi32>
      %add3A_1138 = arith.addi %shift_left3A_1134, %shift_left3A_1137 : vector<16xi32>
      %swap3A_1139 = arith.index_cast %scan3A_790 : i32 to index
      %swap3A_1140 = arith.constant 112 : index
      %swap3A_1141 = tpu.vector_load %arg6[%swap3A_1139, %swap3A_1140] {strides = array<i32>} : memref<26x128xi32, #tpu.memory_space<vmem>>, vector<1x16xi32>,
      %swap3A_1142 = vector.shape_cast %swap3A_1141 : vector<1x16xi32> to vector<16xi32>
      %swap3A_1143 = vector.shape_cast %add3A_1138 : vector<16xi32> to vector<1x16xi32>
      tpu.vector_store %arg6[%swap3A_1139, %swap3A_1140], %swap3A_1143 {strides = array<i32>} : memref<26x128xi32, #tpu.memory_space<vmem>>, vector<1x16xi32>,
      %add3A_1144 = arith.constant 1 : i32
      %add3A_1145 = vector.broadcast %add3A_1144 : i32 to vector<16xi32>
      %add3A_1146 = arith.addi %add3A_1138, %add3A_1145 : vector<16xi32>
      %swap3A_1147 = arith.index_cast %scan3A_790 : i32 to index
      %swap3A_1148 = arith.constant 112 : index
      %swap3A_1149 = tpu.vector_load %arg7[%swap3A_1147, %swap3A_1148] {strides = array<i32>} : memref<26x128xi32, #tpu.memory_space<vmem>>, vector<1x16xi32>,
      %swap3A_1150 = vector.shape_cast %swap3A_1149 : vector<1x16xi32> to vector<16xi32>
      %swap3A_1151 = vector.shape_cast %add3A_1146 : vector<16xi32> to vector<1x16xi32>
      tpu.vector_store %arg7[%swap3A_1147, %swap3A_1148], %swap3A_1151 {strides = array<i32>} : memref<26x128xi32, #tpu.memory_space<vmem>>, vector<1x16xi32>,
    }
    %scan3A_7 = arith.constant 26 : i32
    %dma_start3A = arith.constant 0 : i32
    %dma_start3A_8 = arith.constant 0 : i32
    %dma_start3A_9 = tpu.memref_slice %arg6[%dma_start3A, %dma_start3A_8] : memref<26x128xi32, #tpu.memory_space<vmem>> -> memref<1x128xi32, #tpu.memory_space<vmem>>
    %dma_start3A_10 = tpu.memref_squeeze %dma_start3A_9 : memref<1x128xi32, #tpu.memory_space<vmem>> -> memref<128xi32, #tpu.memory_space<vmem>>
    %dma_start3A_11 = arith.constant 0 : i32
    %dma_start3A_12 = arith.constant 0 : i32
    %dma_start3A_13 = tpu.memref_slice %arg3[%dma_start3A_11, %dma_start3A_12] : memref<2162688x16xf32, #tpu.memory_space<hbm>> -> memref<2162688x16xf32, #tpu.memory_space<hbm>>
    tpu.enqueue_indirect_dma source(%dma_start3A_13 : memref<2162688x16xf32, #tpu.memory_space<hbm>>) target(%arg8 : memref<128x16xf32, #tpu.memory_space<vmem>>) offsets(%dma_start3A_10 : memref<128xi32, #tpu.memory_space<vmem>>) semaphore(%arg21 : memref<!tpu.dma_semaphore, #tpu.memory_space<semaphore_mem>>)
    %dma_start3A_14 = arith.constant 0 : i32
    %dma_start3A_15 = arith.constant 0 : i32
    %dma_start3A_16 = tpu.memref_slice %arg7[%dma_start3A_14, %dma_start3A_15] : memref<26x128xi32, #tpu.memory_space<vmem>> -> memref<1x128xi32, #tpu.memory_space<vmem>>
    %dma_start3A_17 = tpu.memref_squeeze %dma_start3A_16 : memref<1x128xi32, #tpu.memory_space<vmem>> -> memref<128xi32, #tpu.memory_space<vmem>>
    %dma_start3A_18 = arith.constant 0 : i32
    %dma_start3A_19 = arith.constant 0 : i32
    %dma_start3A_20 = tpu.memref_slice %arg3[%dma_start3A_18, %dma_start3A_19] : memref<2162688x16xf32, #tpu.memory_space<hbm>> -> memref<2162688x16xf32, #tpu.memory_space<hbm>>
    tpu.enqueue_indirect_dma source(%dma_start3A_20 : memref<2162688x16xf32, #tpu.memory_space<hbm>>) target(%arg9 : memref<128x16xf32, #tpu.memory_space<vmem>>) offsets(%dma_start3A_17 : memref<128xi32, #tpu.memory_space<vmem>>) semaphore(%arg21 : memref<!tpu.dma_semaphore, #tpu.memory_space<semaphore_mem>>)
    %dma_start3A_21 = arith.constant 1 : i32
    %dma_start3A_22 = arith.constant 0 : i32
    %dma_start3A_23 = tpu.memref_slice %arg6[%dma_start3A_21, %dma_start3A_22] : memref<26x128xi32, #tpu.memory_space<vmem>> -> memref<1x128xi32, #tpu.memory_space<vmem>>
    %dma_start3A_24 = tpu.memref_squeeze %dma_start3A_23 : memref<1x128xi32, #tpu.memory_space<vmem>> -> memref<128xi32, #tpu.memory_space<vmem>>
    %dma_start3A_25 = arith.constant 0 : i32
    %dma_start3A_26 = arith.constant 0 : i32
    %dma_start3A_27 = tpu.memref_slice %arg3[%dma_start3A_25, %dma_start3A_26] : memref<2162688x16xf32, #tpu.memory_space<hbm>> -> memref<2162688x16xf32, #tpu.memory_space<hbm>>
    tpu.enqueue_indirect_dma source(%dma_start3A_27 : memref<2162688x16xf32, #tpu.memory_space<hbm>>) target(%arg10 : memref<128x16xf32, #tpu.memory_space<vmem>>) offsets(%dma_start3A_24 : memref<128xi32, #tpu.memory_space<vmem>>) semaphore(%arg21 : memref<!tpu.dma_semaphore, #tpu.memory_space<semaphore_mem>>)
    %dma_start3A_28 = arith.constant 1 : i32
    %dma_start3A_29 = arith.constant 0 : i32
    %dma_start3A_30 = tpu.memref_slice %arg7[%dma_start3A_28, %dma_start3A_29] : memref<26x128xi32, #tpu.memory_space<vmem>> -> memref<1x128xi32, #tpu.memory_space<vmem>>
    %dma_start3A_31 = tpu.memref_squeeze %dma_start3A_30 : memref<1x128xi32, #tpu.memory_space<vmem>> -> memref<128xi32, #tpu.memory_space<vmem>>
    %dma_start3A_32 = arith.constant 0 : i32
    %dma_start3A_33 = arith.constant 0 : i32
    %dma_start3A_34 = tpu.memref_slice %arg3[%dma_start3A_32, %dma_start3A_33] : memref<2162688x16xf32, #tpu.memory_space<hbm>> -> memref<2162688x16xf32, #tpu.memory_space<hbm>>
    tpu.enqueue_indirect_dma source(%dma_start3A_34 : memref<2162688x16xf32, #tpu.memory_space<hbm>>) target(%arg11 : memref<128x16xf32, #tpu.memory_space<vmem>>) offsets(%dma_start3A_31 : memref<128xi32, #tpu.memory_space<vmem>>) semaphore(%arg21 : memref<!tpu.dma_semaphore, #tpu.memory_space<semaphore_mem>>)
    %dma_start3A_35 = arith.constant 2 : i32
    %dma_start3A_36 = arith.constant 0 : i32
    %dma_start3A_37 = tpu.memref_slice %arg6[%dma_start3A_35, %dma_start3A_36] : memref<26x128xi32, #tpu.memory_space<vmem>> -> memref<1x128xi32, #tpu.memory_space<vmem>>
    %dma_start3A_38 = tpu.memref_squeeze %dma_start3A_37 : memref<1x128xi32, #tpu.memory_space<vmem>> -> memref<128xi32, #tpu.memory_space<vmem>>
    %dma_start3A_39 = arith.constant 0 : i32
    %dma_start3A_40 = arith.constant 0 : i32
    %dma_start3A_41 = tpu.memref_slice %arg3[%dma_start3A_39, %dma_start3A_40] : memref<2162688x16xf32, #tpu.memory_space<hbm>> -> memref<2162688x16xf32, #tpu.memory_space<hbm>>
    tpu.enqueue_indirect_dma source(%dma_start3A_41 : memref<2162688x16xf32, #tpu.memory_space<hbm>>) target(%arg12 : memref<128x16xf32, #tpu.memory_space<vmem>>) offsets(%dma_start3A_38 : memref<128xi32, #tpu.memory_space<vmem>>) semaphore(%arg21 : memref<!tpu.dma_semaphore, #tpu.memory_space<semaphore_mem>>)
    %dma_start3A_42 = arith.constant 2 : i32
    %dma_start3A_43 = arith.constant 0 : i32
    %dma_start3A_44 = tpu.memref_slice %arg7[%dma_start3A_42, %dma_start3A_43] : memref<26x128xi32, #tpu.memory_space<vmem>> -> memref<1x128xi32, #tpu.memory_space<vmem>>
    %dma_start3A_45 = tpu.memref_squeeze %dma_start3A_44 : memref<1x128xi32, #tpu.memory_space<vmem>> -> memref<128xi32, #tpu.memory_space<vmem>>
    %dma_start3A_46 = arith.constant 0 : i32
    %dma_start3A_47 = arith.constant 0 : i32
    %dma_start3A_48 = tpu.memref_slice %arg3[%dma_start3A_46, %dma_start3A_47] : memref<2162688x16xf32, #tpu.memory_space<hbm>> -> memref<2162688x16xf32, #tpu.memory_space<hbm>>
    tpu.enqueue_indirect_dma source(%dma_start3A_48 : memref<2162688x16xf32, #tpu.memory_space<hbm>>) target(%arg13 : memref<128x16xf32, #tpu.memory_space<vmem>>) offsets(%dma_start3A_45 : memref<128xi32, #tpu.memory_space<vmem>>) semaphore(%arg21 : memref<!tpu.dma_semaphore, #tpu.memory_space<semaphore_mem>>)
    %dma_start3A_49 = arith.constant 3 : i32
    %dma_start3A_50 = arith.constant 0 : i32
    %dma_start3A_51 = tpu.memref_slice %arg6[%dma_start3A_49, %dma_start3A_50] : memref<26x128xi32, #tpu.memory_space<vmem>> -> memref<1x128xi32, #tpu.memory_space<vmem>>
    %dma_start3A_52 = tpu.memref_squeeze %dma_start3A_51 : memref<1x128xi32, #tpu.memory_space<vmem>> -> memref<128xi32, #tpu.memory_space<vmem>>
    %dma_start3A_53 = arith.constant 0 : i32
    %dma_start3A_54 = arith.constant 0 : i32
    %dma_start3A_55 = tpu.memref_slice %arg3[%dma_start3A_53, %dma_start3A_54] : memref<2162688x16xf32, #tpu.memory_space<hbm>> -> memref<2162688x16xf32, #tpu.memory_space<hbm>>
    tpu.enqueue_indirect_dma source(%dma_start3A_55 : memref<2162688x16xf32, #tpu.memory_space<hbm>>) target(%arg14 : memref<128x16xf32, #tpu.memory_space<vmem>>) offsets(%dma_start3A_52 : memref<128xi32, #tpu.memory_space<vmem>>) semaphore(%arg22 : memref<!tpu.dma_semaphore, #tpu.memory_space<semaphore_mem>>)
    %dma_start3A_56 = arith.constant 3 : i32
    %dma_start3A_57 = arith.constant 0 : i32
    %dma_start3A_58 = tpu.memref_slice %arg7[%dma_start3A_56, %dma_start3A_57] : memref<26x128xi32, #tpu.memory_space<vmem>> -> memref<1x128xi32, #tpu.memory_space<vmem>>
    %dma_start3A_59 = tpu.memref_squeeze %dma_start3A_58 : memref<1x128xi32, #tpu.memory_space<vmem>> -> memref<128xi32, #tpu.memory_space<vmem>>
    %dma_start3A_60 = arith.constant 0 : i32
    %dma_start3A_61 = arith.constant 0 : i32
    %dma_start3A_62 = tpu.memref_slice %arg3[%dma_start3A_60, %dma_start3A_61] : memref<2162688x16xf32, #tpu.memory_space<hbm>> -> memref<2162688x16xf32, #tpu.memory_space<hbm>>
    tpu.enqueue_indirect_dma source(%dma_start3A_62 : memref<2162688x16xf32, #tpu.memory_space<hbm>>) target(%arg15 : memref<128x16xf32, #tpu.memory_space<vmem>>) offsets(%dma_start3A_59 : memref<128xi32, #tpu.memory_space<vmem>>) semaphore(%arg22 : memref<!tpu.dma_semaphore, #tpu.memory_space<semaphore_mem>>)
    %dma_start3A_63 = arith.constant 4 : i32
    %dma_start3A_64 = arith.constant 0 : i32
    %dma_start3A_65 = tpu.memref_slice %arg6[%dma_start3A_63, %dma_start3A_64] : memref<26x128xi32, #tpu.memory_space<vmem>> -> memref<1x128xi32, #tpu.memory_space<vmem>>
    %dma_start3A_66 = tpu.memref_squeeze %dma_start3A_65 : memref<1x128xi32, #tpu.memory_space<vmem>> -> memref<128xi32, #tpu.memory_space<vmem>>
    %dma_start3A_67 = arith.constant 0 : i32
    %dma_start3A_68 = arith.constant 0 : i32
    %dma_start3A_69 = tpu.memref_slice %arg3[%dma_start3A_67, %dma_start3A_68] : memref<2162688x16xf32, #tpu.memory_space<hbm>> -> memref<2162688x16xf32, #tpu.memory_space<hbm>>
    tpu.enqueue_indirect_dma source(%dma_start3A_69 : memref<2162688x16xf32, #tpu.memory_space<hbm>>) target(%arg16 : memref<128x16xf32, #tpu.memory_space<vmem>>) offsets(%dma_start3A_66 : memref<128xi32, #tpu.memory_space<vmem>>) semaphore(%arg22 : memref<!tpu.dma_semaphore, #tpu.memory_space<semaphore_mem>>)
    %dma_start3A_70 = arith.constant 4 : i32
    %dma_start3A_71 = arith.constant 0 : i32
    %dma_start3A_72 = tpu.memref_slice %arg7[%dma_start3A_70, %dma_start3A_71] : memref<26x128xi32, #tpu.memory_space<vmem>> -> memref<1x128xi32, #tpu.memory_space<vmem>>
    %dma_start3A_73 = tpu.memref_squeeze %dma_start3A_72 : memref<1x128xi32, #tpu.memory_space<vmem>> -> memref<128xi32, #tpu.memory_space<vmem>>
    %dma_start3A_74 = arith.constant 0 : i32
    %dma_start3A_75 = arith.constant 0 : i32
    %dma_start3A_76 = tpu.memref_slice %arg3[%dma_start3A_74, %dma_start3A_75] : memref<2162688x16xf32, #tpu.memory_space<hbm>> -> memref<2162688x16xf32, #tpu.memory_space<hbm>>
    tpu.enqueue_indirect_dma source(%dma_start3A_76 : memref<2162688x16xf32, #tpu.memory_space<hbm>>) target(%arg17 : memref<128x16xf32, #tpu.memory_space<vmem>>) offsets(%dma_start3A_73 : memref<128xi32, #tpu.memory_space<vmem>>) semaphore(%arg22 : memref<!tpu.dma_semaphore, #tpu.memory_space<semaphore_mem>>)
    %dma_start3A_77 = arith.constant 5 : i32
    %dma_start3A_78 = arith.constant 0 : i32
    %dma_start3A_79 = tpu.memref_slice %arg6[%dma_start3A_77, %dma_start3A_78] : memref<26x128xi32, #tpu.memory_space<vmem>> -> memref<1x128xi32, #tpu.memory_space<vmem>>
    %dma_start3A_80 = tpu.memref_squeeze %dma_start3A_79 : memref<1x128xi32, #tpu.memory_space<vmem>> -> memref<128xi32, #tpu.memory_space<vmem>>
    %dma_start3A_81 = arith.constant 0 : i32
    %dma_start3A_82 = arith.constant 0 : i32
    %dma_start3A_83 = tpu.memref_slice %arg3[%dma_start3A_81, %dma_start3A_82] : memref<2162688x16xf32, #tpu.memory_space<hbm>> -> memref<2162688x16xf32, #tpu.memory_space<hbm>>
    tpu.enqueue_indirect_dma source(%dma_start3A_83 : memref<2162688x16xf32, #tpu.memory_space<hbm>>) target(%arg18 : memref<128x16xf32, #tpu.memory_space<vmem>>) offsets(%dma_start3A_80 : memref<128xi32, #tpu.memory_space<vmem>>) semaphore(%arg22 : memref<!tpu.dma_semaphore, #tpu.memory_space<semaphore_mem>>)
    %dma_start3A_84 = arith.constant 5 : i32
    %dma_start3A_85 = arith.constant 0 : i32
    %dma_start3A_86 = tpu.memref_slice %arg7[%dma_start3A_84, %dma_start3A_85] : memref<26x128xi32, #tpu.memory_space<vmem>> -> memref<1x128xi32, #tpu.memory_space<vmem>>
    %dma_start3A_87 = tpu.memref_squeeze %dma_start3A_86 : memref<1x128xi32, #tpu.memory_space<vmem>> -> memref<128xi32, #tpu.memory_space<vmem>>
    %dma_start3A_88 = arith.constant 0 : i32
    %dma_start3A_89 = arith.constant 0 : i32
    %dma_start3A_90 = tpu.memref_slice %arg3[%dma_start3A_88, %dma_start3A_89] : memref<2162688x16xf32, #tpu.memory_space<hbm>> -> memref<2162688x16xf32, #tpu.memory_space<hbm>>
    tpu.enqueue_indirect_dma source(%dma_start3A_90 : memref<2162688x16xf32, #tpu.memory_space<hbm>>) target(%arg19 : memref<128x16xf32, #tpu.memory_space<vmem>>) offsets(%dma_start3A_87 : memref<128xi32, #tpu.memory_space<vmem>>) semaphore(%arg22 : memref<!tpu.dma_semaphore, #tpu.memory_space<semaphore_mem>>)
    %dma_wait3A = arith.constant 0 : i32
    %dma_wait3A_91 = arith.constant 0 : i32
    %dma_wait3A_92 = tpu.memref_slice %arg6[%dma_wait3A, %dma_wait3A_91] : memref<26x128xi32, #tpu.memory_space<vmem>> -> memref<1x128xi32, #tpu.memory_space<vmem>>
    %dma_wait3A_93 = tpu.memref_squeeze %dma_wait3A_92 : memref<1x128xi32, #tpu.memory_space<vmem>> -> memref<128xi32, #tpu.memory_space<vmem>>
    %dma_wait3A_94 = arith.constant 0 : i32
    %dma_wait3A_95 = arith.constant 0 : i32
    %dma_wait3A_96 = tpu.memref_slice %arg3[%dma_wait3A_94, %dma_wait3A_95] : memref<2162688x16xf32, #tpu.memory_space<hbm>> -> memref<2162688x16xf32, #tpu.memory_space<hbm>>
    tpu.wait_indirect_dma semaphore(%arg21 : memref<!tpu.dma_semaphore, #tpu.memory_space<semaphore_mem>>) src(%dma_wait3A_96 : memref<2162688x16xf32, #tpu.memory_space<hbm>>) dst(%arg8 : memref<128x16xf32, #tpu.memory_space<vmem>>)
    %dma_wait3A_97 = arith.constant 0 : i32
    %dma_wait3A_98 = arith.constant 0 : i32
    %dma_wait3A_99 = tpu.memref_slice %arg7[%dma_wait3A_97, %dma_wait3A_98] : memref<26x128xi32, #tpu.memory_space<vmem>> -> memref<1x128xi32, #tpu.memory_space<vmem>>
    %dma_wait3A_100 = tpu.memref_squeeze %dma_wait3A_99 : memref<1x128xi32, #tpu.memory_space<vmem>> -> memref<128xi32, #tpu.memory_space<vmem>>
    %dma_wait3A_101 = arith.constant 0 : i32
    %dma_wait3A_102 = arith.constant 0 : i32
    %dma_wait3A_103 = tpu.memref_slice %arg3[%dma_wait3A_101, %dma_wait3A_102] : memref<2162688x16xf32, #tpu.memory_space<hbm>> -> memref<2162688x16xf32, #tpu.memory_space<hbm>>
    tpu.wait_indirect_dma semaphore(%arg21 : memref<!tpu.dma_semaphore, #tpu.memory_space<semaphore_mem>>) src(%dma_wait3A_103 : memref<2162688x16xf32, #tpu.memory_space<hbm>>) dst(%arg9 : memref<128x16xf32, #tpu.memory_space<vmem>>)
    %dma_wait3A_104 = arith.constant 1 : i32
    %dma_wait3A_105 = arith.constant 0 : i32
    %dma_wait3A_106 = tpu.memref_slice %arg6[%dma_wait3A_104, %dma_wait3A_105] : memref<26x128xi32, #tpu.memory_space<vmem>> -> memref<1x128xi32, #tpu.memory_space<vmem>>
    %dma_wait3A_107 = tpu.memref_squeeze %dma_wait3A_106 : memref<1x128xi32, #tpu.memory_space<vmem>> -> memref<128xi32, #tpu.memory_space<vmem>>
    %dma_wait3A_108 = arith.constant 0 : i32
    %dma_wait3A_109 = arith.constant 0 : i32
    %dma_wait3A_110 = tpu.memref_slice %arg3[%dma_wait3A_108, %dma_wait3A_109] : memref<2162688x16xf32, #tpu.memory_space<hbm>> -> memref<2162688x16xf32, #tpu.memory_space<hbm>>
    tpu.wait_indirect_dma semaphore(%arg21 : memref<!tpu.dma_semaphore, #tpu.memory_space<semaphore_mem>>) src(%dma_wait3A_110 : memref<2162688x16xf32, #tpu.memory_space<hbm>>) dst(%arg10 : memref<128x16xf32, #tpu.memory_space<vmem>>)
    %dma_wait3A_111 = arith.constant 1 : i32
    %dma_wait3A_112 = arith.constant 0 : i32
    %dma_wait3A_113 = tpu.memref_slice %arg7[%dma_wait3A_111, %dma_wait3A_112] : memref<26x128xi32, #tpu.memory_space<vmem>> -> memref<1x128xi32, #tpu.memory_space<vmem>>
    %dma_wait3A_114 = tpu.memref_squeeze %dma_wait3A_113 : memref<1x128xi32, #tpu.memory_space<vmem>> -> memref<128xi32, #tpu.memory_space<vmem>>
    %dma_wait3A_115 = arith.constant 0 : i32
    %dma_wait3A_116 = arith.constant 0 : i32
    %dma_wait3A_117 = tpu.memref_slice %arg3[%dma_wait3A_115, %dma_wait3A_116] : memref<2162688x16xf32, #tpu.memory_space<hbm>> -> memref<2162688x16xf32, #tpu.memory_space<hbm>>
    tpu.wait_indirect_dma semaphore(%arg21 : memref<!tpu.dma_semaphore, #tpu.memory_space<semaphore_mem>>) src(%dma_wait3A_117 : memref<2162688x16xf32, #tpu.memory_space<hbm>>) dst(%arg11 : memref<128x16xf32, #tpu.memory_space<vmem>>)
    %dma_wait3A_118 = arith.constant 2 : i32
    %dma_wait3A_119 = arith.constant 0 : i32
    %dma_wait3A_120 = tpu.memref_slice %arg6[%dma_wait3A_118, %dma_wait3A_119] : memref<26x128xi32, #tpu.memory_space<vmem>> -> memref<1x128xi32, #tpu.memory_space<vmem>>
    %dma_wait3A_121 = tpu.memref_squeeze %dma_wait3A_120 : memref<1x128xi32, #tpu.memory_space<vmem>> -> memref<128xi32, #tpu.memory_space<vmem>>
    %dma_wait3A_122 = arith.constant 0 : i32
    %dma_wait3A_123 = arith.constant 0 : i32
    %dma_wait3A_124 = tpu.memref_slice %arg3[%dma_wait3A_122, %dma_wait3A_123] : memref<2162688x16xf32, #tpu.memory_space<hbm>> -> memref<2162688x16xf32, #tpu.memory_space<hbm>>
    tpu.wait_indirect_dma semaphore(%arg21 : memref<!tpu.dma_semaphore, #tpu.memory_space<semaphore_mem>>) src(%dma_wait3A_124 : memref<2162688x16xf32, #tpu.memory_space<hbm>>) dst(%arg12 : memref<128x16xf32, #tpu.memory_space<vmem>>)
    %dma_wait3A_125 = arith.constant 2 : i32
    %dma_wait3A_126 = arith.constant 0 : i32
    %dma_wait3A_127 = tpu.memref_slice %arg7[%dma_wait3A_125, %dma_wait3A_126] : memref<26x128xi32, #tpu.memory_space<vmem>> -> memref<1x128xi32, #tpu.memory_space<vmem>>
    %dma_wait3A_128 = tpu.memref_squeeze %dma_wait3A_127 : memref<1x128xi32, #tpu.memory_space<vmem>> -> memref<128xi32, #tpu.memory_space<vmem>>
    %dma_wait3A_129 = arith.constant 0 : i32
    %dma_wait3A_130 = arith.constant 0 : i32
    %dma_wait3A_131 = tpu.memref_slice %arg3[%dma_wait3A_129, %dma_wait3A_130] : memref<2162688x16xf32, #tpu.memory_space<hbm>> -> memref<2162688x16xf32, #tpu.memory_space<hbm>>
    tpu.wait_indirect_dma semaphore(%arg21 : memref<!tpu.dma_semaphore, #tpu.memory_space<semaphore_mem>>) src(%dma_wait3A_131 : memref<2162688x16xf32, #tpu.memory_space<hbm>>) dst(%arg13 : memref<128x16xf32, #tpu.memory_space<vmem>>)
    %scan3A_132 = arith.constant 0 : i32
    %scan3A_133 = arith.constant 0 : i32
    %scan3A_134 = arith.constant 128 : i32
    %scan3A_135 = arith.addi %scan3A_133, %scan3A_134 : i32
    %scan3A_136 = arith.constant 1 : i32
    scf.for %scan3A_790 = %scan3A_133 to %scan3A_135 step %scan3A_136  : i32 {
      %mul3A_791 = arith.constant 33 : i32
      %mul3A_792 = arith.muli %scan3A_790, %mul3A_791 : i32
      %broadcast_in_dim3A = arith.constant 1.000000e+00 : f32
      %broadcast_in_dim3A_793 = vector.broadcast %broadcast_in_dim3A : f32 to vector<16xf32>
      %swap3A = arith.index_cast %mul3A_792 : i32 to index
      %swap3A_794 = tpu.vector_load %arg20[%swap3A] {strides = array<i32>} : memref<4224xf32, #tpu.memory_space<vmem>>, vector<16xf32>,
      %swap3A_795 = vector.shape_cast %swap3A_794 : vector<16xf32> to vector<16xf32>
      %swap3A_796 = vector.shape_cast %broadcast_in_dim3A_793 : vector<16xf32> to vector<16xf32>
      tpu.vector_store %arg20[%swap3A], %swap3A_796 {strides = array<i32>} : memref<4224xf32, #tpu.memory_space<vmem>>, vector<16xf32>,
      %get3A = arith.index_cast %scan3A_790 : i32 to index
      %get3A_797 = arith.constant 0 : index
      %get3A_798 = tpu.vector_load %arg8[%get3A, %get3A_797] {strides = array<i32>} : memref<128x16xf32, #tpu.memory_space<vmem>>, vector<1x16xf32>,
      %get3A_799 = vector.shape_cast %get3A_798 : vector<1x16xf32> to vector<16xf32>
      %get3A_800 = arith.index_cast %scan3A_790 : i32 to index
      %get3A_801 = arith.constant 0 : index
      %get3A_802 = tpu.vector_load %arg9[%get3A_800, %get3A_801] {strides = array<i32>} : memref<128x16xf32, #tpu.memory_space<vmem>>, vector<1x16xf32>,
      %get3A_803 = vector.shape_cast %get3A_802 : vector<1x16xf32> to vector<16xf32>
      %get3A_804 = arith.index_cast %scan3A_790 : i32 to index
      %get3A_805 = arith.constant 0 : index
      %get3A_806 = tpu.vector_load %arg10[%get3A_804, %get3A_805] {strides = array<i32>} : memref<128x16xf32, #tpu.memory_space<vmem>>, vector<1x16xf32>,
      %get3A_807 = vector.shape_cast %get3A_806 : vector<1x16xf32> to vector<16xf32>
      %add3A_808 = arith.addf %get3A_799, %get3A_807 : vector<16xf32>
      %get3A_809 = arith.index_cast %scan3A_790 : i32 to index
      %get3A_810 = arith.constant 0 : index
      %get3A_811 = tpu.vector_load %arg11[%get3A_809, %get3A_810] {strides = array<i32>} : memref<128x16xf32, #tpu.memory_space<vmem>>, vector<1x16xf32>,
      %get3A_812 = vector.shape_cast %get3A_811 : vector<1x16xf32> to vector<16xf32>
      %add3A_813 = arith.addf %get3A_803, %get3A_812 : vector<16xf32>
      %get3A_814 = arith.index_cast %scan3A_790 : i32 to index
      %get3A_815 = arith.constant 0 : index
      %get3A_816 = tpu.vector_load %arg12[%get3A_814, %get3A_815] {strides = array<i32>} : memref<128x16xf32, #tpu.memory_space<vmem>>, vector<1x16xf32>,
      %get3A_817 = vector.shape_cast %get3A_816 : vector<1x16xf32> to vector<16xf32>
      %add3A_818 = arith.addf %add3A_808, %get3A_817 : vector<16xf32>
      %get3A_819 = arith.index_cast %scan3A_790 : i32 to index
      %get3A_820 = arith.constant 0 : index
      %get3A_821 = tpu.vector_load %arg13[%get3A_819, %get3A_820] {strides = array<i32>} : memref<128x16xf32, #tpu.memory_space<vmem>>, vector<1x16xf32>,
      %get3A_822 = vector.shape_cast %get3A_821 : vector<1x16xf32> to vector<16xf32>
      %add3A_823 = arith.addf %add3A_813, %get3A_822 : vector<16xf32>
      %add3A_824 = arith.constant 1 : i32
      %add3A_825 = arith.addi %mul3A_792, %add3A_824 : i32
      %swap3A_826 = arith.index_cast %add3A_825 : i32 to index
      %swap3A_827 = tpu.vector_load %arg20[%swap3A_826] {strides = array<i32>} : memref<4224xf32, #tpu.memory_space<vmem>>, vector<16xf32>,
      %swap3A_828 = vector.shape_cast %swap3A_827 : vector<16xf32> to vector<16xf32>
      %swap3A_829 = vector.shape_cast %add3A_818 : vector<16xf32> to vector<16xf32>
      tpu.vector_store %arg20[%swap3A_826], %swap3A_829 {strides = array<i32>} : memref<4224xf32, #tpu.memory_space<vmem>>, vector<16xf32>,
      %add3A_830 = arith.constant 1 : i32
      %add3A_831 = arith.addi %mul3A_792, %add3A_830 : i32
      %add3A_832 = arith.constant 16 : i32
      %add3A_833 = arith.addi %add3A_831, %add3A_832 : i32
      %swap3A_834 = arith.index_cast %add3A_833 : i32 to index
      %swap3A_835 = tpu.vector_load %arg20[%swap3A_834] {strides = array<i32>} : memref<4224xf32, #tpu.memory_space<vmem>>, vector<16xf32>,
      %swap3A_836 = vector.shape_cast %swap3A_835 : vector<16xf32> to vector<16xf32>
      %swap3A_837 = vector.shape_cast %add3A_823 : vector<16xf32> to vector<16xf32>
      tpu.vector_store %arg20[%swap3A_834], %swap3A_837 {strides = array<i32>} : memref<4224xf32, #tpu.memory_space<vmem>>, vector<16xf32>,
    }
    %scan3A_137 = arith.constant 128 : i32
    %dma_start3A_138 = arith.constant 6 : i32
    %dma_start3A_139 = arith.constant 0 : i32
    %dma_start3A_140 = tpu.memref_slice %arg6[%dma_start3A_138, %dma_start3A_139] : memref<26x128xi32, #tpu.memory_space<vmem>> -> memref<1x128xi32, #tpu.memory_space<vmem>>
    %dma_start3A_141 = tpu.memref_squeeze %dma_start3A_140 : memref<1x128xi32, #tpu.memory_space<vmem>> -> memref<128xi32, #tpu.memory_space<vmem>>
    %dma_start3A_142 = arith.constant 0 : i32
    %dma_start3A_143 = arith.constant 0 : i32
    %dma_start3A_144 = tpu.memref_slice %arg3[%dma_start3A_142, %dma_start3A_143] : memref<2162688x16xf32, #tpu.memory_space<hbm>> -> memref<2162688x16xf32, #tpu.memory_space<hbm>>
    tpu.enqueue_indirect_dma source(%dma_start3A_144 : memref<2162688x16xf32, #tpu.memory_space<hbm>>) target(%arg8 : memref<128x16xf32, #tpu.memory_space<vmem>>) offsets(%dma_start3A_141 : memref<128xi32, #tpu.memory_space<vmem>>) semaphore(%arg21 : memref<!tpu.dma_semaphore, #tpu.memory_space<semaphore_mem>>)
    %dma_start3A_145 = arith.constant 6 : i32
    %dma_start3A_146 = arith.constant 0 : i32
    %dma_start3A_147 = tpu.memref_slice %arg7[%dma_start3A_145, %dma_start3A_146] : memref<26x128xi32, #tpu.memory_space<vmem>> -> memref<1x128xi32, #tpu.memory_space<vmem>>
    %dma_start3A_148 = tpu.memref_squeeze %dma_start3A_147 : memref<1x128xi32, #tpu.memory_space<vmem>> -> memref<128xi32, #tpu.memory_space<vmem>>
    %dma_start3A_149 = arith.constant 0 : i32
    %dma_start3A_150 = arith.constant 0 : i32
    %dma_start3A_151 = tpu.memref_slice %arg3[%dma_start3A_149, %dma_start3A_150] : memref<2162688x16xf32, #tpu.memory_space<hbm>> -> memref<2162688x16xf32, #tpu.memory_space<hbm>>
    tpu.enqueue_indirect_dma source(%dma_start3A_151 : memref<2162688x16xf32, #tpu.memory_space<hbm>>) target(%arg9 : memref<128x16xf32, #tpu.memory_space<vmem>>) offsets(%dma_start3A_148 : memref<128xi32, #tpu.memory_space<vmem>>) semaphore(%arg21 : memref<!tpu.dma_semaphore, #tpu.memory_space<semaphore_mem>>)
    %dma_start3A_152 = arith.constant 7 : i32
    %dma_start3A_153 = arith.constant 0 : i32
    %dma_start3A_154 = tpu.memref_slice %arg6[%dma_start3A_152, %dma_start3A_153] : memref<26x128xi32, #tpu.memory_space<vmem>> -> memref<1x128xi32, #tpu.memory_space<vmem>>
    %dma_start3A_155 = tpu.memref_squeeze %dma_start3A_154 : memref<1x128xi32, #tpu.memory_space<vmem>> -> memref<128xi32, #tpu.memory_space<vmem>>
    %dma_start3A_156 = arith.constant 0 : i32
    %dma_start3A_157 = arith.constant 0 : i32
    %dma_start3A_158 = tpu.memref_slice %arg3[%dma_start3A_156, %dma_start3A_157] : memref<2162688x16xf32, #tpu.memory_space<hbm>> -> memref<2162688x16xf32, #tpu.memory_space<hbm>>
    tpu.enqueue_indirect_dma source(%dma_start3A_158 : memref<2162688x16xf32, #tpu.memory_space<hbm>>) target(%arg10 : memref<128x16xf32, #tpu.memory_space<vmem>>) offsets(%dma_start3A_155 : memref<128xi32, #tpu.memory_space<vmem>>) semaphore(%arg21 : memref<!tpu.dma_semaphore, #tpu.memory_space<semaphore_mem>>)
    %dma_start3A_159 = arith.constant 7 : i32
    %dma_start3A_160 = arith.constant 0 : i32
    %dma_start3A_161 = tpu.memref_slice %arg7[%dma_start3A_159, %dma_start3A_160] : memref<26x128xi32, #tpu.memory_space<vmem>> -> memref<1x128xi32, #tpu.memory_space<vmem>>
    %dma_start3A_162 = tpu.memref_squeeze %dma_start3A_161 : memref<1x128xi32, #tpu.memory_space<vmem>> -> memref<128xi32, #tpu.memory_space<vmem>>
    %dma_start3A_163 = arith.constant 0 : i32
    %dma_start3A_164 = arith.constant 0 : i32
    %dma_start3A_165 = tpu.memref_slice %arg3[%dma_start3A_163, %dma_start3A_164] : memref<2162688x16xf32, #tpu.memory_space<hbm>> -> memref<2162688x16xf32, #tpu.memory_space<hbm>>
    tpu.enqueue_indirect_dma source(%dma_start3A_165 : memref<2162688x16xf32, #tpu.memory_space<hbm>>) target(%arg11 : memref<128x16xf32, #tpu.memory_space<vmem>>) offsets(%dma_start3A_162 : memref<128xi32, #tpu.memory_space<vmem>>) semaphore(%arg21 : memref<!tpu.dma_semaphore, #tpu.memory_space<semaphore_mem>>)
    %dma_start3A_166 = arith.constant 8 : i32
    %dma_start3A_167 = arith.constant 0 : i32
    %dma_start3A_168 = tpu.memref_slice %arg6[%dma_start3A_166, %dma_start3A_167] : memref<26x128xi32, #tpu.memory_space<vmem>> -> memref<1x128xi32, #tpu.memory_space<vmem>>
    %dma_start3A_169 = tpu.memref_squeeze %dma_start3A_168 : memref<1x128xi32, #tpu.memory_space<vmem>> -> memref<128xi32, #tpu.memory_space<vmem>>
    %dma_start3A_170 = arith.constant 0 : i32
    %dma_start3A_171 = arith.constant 0 : i32
    %dma_start3A_172 = tpu.memref_slice %arg3[%dma_start3A_170, %dma_start3A_171] : memref<2162688x16xf32, #tpu.memory_space<hbm>> -> memref<2162688x16xf32, #tpu.memory_space<hbm>>
    tpu.enqueue_indirect_dma source(%dma_start3A_172 : memref<2162688x16xf32, #tpu.memory_space<hbm>>) target(%arg12 : memref<128x16xf32, #tpu.memory_space<vmem>>) offsets(%dma_start3A_169 : memref<128xi32, #tpu.memory_space<vmem>>) semaphore(%arg21 : memref<!tpu.dma_semaphore, #tpu.memory_space<semaphore_mem>>)
    %dma_start3A_173 = arith.constant 8 : i32
    %dma_start3A_174 = arith.constant 0 : i32
    %dma_start3A_175 = tpu.memref_slice %arg7[%dma_start3A_173, %dma_start3A_174] : memref<26x128xi32, #tpu.memory_space<vmem>> -> memref<1x128xi32, #tpu.memory_space<vmem>>
    %dma_start3A_176 = tpu.memref_squeeze %dma_start3A_175 : memref<1x128xi32, #tpu.memory_space<vmem>> -> memref<128xi32, #tpu.memory_space<vmem>>
    %dma_start3A_177 = arith.constant 0 : i32
    %dma_start3A_178 = arith.constant 0 : i32
    %dma_start3A_179 = tpu.memref_slice %arg3[%dma_start3A_177, %dma_start3A_178] : memref<2162688x16xf32, #tpu.memory_space<hbm>> -> memref<2162688x16xf32, #tpu.memory_space<hbm>>
    tpu.enqueue_indirect_dma source(%dma_start3A_179 : memref<2162688x16xf32, #tpu.memory_space<hbm>>) target(%arg13 : memref<128x16xf32, #tpu.memory_space<vmem>>) offsets(%dma_start3A_176 : memref<128xi32, #tpu.memory_space<vmem>>) semaphore(%arg21 : memref<!tpu.dma_semaphore, #tpu.memory_space<semaphore_mem>>)
    %dma_wait3A_180 = arith.constant 3 : i32
    %dma_wait3A_181 = arith.constant 0 : i32
    %dma_wait3A_182 = tpu.memref_slice %arg6[%dma_wait3A_180, %dma_wait3A_181] : memref<26x128xi32, #tpu.memory_space<vmem>> -> memref<1x128xi32, #tpu.memory_space<vmem>>
    %dma_wait3A_183 = tpu.memref_squeeze %dma_wait3A_182 : memref<1x128xi32, #tpu.memory_space<vmem>> -> memref<128xi32, #tpu.memory_space<vmem>>
    %dma_wait3A_184 = arith.constant 0 : i32
    %dma_wait3A_185 = arith.constant 0 : i32
    %dma_wait3A_186 = tpu.memref_slice %arg3[%dma_wait3A_184, %dma_wait3A_185] : memref<2162688x16xf32, #tpu.memory_space<hbm>> -> memref<2162688x16xf32, #tpu.memory_space<hbm>>
    tpu.wait_indirect_dma semaphore(%arg22 : memref<!tpu.dma_semaphore, #tpu.memory_space<semaphore_mem>>) src(%dma_wait3A_186 : memref<2162688x16xf32, #tpu.memory_space<hbm>>) dst(%arg14 : memref<128x16xf32, #tpu.memory_space<vmem>>)
    %dma_wait3A_187 = arith.constant 3 : i32
    %dma_wait3A_188 = arith.constant 0 : i32
    %dma_wait3A_189 = tpu.memref_slice %arg7[%dma_wait3A_187, %dma_wait3A_188] : memref<26x128xi32, #tpu.memory_space<vmem>> -> memref<1x128xi32, #tpu.memory_space<vmem>>
    %dma_wait3A_190 = tpu.memref_squeeze %dma_wait3A_189 : memref<1x128xi32, #tpu.memory_space<vmem>> -> memref<128xi32, #tpu.memory_space<vmem>>
    %dma_wait3A_191 = arith.constant 0 : i32
    %dma_wait3A_192 = arith.constant 0 : i32
    %dma_wait3A_193 = tpu.memref_slice %arg3[%dma_wait3A_191, %dma_wait3A_192] : memref<2162688x16xf32, #tpu.memory_space<hbm>> -> memref<2162688x16xf32, #tpu.memory_space<hbm>>
    tpu.wait_indirect_dma semaphore(%arg22 : memref<!tpu.dma_semaphore, #tpu.memory_space<semaphore_mem>>) src(%dma_wait3A_193 : memref<2162688x16xf32, #tpu.memory_space<hbm>>) dst(%arg15 : memref<128x16xf32, #tpu.memory_space<vmem>>)
    %dma_wait3A_194 = arith.constant 4 : i32
    %dma_wait3A_195 = arith.constant 0 : i32
    %dma_wait3A_196 = tpu.memref_slice %arg6[%dma_wait3A_194, %dma_wait3A_195] : memref<26x128xi32, #tpu.memory_space<vmem>> -> memref<1x128xi32, #tpu.memory_space<vmem>>
    %dma_wait3A_197 = tpu.memref_squeeze %dma_wait3A_196 : memref<1x128xi32, #tpu.memory_space<vmem>> -> memref<128xi32, #tpu.memory_space<vmem>>
    %dma_wait3A_198 = arith.constant 0 : i32
    %dma_wait3A_199 = arith.constant 0 : i32
    %dma_wait3A_200 = tpu.memref_slice %arg3[%dma_wait3A_198, %dma_wait3A_199] : memref<2162688x16xf32, #tpu.memory_space<hbm>> -> memref<2162688x16xf32, #tpu.memory_space<hbm>>
    tpu.wait_indirect_dma semaphore(%arg22 : memref<!tpu.dma_semaphore, #tpu.memory_space<semaphore_mem>>) src(%dma_wait3A_200 : memref<2162688x16xf32, #tpu.memory_space<hbm>>) dst(%arg16 : memref<128x16xf32, #tpu.memory_space<vmem>>)
    %dma_wait3A_201 = arith.constant 4 : i32
    %dma_wait3A_202 = arith.constant 0 : i32
    %dma_wait3A_203 = tpu.memref_slice %arg7[%dma_wait3A_201, %dma_wait3A_202] : memref<26x128xi32, #tpu.memory_space<vmem>> -> memref<1x128xi32, #tpu.memory_space<vmem>>
    %dma_wait3A_204 = tpu.memref_squeeze %dma_wait3A_203 : memref<1x128xi32, #tpu.memory_space<vmem>> -> memref<128xi32, #tpu.memory_space<vmem>>
    %dma_wait3A_205 = arith.constant 0 : i32
    %dma_wait3A_206 = arith.constant 0 : i32
    %dma_wait3A_207 = tpu.memref_slice %arg3[%dma_wait3A_205, %dma_wait3A_206] : memref<2162688x16xf32, #tpu.memory_space<hbm>> -> memref<2162688x16xf32, #tpu.memory_space<hbm>>
    tpu.wait_indirect_dma semaphore(%arg22 : memref<!tpu.dma_semaphore, #tpu.memory_space<semaphore_mem>>) src(%dma_wait3A_207 : memref<2162688x16xf32, #tpu.memory_space<hbm>>) dst(%arg17 : memref<128x16xf32, #tpu.memory_space<vmem>>)
    %dma_wait3A_208 = arith.constant 5 : i32
    %dma_wait3A_209 = arith.constant 0 : i32
    %dma_wait3A_210 = tpu.memref_slice %arg6[%dma_wait3A_208, %dma_wait3A_209] : memref<26x128xi32, #tpu.memory_space<vmem>> -> memref<1x128xi32, #tpu.memory_space<vmem>>
    %dma_wait3A_211 = tpu.memref_squeeze %dma_wait3A_210 : memref<1x128xi32, #tpu.memory_space<vmem>> -> memref<128xi32, #tpu.memory_space<vmem>>
    %dma_wait3A_212 = arith.constant 0 : i32
    %dma_wait3A_213 = arith.constant 0 : i32
    %dma_wait3A_214 = tpu.memref_slice %arg3[%dma_wait3A_212, %dma_wait3A_213] : memref<2162688x16xf32, #tpu.memory_space<hbm>> -> memref<2162688x16xf32, #tpu.memory_space<hbm>>
    tpu.wait_indirect_dma semaphore(%arg22 : memref<!tpu.dma_semaphore, #tpu.memory_space<semaphore_mem>>) src(%dma_wait3A_214 : memref<2162688x16xf32, #tpu.memory_space<hbm>>) dst(%arg18 : memref<128x16xf32, #tpu.memory_space<vmem>>)
    %dma_wait3A_215 = arith.constant 5 : i32
    %dma_wait3A_216 = arith.constant 0 : i32
    %dma_wait3A_217 = tpu.memref_slice %arg7[%dma_wait3A_215, %dma_wait3A_216] : memref<26x128xi32, #tpu.memory_space<vmem>> -> memref<1x128xi32, #tpu.memory_space<vmem>>
    %dma_wait3A_218 = tpu.memref_squeeze %dma_wait3A_217 : memref<1x128xi32, #tpu.memory_space<vmem>> -> memref<128xi32, #tpu.memory_space<vmem>>
    %dma_wait3A_219 = arith.constant 0 : i32
    %dma_wait3A_220 = arith.constant 0 : i32
    %dma_wait3A_221 = tpu.memref_slice %arg3[%dma_wait3A_219, %dma_wait3A_220] : memref<2162688x16xf32, #tpu.memory_space<hbm>> -> memref<2162688x16xf32, #tpu.memory_space<hbm>>
    tpu.wait_indirect_dma semaphore(%arg22 : memref<!tpu.dma_semaphore, #tpu.memory_space<semaphore_mem>>) src(%dma_wait3A_221 : memref<2162688x16xf32, #tpu.memory_space<hbm>>) dst(%arg19 : memref<128x16xf32, #tpu.memory_space<vmem>>)
    %scan3A_222 = arith.constant 0 : i32
    %scan3A_223 = arith.constant 0 : i32
    %scan3A_224 = arith.constant 128 : i32
    %scan3A_225 = arith.addi %scan3A_223, %scan3A_224 : i32
    %scan3A_226 = arith.constant 1 : i32
    scf.for %scan3A_790 = %scan3A_223 to %scan3A_225 step %scan3A_226  : i32 {
      %mul3A_791 = arith.constant 33 : i32
      %mul3A_792 = arith.muli %scan3A_790, %mul3A_791 : i32
      %add3A_793 = arith.constant 1 : i32
      %add3A_794 = arith.addi %mul3A_792, %add3A_793 : i32
      %get3A = arith.index_cast %add3A_794 : i32 to index
      %get3A_795 = tpu.vector_load %arg20[%get3A] {strides = array<i32>} : memref<4224xf32, #tpu.memory_space<vmem>>, vector<16xf32>,
      %get3A_796 = vector.shape_cast %get3A_795 : vector<16xf32> to vector<16xf32>
      %add3A_797 = arith.constant 1 : i32
      %add3A_798 = arith.addi %mul3A_792, %add3A_797 : i32
      %add3A_799 = arith.constant 16 : i32
      %add3A_800 = arith.addi %add3A_798, %add3A_799 : i32
      %get3A_801 = arith.index_cast %add3A_800 : i32 to index
      %get3A_802 = tpu.vector_load %arg20[%get3A_801] {strides = array<i32>} : memref<4224xf32, #tpu.memory_space<vmem>>, vector<16xf32>,
      %get3A_803 = vector.shape_cast %get3A_802 : vector<16xf32> to vector<16xf32>
      %get3A_804 = arith.index_cast %scan3A_790 : i32 to index
      %get3A_805 = arith.constant 0 : index
      %get3A_806 = tpu.vector_load %arg14[%get3A_804, %get3A_805] {strides = array<i32>} : memref<128x16xf32, #tpu.memory_space<vmem>>, vector<1x16xf32>,
      %get3A_807 = vector.shape_cast %get3A_806 : vector<1x16xf32> to vector<16xf32>
      %add3A_808 = arith.addf %get3A_796, %get3A_807 : vector<16xf32>
      %get3A_809 = arith.index_cast %scan3A_790 : i32 to index
      %get3A_810 = arith.constant 0 : index
      %get3A_811 = tpu.vector_load %arg15[%get3A_809, %get3A_810] {strides = array<i32>} : memref<128x16xf32, #tpu.memory_space<vmem>>, vector<1x16xf32>,
      %get3A_812 = vector.shape_cast %get3A_811 : vector<1x16xf32> to vector<16xf32>
      %add3A_813 = arith.addf %get3A_803, %get3A_812 : vector<16xf32>
      %get3A_814 = arith.index_cast %scan3A_790 : i32 to index
      %get3A_815 = arith.constant 0 : index
      %get3A_816 = tpu.vector_load %arg16[%get3A_814, %get3A_815] {strides = array<i32>} : memref<128x16xf32, #tpu.memory_space<vmem>>, vector<1x16xf32>,
      %get3A_817 = vector.shape_cast %get3A_816 : vector<1x16xf32> to vector<16xf32>
      %add3A_818 = arith.addf %add3A_808, %get3A_817 : vector<16xf32>
      %get3A_819 = arith.index_cast %scan3A_790 : i32 to index
      %get3A_820 = arith.constant 0 : index
      %get3A_821 = tpu.vector_load %arg17[%get3A_819, %get3A_820] {strides = array<i32>} : memref<128x16xf32, #tpu.memory_space<vmem>>, vector<1x16xf32>,
      %get3A_822 = vector.shape_cast %get3A_821 : vector<1x16xf32> to vector<16xf32>
      %add3A_823 = arith.addf %add3A_813, %get3A_822 : vector<16xf32>
      %get3A_824 = arith.index_cast %scan3A_790 : i32 to index
      %get3A_825 = arith.constant 0 : index
      %get3A_826 = tpu.vector_load %arg18[%get3A_824, %get3A_825] {strides = array<i32>} : memref<128x16xf32, #tpu.memory_space<vmem>>, vector<1x16xf32>,
      %get3A_827 = vector.shape_cast %get3A_826 : vector<1x16xf32> to vector<16xf32>
      %add3A_828 = arith.addf %add3A_818, %get3A_827 : vector<16xf32>
      %get3A_829 = arith.index_cast %scan3A_790 : i32 to index
      %get3A_830 = arith.constant 0 : index
      %get3A_831 = tpu.vector_load %arg19[%get3A_829, %get3A_830] {strides = array<i32>} : memref<128x16xf32, #tpu.memory_space<vmem>>, vector<1x16xf32>,
      %get3A_832 = vector.shape_cast %get3A_831 : vector<1x16xf32> to vector<16xf32>
      %add3A_833 = arith.addf %add3A_823, %get3A_832 : vector<16xf32>
      %add3A_834 = arith.constant 1 : i32
      %add3A_835 = arith.addi %mul3A_792, %add3A_834 : i32
      %swap3A = arith.index_cast %add3A_835 : i32 to index
      %swap3A_836 = tpu.vector_load %arg20[%swap3A] {strides = array<i32>} : memref<4224xf32, #tpu.memory_space<vmem>>, vector<16xf32>,
      %swap3A_837 = vector.shape_cast %swap3A_836 : vector<16xf32> to vector<16xf32>
      %swap3A_838 = vector.shape_cast %add3A_828 : vector<16xf32> to vector<16xf32>
      tpu.vector_store %arg20[%swap3A], %swap3A_838 {strides = array<i32>} : memref<4224xf32, #tpu.memory_space<vmem>>, vector<16xf32>,
      %add3A_839 = arith.constant 1 : i32
      %add3A_840 = arith.addi %mul3A_792, %add3A_839 : i32
      %add3A_841 = arith.constant 16 : i32
      %add3A_842 = arith.addi %add3A_840, %add3A_841 : i32
      %swap3A_843 = arith.index_cast %add3A_842 : i32 to index
      %swap3A_844 = tpu.vector_load %arg20[%swap3A_843] {strides = array<i32>} : memref<4224xf32, #tpu.memory_space<vmem>>, vector<16xf32>,
      %swap3A_845 = vector.shape_cast %swap3A_844 : vector<16xf32> to vector<16xf32>
      %swap3A_846 = vector.shape_cast %add3A_833 : vector<16xf32> to vector<16xf32>
      tpu.vector_store %arg20[%swap3A_843], %swap3A_846 {strides = array<i32>} : memref<4224xf32, #tpu.memory_space<vmem>>, vector<16xf32>,
    }
    %scan3A_227 = arith.constant 128 : i32
    %dma_start3A_228 = arith.constant 9 : i32
    %dma_start3A_229 = arith.constant 0 : i32
    %dma_start3A_230 = tpu.memref_slice %arg6[%dma_start3A_228, %dma_start3A_229] : memref<26x128xi32, #tpu.memory_space<vmem>> -> memref<1x128xi32, #tpu.memory_space<vmem>>
    %dma_start3A_231 = tpu.memref_squeeze %dma_start3A_230 : memref<1x128xi32, #tpu.memory_space<vmem>> -> memref<128xi32, #tpu.memory_space<vmem>>
    %dma_start3A_232 = arith.constant 0 : i32
    %dma_start3A_233 = arith.constant 0 : i32
    %dma_start3A_234 = tpu.memref_slice %arg3[%dma_start3A_232, %dma_start3A_233] : memref<2162688x16xf32, #tpu.memory_space<hbm>> -> memref<2162688x16xf32, #tpu.memory_space<hbm>>
    tpu.enqueue_indirect_dma source(%dma_start3A_234 : memref<2162688x16xf32, #tpu.memory_space<hbm>>) target(%arg14 : memref<128x16xf32, #tpu.memory_space<vmem>>) offsets(%dma_start3A_231 : memref<128xi32, #tpu.memory_space<vmem>>) semaphore(%arg22 : memref<!tpu.dma_semaphore, #tpu.memory_space<semaphore_mem>>)
    %dma_start3A_235 = arith.constant 9 : i32
    %dma_start3A_236 = arith.constant 0 : i32
    %dma_start3A_237 = tpu.memref_slice %arg7[%dma_start3A_235, %dma_start3A_236] : memref<26x128xi32, #tpu.memory_space<vmem>> -> memref<1x128xi32, #tpu.memory_space<vmem>>
    %dma_start3A_238 = tpu.memref_squeeze %dma_start3A_237 : memref<1x128xi32, #tpu.memory_space<vmem>> -> memref<128xi32, #tpu.memory_space<vmem>>
    %dma_start3A_239 = arith.constant 0 : i32
    %dma_start3A_240 = arith.constant 0 : i32
    %dma_start3A_241 = tpu.memref_slice %arg3[%dma_start3A_239, %dma_start3A_240] : memref<2162688x16xf32, #tpu.memory_space<hbm>> -> memref<2162688x16xf32, #tpu.memory_space<hbm>>
    tpu.enqueue_indirect_dma source(%dma_start3A_241 : memref<2162688x16xf32, #tpu.memory_space<hbm>>) target(%arg15 : memref<128x16xf32, #tpu.memory_space<vmem>>) offsets(%dma_start3A_238 : memref<128xi32, #tpu.memory_space<vmem>>) semaphore(%arg22 : memref<!tpu.dma_semaphore, #tpu.memory_space<semaphore_mem>>)
    %dma_start3A_242 = arith.constant 10 : i32
    %dma_start3A_243 = arith.constant 0 : i32
    %dma_start3A_244 = tpu.memref_slice %arg6[%dma_start3A_242, %dma_start3A_243] : memref<26x128xi32, #tpu.memory_space<vmem>> -> memref<1x128xi32, #tpu.memory_space<vmem>>
    %dma_start3A_245 = tpu.memref_squeeze %dma_start3A_244 : memref<1x128xi32, #tpu.memory_space<vmem>> -> memref<128xi32, #tpu.memory_space<vmem>>
    %dma_start3A_246 = arith.constant 0 : i32
    %dma_start3A_247 = arith.constant 0 : i32
    %dma_start3A_248 = tpu.memref_slice %arg3[%dma_start3A_246, %dma_start3A_247] : memref<2162688x16xf32, #tpu.memory_space<hbm>> -> memref<2162688x16xf32, #tpu.memory_space<hbm>>
    tpu.enqueue_indirect_dma source(%dma_start3A_248 : memref<2162688x16xf32, #tpu.memory_space<hbm>>) target(%arg16 : memref<128x16xf32, #tpu.memory_space<vmem>>) offsets(%dma_start3A_245 : memref<128xi32, #tpu.memory_space<vmem>>) semaphore(%arg22 : memref<!tpu.dma_semaphore, #tpu.memory_space<semaphore_mem>>)
    %dma_start3A_249 = arith.constant 10 : i32
    %dma_start3A_250 = arith.constant 0 : i32
    %dma_start3A_251 = tpu.memref_slice %arg7[%dma_start3A_249, %dma_start3A_250] : memref<26x128xi32, #tpu.memory_space<vmem>> -> memref<1x128xi32, #tpu.memory_space<vmem>>
    %dma_start3A_252 = tpu.memref_squeeze %dma_start3A_251 : memref<1x128xi32, #tpu.memory_space<vmem>> -> memref<128xi32, #tpu.memory_space<vmem>>
    %dma_start3A_253 = arith.constant 0 : i32
    %dma_start3A_254 = arith.constant 0 : i32
    %dma_start3A_255 = tpu.memref_slice %arg3[%dma_start3A_253, %dma_start3A_254] : memref<2162688x16xf32, #tpu.memory_space<hbm>> -> memref<2162688x16xf32, #tpu.memory_space<hbm>>
    tpu.enqueue_indirect_dma source(%dma_start3A_255 : memref<2162688x16xf32, #tpu.memory_space<hbm>>) target(%arg17 : memref<128x16xf32, #tpu.memory_space<vmem>>) offsets(%dma_start3A_252 : memref<128xi32, #tpu.memory_space<vmem>>) semaphore(%arg22 : memref<!tpu.dma_semaphore, #tpu.memory_space<semaphore_mem>>)
    %dma_start3A_256 = arith.constant 11 : i32
    %dma_start3A_257 = arith.constant 0 : i32
    %dma_start3A_258 = tpu.memref_slice %arg6[%dma_start3A_256, %dma_start3A_257] : memref<26x128xi32, #tpu.memory_space<vmem>> -> memref<1x128xi32, #tpu.memory_space<vmem>>
    %dma_start3A_259 = tpu.memref_squeeze %dma_start3A_258 : memref<1x128xi32, #tpu.memory_space<vmem>> -> memref<128xi32, #tpu.memory_space<vmem>>
    %dma_start3A_260 = arith.constant 0 : i32
    %dma_start3A_261 = arith.constant 0 : i32
    %dma_start3A_262 = tpu.memref_slice %arg3[%dma_start3A_260, %dma_start3A_261] : memref<2162688x16xf32, #tpu.memory_space<hbm>> -> memref<2162688x16xf32, #tpu.memory_space<hbm>>
    tpu.enqueue_indirect_dma source(%dma_start3A_262 : memref<2162688x16xf32, #tpu.memory_space<hbm>>) target(%arg18 : memref<128x16xf32, #tpu.memory_space<vmem>>) offsets(%dma_start3A_259 : memref<128xi32, #tpu.memory_space<vmem>>) semaphore(%arg22 : memref<!tpu.dma_semaphore, #tpu.memory_space<semaphore_mem>>)
    %dma_start3A_263 = arith.constant 11 : i32
    %dma_start3A_264 = arith.constant 0 : i32
    %dma_start3A_265 = tpu.memref_slice %arg7[%dma_start3A_263, %dma_start3A_264] : memref<26x128xi32, #tpu.memory_space<vmem>> -> memref<1x128xi32, #tpu.memory_space<vmem>>
    %dma_start3A_266 = tpu.memref_squeeze %dma_start3A_265 : memref<1x128xi32, #tpu.memory_space<vmem>> -> memref<128xi32, #tpu.memory_space<vmem>>
    %dma_start3A_267 = arith.constant 0 : i32
    %dma_start3A_268 = arith.constant 0 : i32
    %dma_start3A_269 = tpu.memref_slice %arg3[%dma_start3A_267, %dma_start3A_268] : memref<2162688x16xf32, #tpu.memory_space<hbm>> -> memref<2162688x16xf32, #tpu.memory_space<hbm>>
    tpu.enqueue_indirect_dma source(%dma_start3A_269 : memref<2162688x16xf32, #tpu.memory_space<hbm>>) target(%arg19 : memref<128x16xf32, #tpu.memory_space<vmem>>) offsets(%dma_start3A_266 : memref<128xi32, #tpu.memory_space<vmem>>) semaphore(%arg22 : memref<!tpu.dma_semaphore, #tpu.memory_space<semaphore_mem>>)
    %dma_wait3A_270 = arith.constant 6 : i32
    %dma_wait3A_271 = arith.constant 0 : i32
    %dma_wait3A_272 = tpu.memref_slice %arg6[%dma_wait3A_270, %dma_wait3A_271] : memref<26x128xi32, #tpu.memory_space<vmem>> -> memref<1x128xi32, #tpu.memory_space<vmem>>
    %dma_wait3A_273 = tpu.memref_squeeze %dma_wait3A_272 : memref<1x128xi32, #tpu.memory_space<vmem>> -> memref<128xi32, #tpu.memory_space<vmem>>
    %dma_wait3A_274 = arith.constant 0 : i32
    %dma_wait3A_275 = arith.constant 0 : i32
    %dma_wait3A_276 = tpu.memref_slice %arg3[%dma_wait3A_274, %dma_wait3A_275] : memref<2162688x16xf32, #tpu.memory_space<hbm>> -> memref<2162688x16xf32, #tpu.memory_space<hbm>>
    tpu.wait_indirect_dma semaphore(%arg21 : memref<!tpu.dma_semaphore, #tpu.memory_space<semaphore_mem>>) src(%dma_wait3A_276 : memref<2162688x16xf32, #tpu.memory_space<hbm>>) dst(%arg8 : memref<128x16xf32, #tpu.memory_space<vmem>>)
    %dma_wait3A_277 = arith.constant 6 : i32
    %dma_wait3A_278 = arith.constant 0 : i32
    %dma_wait3A_279 = tpu.memref_slice %arg7[%dma_wait3A_277, %dma_wait3A_278] : memref<26x128xi32, #tpu.memory_space<vmem>> -> memref<1x128xi32, #tpu.memory_space<vmem>>
    %dma_wait3A_280 = tpu.memref_squeeze %dma_wait3A_279 : memref<1x128xi32, #tpu.memory_space<vmem>> -> memref<128xi32, #tpu.memory_space<vmem>>
    %dma_wait3A_281 = arith.constant 0 : i32
    %dma_wait3A_282 = arith.constant 0 : i32
    %dma_wait3A_283 = tpu.memref_slice %arg3[%dma_wait3A_281, %dma_wait3A_282] : memref<2162688x16xf32, #tpu.memory_space<hbm>> -> memref<2162688x16xf32, #tpu.memory_space<hbm>>
    tpu.wait_indirect_dma semaphore(%arg21 : memref<!tpu.dma_semaphore, #tpu.memory_space<semaphore_mem>>) src(%dma_wait3A_283 : memref<2162688x16xf32, #tpu.memory_space<hbm>>) dst(%arg9 : memref<128x16xf32, #tpu.memory_space<vmem>>)
    %dma_wait3A_284 = arith.constant 7 : i32
    %dma_wait3A_285 = arith.constant 0 : i32
    %dma_wait3A_286 = tpu.memref_slice %arg6[%dma_wait3A_284, %dma_wait3A_285] : memref<26x128xi32, #tpu.memory_space<vmem>> -> memref<1x128xi32, #tpu.memory_space<vmem>>
    %dma_wait3A_287 = tpu.memref_squeeze %dma_wait3A_286 : memref<1x128xi32, #tpu.memory_space<vmem>> -> memref<128xi32, #tpu.memory_space<vmem>>
    %dma_wait3A_288 = arith.constant 0 : i32
    %dma_wait3A_289 = arith.constant 0 : i32
    %dma_wait3A_290 = tpu.memref_slice %arg3[%dma_wait3A_288, %dma_wait3A_289] : memref<2162688x16xf32, #tpu.memory_space<hbm>> -> memref<2162688x16xf32, #tpu.memory_space<hbm>>
    tpu.wait_indirect_dma semaphore(%arg21 : memref<!tpu.dma_semaphore, #tpu.memory_space<semaphore_mem>>) src(%dma_wait3A_290 : memref<2162688x16xf32, #tpu.memory_space<hbm>>) dst(%arg10 : memref<128x16xf32, #tpu.memory_space<vmem>>)
    %dma_wait3A_291 = arith.constant 7 : i32
    %dma_wait3A_292 = arith.constant 0 : i32
    %dma_wait3A_293 = tpu.memref_slice %arg7[%dma_wait3A_291, %dma_wait3A_292] : memref<26x128xi32, #tpu.memory_space<vmem>> -> memref<1x128xi32, #tpu.memory_space<vmem>>
    %dma_wait3A_294 = tpu.memref_squeeze %dma_wait3A_293 : memref<1x128xi32, #tpu.memory_space<vmem>> -> memref<128xi32, #tpu.memory_space<vmem>>
    %dma_wait3A_295 = arith.constant 0 : i32
    %dma_wait3A_296 = arith.constant 0 : i32
    %dma_wait3A_297 = tpu.memref_slice %arg3[%dma_wait3A_295, %dma_wait3A_296] : memref<2162688x16xf32, #tpu.memory_space<hbm>> -> memref<2162688x16xf32, #tpu.memory_space<hbm>>
    tpu.wait_indirect_dma semaphore(%arg21 : memref<!tpu.dma_semaphore, #tpu.memory_space<semaphore_mem>>) src(%dma_wait3A_297 : memref<2162688x16xf32, #tpu.memory_space<hbm>>) dst(%arg11 : memref<128x16xf32, #tpu.memory_space<vmem>>)
    %dma_wait3A_298 = arith.constant 8 : i32
    %dma_wait3A_299 = arith.constant 0 : i32
    %dma_wait3A_300 = tpu.memref_slice %arg6[%dma_wait3A_298, %dma_wait3A_299] : memref<26x128xi32, #tpu.memory_space<vmem>> -> memref<1x128xi32, #tpu.memory_space<vmem>>
    %dma_wait3A_301 = tpu.memref_squeeze %dma_wait3A_300 : memref<1x128xi32, #tpu.memory_space<vmem>> -> memref<128xi32, #tpu.memory_space<vmem>>
    %dma_wait3A_302 = arith.constant 0 : i32
    %dma_wait3A_303 = arith.constant 0 : i32
    %dma_wait3A_304 = tpu.memref_slice %arg3[%dma_wait3A_302, %dma_wait3A_303] : memref<2162688x16xf32, #tpu.memory_space<hbm>> -> memref<2162688x16xf32, #tpu.memory_space<hbm>>
    tpu.wait_indirect_dma semaphore(%arg21 : memref<!tpu.dma_semaphore, #tpu.memory_space<semaphore_mem>>) src(%dma_wait3A_304 : memref<2162688x16xf32, #tpu.memory_space<hbm>>) dst(%arg12 : memref<128x16xf32, #tpu.memory_space<vmem>>)
    %dma_wait3A_305 = arith.constant 8 : i32
    %dma_wait3A_306 = arith.constant 0 : i32
    %dma_wait3A_307 = tpu.memref_slice %arg7[%dma_wait3A_305, %dma_wait3A_306] : memref<26x128xi32, #tpu.memory_space<vmem>> -> memref<1x128xi32, #tpu.memory_space<vmem>>
    %dma_wait3A_308 = tpu.memref_squeeze %dma_wait3A_307 : memref<1x128xi32, #tpu.memory_space<vmem>> -> memref<128xi32, #tpu.memory_space<vmem>>
    %dma_wait3A_309 = arith.constant 0 : i32
    %dma_wait3A_310 = arith.constant 0 : i32
    %dma_wait3A_311 = tpu.memref_slice %arg3[%dma_wait3A_309, %dma_wait3A_310] : memref<2162688x16xf32, #tpu.memory_space<hbm>> -> memref<2162688x16xf32, #tpu.memory_space<hbm>>
    tpu.wait_indirect_dma semaphore(%arg21 : memref<!tpu.dma_semaphore, #tpu.memory_space<semaphore_mem>>) src(%dma_wait3A_311 : memref<2162688x16xf32, #tpu.memory_space<hbm>>) dst(%arg13 : memref<128x16xf32, #tpu.memory_space<vmem>>)
    %scan3A_312 = arith.constant 0 : i32
    %scan3A_313 = arith.constant 0 : i32
    %scan3A_314 = arith.constant 128 : i32
    %scan3A_315 = arith.addi %scan3A_313, %scan3A_314 : i32
    %scan3A_316 = arith.constant 1 : i32
    scf.for %scan3A_790 = %scan3A_313 to %scan3A_315 step %scan3A_316  : i32 {
      %mul3A_791 = arith.constant 33 : i32
      %mul3A_792 = arith.muli %scan3A_790, %mul3A_791 : i32
      %add3A_793 = arith.constant 1 : i32
      %add3A_794 = arith.addi %mul3A_792, %add3A_793 : i32
      %get3A = arith.index_cast %add3A_794 : i32 to index
      %get3A_795 = tpu.vector_load %arg20[%get3A] {strides = array<i32>} : memref<4224xf32, #tpu.memory_space<vmem>>, vector<16xf32>,
      %get3A_796 = vector.shape_cast %get3A_795 : vector<16xf32> to vector<16xf32>
      %add3A_797 = arith.constant 1 : i32
      %add3A_798 = arith.addi %mul3A_792, %add3A_797 : i32
      %add3A_799 = arith.constant 16 : i32
      %add3A_800 = arith.addi %add3A_798, %add3A_799 : i32
      %get3A_801 = arith.index_cast %add3A_800 : i32 to index
      %get3A_802 = tpu.vector_load %arg20[%get3A_801] {strides = array<i32>} : memref<4224xf32, #tpu.memory_space<vmem>>, vector<16xf32>,
      %get3A_803 = vector.shape_cast %get3A_802 : vector<16xf32> to vector<16xf32>
      %get3A_804 = arith.index_cast %scan3A_790 : i32 to index
      %get3A_805 = arith.constant 0 : index
      %get3A_806 = tpu.vector_load %arg8[%get3A_804, %get3A_805] {strides = array<i32>} : memref<128x16xf32, #tpu.memory_space<vmem>>, vector<1x16xf32>,
      %get3A_807 = vector.shape_cast %get3A_806 : vector<1x16xf32> to vector<16xf32>
      %add3A_808 = arith.addf %get3A_796, %get3A_807 : vector<16xf32>
      %get3A_809 = arith.index_cast %scan3A_790 : i32 to index
      %get3A_810 = arith.constant 0 : index
      %get3A_811 = tpu.vector_load %arg9[%get3A_809, %get3A_810] {strides = array<i32>} : memref<128x16xf32, #tpu.memory_space<vmem>>, vector<1x16xf32>,
      %get3A_812 = vector.shape_cast %get3A_811 : vector<1x16xf32> to vector<16xf32>
      %add3A_813 = arith.addf %get3A_803, %get3A_812 : vector<16xf32>
      %get3A_814 = arith.index_cast %scan3A_790 : i32 to index
      %get3A_815 = arith.constant 0 : index
      %get3A_816 = tpu.vector_load %arg10[%get3A_814, %get3A_815] {strides = array<i32>} : memref<128x16xf32, #tpu.memory_space<vmem>>, vector<1x16xf32>,
      %get3A_817 = vector.shape_cast %get3A_816 : vector<1x16xf32> to vector<16xf32>
      %add3A_818 = arith.addf %add3A_808, %get3A_817 : vector<16xf32>
      %get3A_819 = arith.index_cast %scan3A_790 : i32 to index
      %get3A_820 = arith.constant 0 : index
      %get3A_821 = tpu.vector_load %arg11[%get3A_819, %get3A_820] {strides = array<i32>} : memref<128x16xf32, #tpu.memory_space<vmem>>, vector<1x16xf32>,
      %get3A_822 = vector.shape_cast %get3A_821 : vector<1x16xf32> to vector<16xf32>
      %add3A_823 = arith.addf %add3A_813, %get3A_822 : vector<16xf32>
      %get3A_824 = arith.index_cast %scan3A_790 : i32 to index
      %get3A_825 = arith.constant 0 : index
      %get3A_826 = tpu.vector_load %arg12[%get3A_824, %get3A_825] {strides = array<i32>} : memref<128x16xf32, #tpu.memory_space<vmem>>, vector<1x16xf32>,
      %get3A_827 = vector.shape_cast %get3A_826 : vector<1x16xf32> to vector<16xf32>
      %add3A_828 = arith.addf %add3A_818, %get3A_827 : vector<16xf32>
      %get3A_829 = arith.index_cast %scan3A_790 : i32 to index
      %get3A_830 = arith.constant 0 : index
      %get3A_831 = tpu.vector_load %arg13[%get3A_829, %get3A_830] {strides = array<i32>} : memref<128x16xf32, #tpu.memory_space<vmem>>, vector<1x16xf32>,
      %get3A_832 = vector.shape_cast %get3A_831 : vector<1x16xf32> to vector<16xf32>
      %add3A_833 = arith.addf %add3A_823, %get3A_832 : vector<16xf32>
      %add3A_834 = arith.constant 1 : i32
      %add3A_835 = arith.addi %mul3A_792, %add3A_834 : i32
      %swap3A = arith.index_cast %add3A_835 : i32 to index
      %swap3A_836 = tpu.vector_load %arg20[%swap3A] {strides = array<i32>} : memref<4224xf32, #tpu.memory_space<vmem>>, vector<16xf32>,
      %swap3A_837 = vector.shape_cast %swap3A_836 : vector<16xf32> to vector<16xf32>
      %swap3A_838 = vector.shape_cast %add3A_828 : vector<16xf32> to vector<16xf32>
      tpu.vector_store %arg20[%swap3A], %swap3A_838 {strides = array<i32>} : memref<4224xf32, #tpu.memory_space<vmem>>, vector<16xf32>,
      %add3A_839 = arith.constant 1 : i32
      %add3A_840 = arith.addi %mul3A_792, %add3A_839 : i32
      %add3A_841 = arith.constant 16 : i32
      %add3A_842 = arith.addi %add3A_840, %add3A_841 : i32
      %swap3A_843 = arith.index_cast %add3A_842 : i32 to index
      %swap3A_844 = tpu.vector_load %arg20[%swap3A_843] {strides = array<i32>} : memref<4224xf32, #tpu.memory_space<vmem>>, vector<16xf32>,
      %swap3A_845 = vector.shape_cast %swap3A_844 : vector<16xf32> to vector<16xf32>
      %swap3A_846 = vector.shape_cast %add3A_833 : vector<16xf32> to vector<16xf32>
      tpu.vector_store %arg20[%swap3A_843], %swap3A_846 {strides = array<i32>} : memref<4224xf32, #tpu.memory_space<vmem>>, vector<16xf32>,
    }
    %scan3A_317 = arith.constant 128 : i32
    %dma_start3A_318 = arith.constant 12 : i32
    %dma_start3A_319 = arith.constant 0 : i32
    %dma_start3A_320 = tpu.memref_slice %arg6[%dma_start3A_318, %dma_start3A_319] : memref<26x128xi32, #tpu.memory_space<vmem>> -> memref<1x128xi32, #tpu.memory_space<vmem>>
    %dma_start3A_321 = tpu.memref_squeeze %dma_start3A_320 : memref<1x128xi32, #tpu.memory_space<vmem>> -> memref<128xi32, #tpu.memory_space<vmem>>
    %dma_start3A_322 = arith.constant 0 : i32
    %dma_start3A_323 = arith.constant 0 : i32
    %dma_start3A_324 = tpu.memref_slice %arg3[%dma_start3A_322, %dma_start3A_323] : memref<2162688x16xf32, #tpu.memory_space<hbm>> -> memref<2162688x16xf32, #tpu.memory_space<hbm>>
    tpu.enqueue_indirect_dma source(%dma_start3A_324 : memref<2162688x16xf32, #tpu.memory_space<hbm>>) target(%arg8 : memref<128x16xf32, #tpu.memory_space<vmem>>) offsets(%dma_start3A_321 : memref<128xi32, #tpu.memory_space<vmem>>) semaphore(%arg21 : memref<!tpu.dma_semaphore, #tpu.memory_space<semaphore_mem>>)
    %dma_start3A_325 = arith.constant 12 : i32
    %dma_start3A_326 = arith.constant 0 : i32
    %dma_start3A_327 = tpu.memref_slice %arg7[%dma_start3A_325, %dma_start3A_326] : memref<26x128xi32, #tpu.memory_space<vmem>> -> memref<1x128xi32, #tpu.memory_space<vmem>>
    %dma_start3A_328 = tpu.memref_squeeze %dma_start3A_327 : memref<1x128xi32, #tpu.memory_space<vmem>> -> memref<128xi32, #tpu.memory_space<vmem>>
    %dma_start3A_329 = arith.constant 0 : i32
    %dma_start3A_330 = arith.constant 0 : i32
    %dma_start3A_331 = tpu.memref_slice %arg3[%dma_start3A_329, %dma_start3A_330] : memref<2162688x16xf32, #tpu.memory_space<hbm>> -> memref<2162688x16xf32, #tpu.memory_space<hbm>>
    tpu.enqueue_indirect_dma source(%dma_start3A_331 : memref<2162688x16xf32, #tpu.memory_space<hbm>>) target(%arg9 : memref<128x16xf32, #tpu.memory_space<vmem>>) offsets(%dma_start3A_328 : memref<128xi32, #tpu.memory_space<vmem>>) semaphore(%arg21 : memref<!tpu.dma_semaphore, #tpu.memory_space<semaphore_mem>>)
    %dma_start3A_332 = arith.constant 13 : i32
    %dma_start3A_333 = arith.constant 0 : i32
    %dma_start3A_334 = tpu.memref_slice %arg6[%dma_start3A_332, %dma_start3A_333] : memref<26x128xi32, #tpu.memory_space<vmem>> -> memref<1x128xi32, #tpu.memory_space<vmem>>
    %dma_start3A_335 = tpu.memref_squeeze %dma_start3A_334 : memref<1x128xi32, #tpu.memory_space<vmem>> -> memref<128xi32, #tpu.memory_space<vmem>>
    %dma_start3A_336 = arith.constant 0 : i32
    %dma_start3A_337 = arith.constant 0 : i32
    %dma_start3A_338 = tpu.memref_slice %arg3[%dma_start3A_336, %dma_start3A_337] : memref<2162688x16xf32, #tpu.memory_space<hbm>> -> memref<2162688x16xf32, #tpu.memory_space<hbm>>
    tpu.enqueue_indirect_dma source(%dma_start3A_338 : memref<2162688x16xf32, #tpu.memory_space<hbm>>) target(%arg10 : memref<128x16xf32, #tpu.memory_space<vmem>>) offsets(%dma_start3A_335 : memref<128xi32, #tpu.memory_space<vmem>>) semaphore(%arg21 : memref<!tpu.dma_semaphore, #tpu.memory_space<semaphore_mem>>)
    %dma_start3A_339 = arith.constant 13 : i32
    %dma_start3A_340 = arith.constant 0 : i32
    %dma_start3A_341 = tpu.memref_slice %arg7[%dma_start3A_339, %dma_start3A_340] : memref<26x128xi32, #tpu.memory_space<vmem>> -> memref<1x128xi32, #tpu.memory_space<vmem>>
    %dma_start3A_342 = tpu.memref_squeeze %dma_start3A_341 : memref<1x128xi32, #tpu.memory_space<vmem>> -> memref<128xi32, #tpu.memory_space<vmem>>
    %dma_start3A_343 = arith.constant 0 : i32
    %dma_start3A_344 = arith.constant 0 : i32
    %dma_start3A_345 = tpu.memref_slice %arg3[%dma_start3A_343, %dma_start3A_344] : memref<2162688x16xf32, #tpu.memory_space<hbm>> -> memref<2162688x16xf32, #tpu.memory_space<hbm>>
    tpu.enqueue_indirect_dma source(%dma_start3A_345 : memref<2162688x16xf32, #tpu.memory_space<hbm>>) target(%arg11 : memref<128x16xf32, #tpu.memory_space<vmem>>) offsets(%dma_start3A_342 : memref<128xi32, #tpu.memory_space<vmem>>) semaphore(%arg21 : memref<!tpu.dma_semaphore, #tpu.memory_space<semaphore_mem>>)
    %dma_start3A_346 = arith.constant 14 : i32
    %dma_start3A_347 = arith.constant 0 : i32
    %dma_start3A_348 = tpu.memref_slice %arg6[%dma_start3A_346, %dma_start3A_347] : memref<26x128xi32, #tpu.memory_space<vmem>> -> memref<1x128xi32, #tpu.memory_space<vmem>>
    %dma_start3A_349 = tpu.memref_squeeze %dma_start3A_348 : memref<1x128xi32, #tpu.memory_space<vmem>> -> memref<128xi32, #tpu.memory_space<vmem>>
    %dma_start3A_350 = arith.constant 0 : i32
    %dma_start3A_351 = arith.constant 0 : i32
    %dma_start3A_352 = tpu.memref_slice %arg3[%dma_start3A_350, %dma_start3A_351] : memref<2162688x16xf32, #tpu.memory_space<hbm>> -> memref<2162688x16xf32, #tpu.memory_space<hbm>>
    tpu.enqueue_indirect_dma source(%dma_start3A_352 : memref<2162688x16xf32, #tpu.memory_space<hbm>>) target(%arg12 : memref<128x16xf32, #tpu.memory_space<vmem>>) offsets(%dma_start3A_349 : memref<128xi32, #tpu.memory_space<vmem>>) semaphore(%arg21 : memref<!tpu.dma_semaphore, #tpu.memory_space<semaphore_mem>>)
    %dma_start3A_353 = arith.constant 14 : i32
    %dma_start3A_354 = arith.constant 0 : i32
    %dma_start3A_355 = tpu.memref_slice %arg7[%dma_start3A_353, %dma_start3A_354] : memref<26x128xi32, #tpu.memory_space<vmem>> -> memref<1x128xi32, #tpu.memory_space<vmem>>
    %dma_start3A_356 = tpu.memref_squeeze %dma_start3A_355 : memref<1x128xi32, #tpu.memory_space<vmem>> -> memref<128xi32, #tpu.memory_space<vmem>>
    %dma_start3A_357 = arith.constant 0 : i32
    %dma_start3A_358 = arith.constant 0 : i32
    %dma_start3A_359 = tpu.memref_slice %arg3[%dma_start3A_357, %dma_start3A_358] : memref<2162688x16xf32, #tpu.memory_space<hbm>> -> memref<2162688x16xf32, #tpu.memory_space<hbm>>
    tpu.enqueue_indirect_dma source(%dma_start3A_359 : memref<2162688x16xf32, #tpu.memory_space<hbm>>) target(%arg13 : memref<128x16xf32, #tpu.memory_space<vmem>>) offsets(%dma_start3A_356 : memref<128xi32, #tpu.memory_space<vmem>>) semaphore(%arg21 : memref<!tpu.dma_semaphore, #tpu.memory_space<semaphore_mem>>)
    %dma_wait3A_360 = arith.constant 9 : i32
    %dma_wait3A_361 = arith.constant 0 : i32
    %dma_wait3A_362 = tpu.memref_slice %arg6[%dma_wait3A_360, %dma_wait3A_361] : memref<26x128xi32, #tpu.memory_space<vmem>> -> memref<1x128xi32, #tpu.memory_space<vmem>>
    %dma_wait3A_363 = tpu.memref_squeeze %dma_wait3A_362 : memref<1x128xi32, #tpu.memory_space<vmem>> -> memref<128xi32, #tpu.memory_space<vmem>>
    %dma_wait3A_364 = arith.constant 0 : i32
    %dma_wait3A_365 = arith.constant 0 : i32
    %dma_wait3A_366 = tpu.memref_slice %arg3[%dma_wait3A_364, %dma_wait3A_365] : memref<2162688x16xf32, #tpu.memory_space<hbm>> -> memref<2162688x16xf32, #tpu.memory_space<hbm>>
    tpu.wait_indirect_dma semaphore(%arg22 : memref<!tpu.dma_semaphore, #tpu.memory_space<semaphore_mem>>) src(%dma_wait3A_366 : memref<2162688x16xf32, #tpu.memory_space<hbm>>) dst(%arg14 : memref<128x16xf32, #tpu.memory_space<vmem>>)
    %dma_wait3A_367 = arith.constant 9 : i32
    %dma_wait3A_368 = arith.constant 0 : i32
    %dma_wait3A_369 = tpu.memref_slice %arg7[%dma_wait3A_367, %dma_wait3A_368] : memref<26x128xi32, #tpu.memory_space<vmem>> -> memref<1x128xi32, #tpu.memory_space<vmem>>
    %dma_wait3A_370 = tpu.memref_squeeze %dma_wait3A_369 : memref<1x128xi32, #tpu.memory_space<vmem>> -> memref<128xi32, #tpu.memory_space<vmem>>
    %dma_wait3A_371 = arith.constant 0 : i32
    %dma_wait3A_372 = arith.constant 0 : i32
    %dma_wait3A_373 = tpu.memref_slice %arg3[%dma_wait3A_371, %dma_wait3A_372] : memref<2162688x16xf32, #tpu.memory_space<hbm>> -> memref<2162688x16xf32, #tpu.memory_space<hbm>>
    tpu.wait_indirect_dma semaphore(%arg22 : memref<!tpu.dma_semaphore, #tpu.memory_space<semaphore_mem>>) src(%dma_wait3A_373 : memref<2162688x16xf32, #tpu.memory_space<hbm>>) dst(%arg15 : memref<128x16xf32, #tpu.memory_space<vmem>>)
    %dma_wait3A_374 = arith.constant 10 : i32
    %dma_wait3A_375 = arith.constant 0 : i32
    %dma_wait3A_376 = tpu.memref_slice %arg6[%dma_wait3A_374, %dma_wait3A_375] : memref<26x128xi32, #tpu.memory_space<vmem>> -> memref<1x128xi32, #tpu.memory_space<vmem>>
    %dma_wait3A_377 = tpu.memref_squeeze %dma_wait3A_376 : memref<1x128xi32, #tpu.memory_space<vmem>> -> memref<128xi32, #tpu.memory_space<vmem>>
    %dma_wait3A_378 = arith.constant 0 : i32
    %dma_wait3A_379 = arith.constant 0 : i32
    %dma_wait3A_380 = tpu.memref_slice %arg3[%dma_wait3A_378, %dma_wait3A_379] : memref<2162688x16xf32, #tpu.memory_space<hbm>> -> memref<2162688x16xf32, #tpu.memory_space<hbm>>
    tpu.wait_indirect_dma semaphore(%arg22 : memref<!tpu.dma_semaphore, #tpu.memory_space<semaphore_mem>>) src(%dma_wait3A_380 : memref<2162688x16xf32, #tpu.memory_space<hbm>>) dst(%arg16 : memref<128x16xf32, #tpu.memory_space<vmem>>)
    %dma_wait3A_381 = arith.constant 10 : i32
    %dma_wait3A_382 = arith.constant 0 : i32
    %dma_wait3A_383 = tpu.memref_slice %arg7[%dma_wait3A_381, %dma_wait3A_382] : memref<26x128xi32, #tpu.memory_space<vmem>> -> memref<1x128xi32, #tpu.memory_space<vmem>>
    %dma_wait3A_384 = tpu.memref_squeeze %dma_wait3A_383 : memref<1x128xi32, #tpu.memory_space<vmem>> -> memref<128xi32, #tpu.memory_space<vmem>>
    %dma_wait3A_385 = arith.constant 0 : i32
    %dma_wait3A_386 = arith.constant 0 : i32
    %dma_wait3A_387 = tpu.memref_slice %arg3[%dma_wait3A_385, %dma_wait3A_386] : memref<2162688x16xf32, #tpu.memory_space<hbm>> -> memref<2162688x16xf32, #tpu.memory_space<hbm>>
    tpu.wait_indirect_dma semaphore(%arg22 : memref<!tpu.dma_semaphore, #tpu.memory_space<semaphore_mem>>) src(%dma_wait3A_387 : memref<2162688x16xf32, #tpu.memory_space<hbm>>) dst(%arg17 : memref<128x16xf32, #tpu.memory_space<vmem>>)
    %dma_wait3A_388 = arith.constant 11 : i32
    %dma_wait3A_389 = arith.constant 0 : i32
    %dma_wait3A_390 = tpu.memref_slice %arg6[%dma_wait3A_388, %dma_wait3A_389] : memref<26x128xi32, #tpu.memory_space<vmem>> -> memref<1x128xi32, #tpu.memory_space<vmem>>
    %dma_wait3A_391 = tpu.memref_squeeze %dma_wait3A_390 : memref<1x128xi32, #tpu.memory_space<vmem>> -> memref<128xi32, #tpu.memory_space<vmem>>
    %dma_wait3A_392 = arith.constant 0 : i32
    %dma_wait3A_393 = arith.constant 0 : i32
    %dma_wait3A_394 = tpu.memref_slice %arg3[%dma_wait3A_392, %dma_wait3A_393] : memref<2162688x16xf32, #tpu.memory_space<hbm>> -> memref<2162688x16xf32, #tpu.memory_space<hbm>>
    tpu.wait_indirect_dma semaphore(%arg22 : memref<!tpu.dma_semaphore, #tpu.memory_space<semaphore_mem>>) src(%dma_wait3A_394 : memref<2162688x16xf32, #tpu.memory_space<hbm>>) dst(%arg18 : memref<128x16xf32, #tpu.memory_space<vmem>>)
    %dma_wait3A_395 = arith.constant 11 : i32
    %dma_wait3A_396 = arith.constant 0 : i32
    %dma_wait3A_397 = tpu.memref_slice %arg7[%dma_wait3A_395, %dma_wait3A_396] : memref<26x128xi32, #tpu.memory_space<vmem>> -> memref<1x128xi32, #tpu.memory_space<vmem>>
    %dma_wait3A_398 = tpu.memref_squeeze %dma_wait3A_397 : memref<1x128xi32, #tpu.memory_space<vmem>> -> memref<128xi32, #tpu.memory_space<vmem>>
    %dma_wait3A_399 = arith.constant 0 : i32
    %dma_wait3A_400 = arith.constant 0 : i32
    %dma_wait3A_401 = tpu.memref_slice %arg3[%dma_wait3A_399, %dma_wait3A_400] : memref<2162688x16xf32, #tpu.memory_space<hbm>> -> memref<2162688x16xf32, #tpu.memory_space<hbm>>
    tpu.wait_indirect_dma semaphore(%arg22 : memref<!tpu.dma_semaphore, #tpu.memory_space<semaphore_mem>>) src(%dma_wait3A_401 : memref<2162688x16xf32, #tpu.memory_space<hbm>>) dst(%arg19 : memref<128x16xf32, #tpu.memory_space<vmem>>)
    %scan3A_402 = arith.constant 0 : i32
    %scan3A_403 = arith.constant 0 : i32
    %scan3A_404 = arith.constant 128 : i32
    %scan3A_405 = arith.addi %scan3A_403, %scan3A_404 : i32
    %scan3A_406 = arith.constant 1 : i32
    scf.for %scan3A_790 = %scan3A_403 to %scan3A_405 step %scan3A_406  : i32 {
      %mul3A_791 = arith.constant 33 : i32
      %mul3A_792 = arith.muli %scan3A_790, %mul3A_791 : i32
      %add3A_793 = arith.constant 1 : i32
      %add3A_794 = arith.addi %mul3A_792, %add3A_793 : i32
      %get3A = arith.index_cast %add3A_794 : i32 to index
      %get3A_795 = tpu.vector_load %arg20[%get3A] {strides = array<i32>} : memref<4224xf32, #tpu.memory_space<vmem>>, vector<16xf32>,
      %get3A_796 = vector.shape_cast %get3A_795 : vector<16xf32> to vector<16xf32>
      %add3A_797 = arith.constant 1 : i32
      %add3A_798 = arith.addi %mul3A_792, %add3A_797 : i32
      %add3A_799 = arith.constant 16 : i32
      %add3A_800 = arith.addi %add3A_798, %add3A_799 : i32
      %get3A_801 = arith.index_cast %add3A_800 : i32 to index
      %get3A_802 = tpu.vector_load %arg20[%get3A_801] {strides = array<i32>} : memref<4224xf32, #tpu.memory_space<vmem>>, vector<16xf32>,
      %get3A_803 = vector.shape_cast %get3A_802 : vector<16xf32> to vector<16xf32>
      %get3A_804 = arith.index_cast %scan3A_790 : i32 to index
      %get3A_805 = arith.constant 0 : index
      %get3A_806 = tpu.vector_load %arg14[%get3A_804, %get3A_805] {strides = array<i32>} : memref<128x16xf32, #tpu.memory_space<vmem>>, vector<1x16xf32>,
      %get3A_807 = vector.shape_cast %get3A_806 : vector<1x16xf32> to vector<16xf32>
      %add3A_808 = arith.addf %get3A_796, %get3A_807 : vector<16xf32>
      %get3A_809 = arith.index_cast %scan3A_790 : i32 to index
      %get3A_810 = arith.constant 0 : index
      %get3A_811 = tpu.vector_load %arg15[%get3A_809, %get3A_810] {strides = array<i32>} : memref<128x16xf32, #tpu.memory_space<vmem>>, vector<1x16xf32>,
      %get3A_812 = vector.shape_cast %get3A_811 : vector<1x16xf32> to vector<16xf32>
      %add3A_813 = arith.addf %get3A_803, %get3A_812 : vector<16xf32>
      %get3A_814 = arith.index_cast %scan3A_790 : i32 to index
      %get3A_815 = arith.constant 0 : index
      %get3A_816 = tpu.vector_load %arg16[%get3A_814, %get3A_815] {strides = array<i32>} : memref<128x16xf32, #tpu.memory_space<vmem>>, vector<1x16xf32>,
      %get3A_817 = vector.shape_cast %get3A_816 : vector<1x16xf32> to vector<16xf32>
      %add3A_818 = arith.addf %add3A_808, %get3A_817 : vector<16xf32>
      %get3A_819 = arith.index_cast %scan3A_790 : i32 to index
      %get3A_820 = arith.constant 0 : index
      %get3A_821 = tpu.vector_load %arg17[%get3A_819, %get3A_820] {strides = array<i32>} : memref<128x16xf32, #tpu.memory_space<vmem>>, vector<1x16xf32>,
      %get3A_822 = vector.shape_cast %get3A_821 : vector<1x16xf32> to vector<16xf32>
      %add3A_823 = arith.addf %add3A_813, %get3A_822 : vector<16xf32>
      %get3A_824 = arith.index_cast %scan3A_790 : i32 to index
      %get3A_825 = arith.constant 0 : index
      %get3A_826 = tpu.vector_load %arg18[%get3A_824, %get3A_825] {strides = array<i32>} : memref<128x16xf32, #tpu.memory_space<vmem>>, vector<1x16xf32>,
      %get3A_827 = vector.shape_cast %get3A_826 : vector<1x16xf32> to vector<16xf32>
      %add3A_828 = arith.addf %add3A_818, %get3A_827 : vector<16xf32>
      %get3A_829 = arith.index_cast %scan3A_790 : i32 to index
      %get3A_830 = arith.constant 0 : index
      %get3A_831 = tpu.vector_load %arg19[%get3A_829, %get3A_830] {strides = array<i32>} : memref<128x16xf32, #tpu.memory_space<vmem>>, vector<1x16xf32>,
      %get3A_832 = vector.shape_cast %get3A_831 : vector<1x16xf32> to vector<16xf32>
      %add3A_833 = arith.addf %add3A_823, %get3A_832 : vector<16xf32>
      %add3A_834 = arith.constant 1 : i32
      %add3A_835 = arith.addi %mul3A_792, %add3A_834 : i32
      %swap3A = arith.index_cast %add3A_835 : i32 to index
      %swap3A_836 = tpu.vector_load %arg20[%swap3A] {strides = array<i32>} : memref<4224xf32, #tpu.memory_space<vmem>>, vector<16xf32>,
      %swap3A_837 = vector.shape_cast %swap3A_836 : vector<16xf32> to vector<16xf32>
      %swap3A_838 = vector.shape_cast %add3A_828 : vector<16xf32> to vector<16xf32>
      tpu.vector_store %arg20[%swap3A], %swap3A_838 {strides = array<i32>} : memref<4224xf32, #tpu.memory_space<vmem>>, vector<16xf32>,
      %add3A_839 = arith.constant 1 : i32
      %add3A_840 = arith.addi %mul3A_792, %add3A_839 : i32
      %add3A_841 = arith.constant 16 : i32
      %add3A_842 = arith.addi %add3A_840, %add3A_841 : i32
      %swap3A_843 = arith.index_cast %add3A_842 : i32 to index
      %swap3A_844 = tpu.vector_load %arg20[%swap3A_843] {strides = array<i32>} : memref<4224xf32, #tpu.memory_space<vmem>>, vector<16xf32>,
      %swap3A_845 = vector.shape_cast %swap3A_844 : vector<16xf32> to vector<16xf32>
      %swap3A_846 = vector.shape_cast %add3A_833 : vector<16xf32> to vector<16xf32>
      tpu.vector_store %arg20[%swap3A_843], %swap3A_846 {strides = array<i32>} : memref<4224xf32, #tpu.memory_space<vmem>>, vector<16xf32>,
    }
    %scan3A_407 = arith.constant 128 : i32
    %dma_start3A_408 = arith.constant 15 : i32
    %dma_start3A_409 = arith.constant 0 : i32
    %dma_start3A_410 = tpu.memref_slice %arg6[%dma_start3A_408, %dma_start3A_409] : memref<26x128xi32, #tpu.memory_space<vmem>> -> memref<1x128xi32, #tpu.memory_space<vmem>>
    %dma_start3A_411 = tpu.memref_squeeze %dma_start3A_410 : memref<1x128xi32, #tpu.memory_space<vmem>> -> memref<128xi32, #tpu.memory_space<vmem>>
    %dma_start3A_412 = arith.constant 0 : i32
    %dma_start3A_413 = arith.constant 0 : i32
    %dma_start3A_414 = tpu.memref_slice %arg3[%dma_start3A_412, %dma_start3A_413] : memref<2162688x16xf32, #tpu.memory_space<hbm>> -> memref<2162688x16xf32, #tpu.memory_space<hbm>>
    tpu.enqueue_indirect_dma source(%dma_start3A_414 : memref<2162688x16xf32, #tpu.memory_space<hbm>>) target(%arg14 : memref<128x16xf32, #tpu.memory_space<vmem>>) offsets(%dma_start3A_411 : memref<128xi32, #tpu.memory_space<vmem>>) semaphore(%arg22 : memref<!tpu.dma_semaphore, #tpu.memory_space<semaphore_mem>>)
    %dma_start3A_415 = arith.constant 15 : i32
    %dma_start3A_416 = arith.constant 0 : i32
    %dma_start3A_417 = tpu.memref_slice %arg7[%dma_start3A_415, %dma_start3A_416] : memref<26x128xi32, #tpu.memory_space<vmem>> -> memref<1x128xi32, #tpu.memory_space<vmem>>
    %dma_start3A_418 = tpu.memref_squeeze %dma_start3A_417 : memref<1x128xi32, #tpu.memory_space<vmem>> -> memref<128xi32, #tpu.memory_space<vmem>>
    %dma_start3A_419 = arith.constant 0 : i32
    %dma_start3A_420 = arith.constant 0 : i32
    %dma_start3A_421 = tpu.memref_slice %arg3[%dma_start3A_419, %dma_start3A_420] : memref<2162688x16xf32, #tpu.memory_space<hbm>> -> memref<2162688x16xf32, #tpu.memory_space<hbm>>
    tpu.enqueue_indirect_dma source(%dma_start3A_421 : memref<2162688x16xf32, #tpu.memory_space<hbm>>) target(%arg15 : memref<128x16xf32, #tpu.memory_space<vmem>>) offsets(%dma_start3A_418 : memref<128xi32, #tpu.memory_space<vmem>>) semaphore(%arg22 : memref<!tpu.dma_semaphore, #tpu.memory_space<semaphore_mem>>)
    %dma_start3A_422 = arith.constant 16 : i32
    %dma_start3A_423 = arith.constant 0 : i32
    %dma_start3A_424 = tpu.memref_slice %arg6[%dma_start3A_422, %dma_start3A_423] : memref<26x128xi32, #tpu.memory_space<vmem>> -> memref<1x128xi32, #tpu.memory_space<vmem>>
    %dma_start3A_425 = tpu.memref_squeeze %dma_start3A_424 : memref<1x128xi32, #tpu.memory_space<vmem>> -> memref<128xi32, #tpu.memory_space<vmem>>
    %dma_start3A_426 = arith.constant 0 : i32
    %dma_start3A_427 = arith.constant 0 : i32
    %dma_start3A_428 = tpu.memref_slice %arg3[%dma_start3A_426, %dma_start3A_427] : memref<2162688x16xf32, #tpu.memory_space<hbm>> -> memref<2162688x16xf32, #tpu.memory_space<hbm>>
    tpu.enqueue_indirect_dma source(%dma_start3A_428 : memref<2162688x16xf32, #tpu.memory_space<hbm>>) target(%arg16 : memref<128x16xf32, #tpu.memory_space<vmem>>) offsets(%dma_start3A_425 : memref<128xi32, #tpu.memory_space<vmem>>) semaphore(%arg22 : memref<!tpu.dma_semaphore, #tpu.memory_space<semaphore_mem>>)
    %dma_start3A_429 = arith.constant 16 : i32
    %dma_start3A_430 = arith.constant 0 : i32
    %dma_start3A_431 = tpu.memref_slice %arg7[%dma_start3A_429, %dma_start3A_430] : memref<26x128xi32, #tpu.memory_space<vmem>> -> memref<1x128xi32, #tpu.memory_space<vmem>>
    %dma_start3A_432 = tpu.memref_squeeze %dma_start3A_431 : memref<1x128xi32, #tpu.memory_space<vmem>> -> memref<128xi32, #tpu.memory_space<vmem>>
    %dma_start3A_433 = arith.constant 0 : i32
    %dma_start3A_434 = arith.constant 0 : i32
    %dma_start3A_435 = tpu.memref_slice %arg3[%dma_start3A_433, %dma_start3A_434] : memref<2162688x16xf32, #tpu.memory_space<hbm>> -> memref<2162688x16xf32, #tpu.memory_space<hbm>>
    tpu.enqueue_indirect_dma source(%dma_start3A_435 : memref<2162688x16xf32, #tpu.memory_space<hbm>>) target(%arg17 : memref<128x16xf32, #tpu.memory_space<vmem>>) offsets(%dma_start3A_432 : memref<128xi32, #tpu.memory_space<vmem>>) semaphore(%arg22 : memref<!tpu.dma_semaphore, #tpu.memory_space<semaphore_mem>>)
    %dma_start3A_436 = arith.constant 17 : i32
    %dma_start3A_437 = arith.constant 0 : i32
    %dma_start3A_438 = tpu.memref_slice %arg6[%dma_start3A_436, %dma_start3A_437] : memref<26x128xi32, #tpu.memory_space<vmem>> -> memref<1x128xi32, #tpu.memory_space<vmem>>
    %dma_start3A_439 = tpu.memref_squeeze %dma_start3A_438 : memref<1x128xi32, #tpu.memory_space<vmem>> -> memref<128xi32, #tpu.memory_space<vmem>>
    %dma_start3A_440 = arith.constant 0 : i32
    %dma_start3A_441 = arith.constant 0 : i32
    %dma_start3A_442 = tpu.memref_slice %arg3[%dma_start3A_440, %dma_start3A_441] : memref<2162688x16xf32, #tpu.memory_space<hbm>> -> memref<2162688x16xf32, #tpu.memory_space<hbm>>
    tpu.enqueue_indirect_dma source(%dma_start3A_442 : memref<2162688x16xf32, #tpu.memory_space<hbm>>) target(%arg18 : memref<128x16xf32, #tpu.memory_space<vmem>>) offsets(%dma_start3A_439 : memref<128xi32, #tpu.memory_space<vmem>>) semaphore(%arg22 : memref<!tpu.dma_semaphore, #tpu.memory_space<semaphore_mem>>)
    %dma_start3A_443 = arith.constant 17 : i32
    %dma_start3A_444 = arith.constant 0 : i32
    %dma_start3A_445 = tpu.memref_slice %arg7[%dma_start3A_443, %dma_start3A_444] : memref<26x128xi32, #tpu.memory_space<vmem>> -> memref<1x128xi32, #tpu.memory_space<vmem>>
    %dma_start3A_446 = tpu.memref_squeeze %dma_start3A_445 : memref<1x128xi32, #tpu.memory_space<vmem>> -> memref<128xi32, #tpu.memory_space<vmem>>
    %dma_start3A_447 = arith.constant 0 : i32
    %dma_start3A_448 = arith.constant 0 : i32
    %dma_start3A_449 = tpu.memref_slice %arg3[%dma_start3A_447, %dma_start3A_448] : memref<2162688x16xf32, #tpu.memory_space<hbm>> -> memref<2162688x16xf32, #tpu.memory_space<hbm>>
    tpu.enqueue_indirect_dma source(%dma_start3A_449 : memref<2162688x16xf32, #tpu.memory_space<hbm>>) target(%arg19 : memref<128x16xf32, #tpu.memory_space<vmem>>) offsets(%dma_start3A_446 : memref<128xi32, #tpu.memory_space<vmem>>) semaphore(%arg22 : memref<!tpu.dma_semaphore, #tpu.memory_space<semaphore_mem>>)
    %dma_wait3A_450 = arith.constant 12 : i32
    %dma_wait3A_451 = arith.constant 0 : i32
    %dma_wait3A_452 = tpu.memref_slice %arg6[%dma_wait3A_450, %dma_wait3A_451] : memref<26x128xi32, #tpu.memory_space<vmem>> -> memref<1x128xi32, #tpu.memory_space<vmem>>
    %dma_wait3A_453 = tpu.memref_squeeze %dma_wait3A_452 : memref<1x128xi32, #tpu.memory_space<vmem>> -> memref<128xi32, #tpu.memory_space<vmem>>
    %dma_wait3A_454 = arith.constant 0 : i32
    %dma_wait3A_455 = arith.constant 0 : i32
    %dma_wait3A_456 = tpu.memref_slice %arg3[%dma_wait3A_454, %dma_wait3A_455] : memref<2162688x16xf32, #tpu.memory_space<hbm>> -> memref<2162688x16xf32, #tpu.memory_space<hbm>>
    tpu.wait_indirect_dma semaphore(%arg21 : memref<!tpu.dma_semaphore, #tpu.memory_space<semaphore_mem>>) src(%dma_wait3A_456 : memref<2162688x16xf32, #tpu.memory_space<hbm>>) dst(%arg8 : memref<128x16xf32, #tpu.memory_space<vmem>>)
    %dma_wait3A_457 = arith.constant 12 : i32
    %dma_wait3A_458 = arith.constant 0 : i32
    %dma_wait3A_459 = tpu.memref_slice %arg7[%dma_wait3A_457, %dma_wait3A_458] : memref<26x128xi32, #tpu.memory_space<vmem>> -> memref<1x128xi32, #tpu.memory_space<vmem>>
    %dma_wait3A_460 = tpu.memref_squeeze %dma_wait3A_459 : memref<1x128xi32, #tpu.memory_space<vmem>> -> memref<128xi32, #tpu.memory_space<vmem>>
    %dma_wait3A_461 = arith.constant 0 : i32
    %dma_wait3A_462 = arith.constant 0 : i32
    %dma_wait3A_463 = tpu.memref_slice %arg3[%dma_wait3A_461, %dma_wait3A_462] : memref<2162688x16xf32, #tpu.memory_space<hbm>> -> memref<2162688x16xf32, #tpu.memory_space<hbm>>
    tpu.wait_indirect_dma semaphore(%arg21 : memref<!tpu.dma_semaphore, #tpu.memory_space<semaphore_mem>>) src(%dma_wait3A_463 : memref<2162688x16xf32, #tpu.memory_space<hbm>>) dst(%arg9 : memref<128x16xf32, #tpu.memory_space<vmem>>)
    %dma_wait3A_464 = arith.constant 13 : i32
    %dma_wait3A_465 = arith.constant 0 : i32
    %dma_wait3A_466 = tpu.memref_slice %arg6[%dma_wait3A_464, %dma_wait3A_465] : memref<26x128xi32, #tpu.memory_space<vmem>> -> memref<1x128xi32, #tpu.memory_space<vmem>>
    %dma_wait3A_467 = tpu.memref_squeeze %dma_wait3A_466 : memref<1x128xi32, #tpu.memory_space<vmem>> -> memref<128xi32, #tpu.memory_space<vmem>>
    %dma_wait3A_468 = arith.constant 0 : i32
    %dma_wait3A_469 = arith.constant 0 : i32
    %dma_wait3A_470 = tpu.memref_slice %arg3[%dma_wait3A_468, %dma_wait3A_469] : memref<2162688x16xf32, #tpu.memory_space<hbm>> -> memref<2162688x16xf32, #tpu.memory_space<hbm>>
    tpu.wait_indirect_dma semaphore(%arg21 : memref<!tpu.dma_semaphore, #tpu.memory_space<semaphore_mem>>) src(%dma_wait3A_470 : memref<2162688x16xf32, #tpu.memory_space<hbm>>) dst(%arg10 : memref<128x16xf32, #tpu.memory_space<vmem>>)
    %dma_wait3A_471 = arith.constant 13 : i32
    %dma_wait3A_472 = arith.constant 0 : i32
    %dma_wait3A_473 = tpu.memref_slice %arg7[%dma_wait3A_471, %dma_wait3A_472] : memref<26x128xi32, #tpu.memory_space<vmem>> -> memref<1x128xi32, #tpu.memory_space<vmem>>
    %dma_wait3A_474 = tpu.memref_squeeze %dma_wait3A_473 : memref<1x128xi32, #tpu.memory_space<vmem>> -> memref<128xi32, #tpu.memory_space<vmem>>
    %dma_wait3A_475 = arith.constant 0 : i32
    %dma_wait3A_476 = arith.constant 0 : i32
    %dma_wait3A_477 = tpu.memref_slice %arg3[%dma_wait3A_475, %dma_wait3A_476] : memref<2162688x16xf32, #tpu.memory_space<hbm>> -> memref<2162688x16xf32, #tpu.memory_space<hbm>>
    tpu.wait_indirect_dma semaphore(%arg21 : memref<!tpu.dma_semaphore, #tpu.memory_space<semaphore_mem>>) src(%dma_wait3A_477 : memref<2162688x16xf32, #tpu.memory_space<hbm>>) dst(%arg11 : memref<128x16xf32, #tpu.memory_space<vmem>>)
    %dma_wait3A_478 = arith.constant 14 : i32
    %dma_wait3A_479 = arith.constant 0 : i32
    %dma_wait3A_480 = tpu.memref_slice %arg6[%dma_wait3A_478, %dma_wait3A_479] : memref<26x128xi32, #tpu.memory_space<vmem>> -> memref<1x128xi32, #tpu.memory_space<vmem>>
    %dma_wait3A_481 = tpu.memref_squeeze %dma_wait3A_480 : memref<1x128xi32, #tpu.memory_space<vmem>> -> memref<128xi32, #tpu.memory_space<vmem>>
    %dma_wait3A_482 = arith.constant 0 : i32
    %dma_wait3A_483 = arith.constant 0 : i32
    %dma_wait3A_484 = tpu.memref_slice %arg3[%dma_wait3A_482, %dma_wait3A_483] : memref<2162688x16xf32, #tpu.memory_space<hbm>> -> memref<2162688x16xf32, #tpu.memory_space<hbm>>
    tpu.wait_indirect_dma semaphore(%arg21 : memref<!tpu.dma_semaphore, #tpu.memory_space<semaphore_mem>>) src(%dma_wait3A_484 : memref<2162688x16xf32, #tpu.memory_space<hbm>>) dst(%arg12 : memref<128x16xf32, #tpu.memory_space<vmem>>)
    %dma_wait3A_485 = arith.constant 14 : i32
    %dma_wait3A_486 = arith.constant 0 : i32
    %dma_wait3A_487 = tpu.memref_slice %arg7[%dma_wait3A_485, %dma_wait3A_486] : memref<26x128xi32, #tpu.memory_space<vmem>> -> memref<1x128xi32, #tpu.memory_space<vmem>>
    %dma_wait3A_488 = tpu.memref_squeeze %dma_wait3A_487 : memref<1x128xi32, #tpu.memory_space<vmem>> -> memref<128xi32, #tpu.memory_space<vmem>>
    %dma_wait3A_489 = arith.constant 0 : i32
    %dma_wait3A_490 = arith.constant 0 : i32
    %dma_wait3A_491 = tpu.memref_slice %arg3[%dma_wait3A_489, %dma_wait3A_490] : memref<2162688x16xf32, #tpu.memory_space<hbm>> -> memref<2162688x16xf32, #tpu.memory_space<hbm>>
    tpu.wait_indirect_dma semaphore(%arg21 : memref<!tpu.dma_semaphore, #tpu.memory_space<semaphore_mem>>) src(%dma_wait3A_491 : memref<2162688x16xf32, #tpu.memory_space<hbm>>) dst(%arg13 : memref<128x16xf32, #tpu.memory_space<vmem>>)
    %scan3A_492 = arith.constant 0 : i32
    %scan3A_493 = arith.constant 0 : i32
    %scan3A_494 = arith.constant 128 : i32
    %scan3A_495 = arith.addi %scan3A_493, %scan3A_494 : i32
    %scan3A_496 = arith.constant 1 : i32
    scf.for %scan3A_790 = %scan3A_493 to %scan3A_495 step %scan3A_496  : i32 {
      %mul3A_791 = arith.constant 33 : i32
      %mul3A_792 = arith.muli %scan3A_790, %mul3A_791 : i32
      %add3A_793 = arith.constant 1 : i32
      %add3A_794 = arith.addi %mul3A_792, %add3A_793 : i32
      %get3A = arith.index_cast %add3A_794 : i32 to index
      %get3A_795 = tpu.vector_load %arg20[%get3A] {strides = array<i32>} : memref<4224xf32, #tpu.memory_space<vmem>>, vector<16xf32>,
      %get3A_796 = vector.shape_cast %get3A_795 : vector<16xf32> to vector<16xf32>
      %add3A_797 = arith.constant 1 : i32
      %add3A_798 = arith.addi %mul3A_792, %add3A_797 : i32
      %add3A_799 = arith.constant 16 : i32
      %add3A_800 = arith.addi %add3A_798, %add3A_799 : i32
      %get3A_801 = arith.index_cast %add3A_800 : i32 to index
      %get3A_802 = tpu.vector_load %arg20[%get3A_801] {strides = array<i32>} : memref<4224xf32, #tpu.memory_space<vmem>>, vector<16xf32>,
      %get3A_803 = vector.shape_cast %get3A_802 : vector<16xf32> to vector<16xf32>
      %get3A_804 = arith.index_cast %scan3A_790 : i32 to index
      %get3A_805 = arith.constant 0 : index
      %get3A_806 = tpu.vector_load %arg8[%get3A_804, %get3A_805] {strides = array<i32>} : memref<128x16xf32, #tpu.memory_space<vmem>>, vector<1x16xf32>,
      %get3A_807 = vector.shape_cast %get3A_806 : vector<1x16xf32> to vector<16xf32>
      %add3A_808 = arith.addf %get3A_796, %get3A_807 : vector<16xf32>
      %get3A_809 = arith.index_cast %scan3A_790 : i32 to index
      %get3A_810 = arith.constant 0 : index
      %get3A_811 = tpu.vector_load %arg9[%get3A_809, %get3A_810] {strides = array<i32>} : memref<128x16xf32, #tpu.memory_space<vmem>>, vector<1x16xf32>,
      %get3A_812 = vector.shape_cast %get3A_811 : vector<1x16xf32> to vector<16xf32>
      %add3A_813 = arith.addf %get3A_803, %get3A_812 : vector<16xf32>
      %get3A_814 = arith.index_cast %scan3A_790 : i32 to index
      %get3A_815 = arith.constant 0 : index
      %get3A_816 = tpu.vector_load %arg10[%get3A_814, %get3A_815] {strides = array<i32>} : memref<128x16xf32, #tpu.memory_space<vmem>>, vector<1x16xf32>,
      %get3A_817 = vector.shape_cast %get3A_816 : vector<1x16xf32> to vector<16xf32>
      %add3A_818 = arith.addf %add3A_808, %get3A_817 : vector<16xf32>
      %get3A_819 = arith.index_cast %scan3A_790 : i32 to index
      %get3A_820 = arith.constant 0 : index
      %get3A_821 = tpu.vector_load %arg11[%get3A_819, %get3A_820] {strides = array<i32>} : memref<128x16xf32, #tpu.memory_space<vmem>>, vector<1x16xf32>,
      %get3A_822 = vector.shape_cast %get3A_821 : vector<1x16xf32> to vector<16xf32>
      %add3A_823 = arith.addf %add3A_813, %get3A_822 : vector<16xf32>
      %get3A_824 = arith.index_cast %scan3A_790 : i32 to index
      %get3A_825 = arith.constant 0 : index
      %get3A_826 = tpu.vector_load %arg12[%get3A_824, %get3A_825] {strides = array<i32>} : memref<128x16xf32, #tpu.memory_space<vmem>>, vector<1x16xf32>,
      %get3A_827 = vector.shape_cast %get3A_826 : vector<1x16xf32> to vector<16xf32>
      %add3A_828 = arith.addf %add3A_818, %get3A_827 : vector<16xf32>
      %get3A_829 = arith.index_cast %scan3A_790 : i32 to index
      %get3A_830 = arith.constant 0 : index
      %get3A_831 = tpu.vector_load %arg13[%get3A_829, %get3A_830] {strides = array<i32>} : memref<128x16xf32, #tpu.memory_space<vmem>>, vector<1x16xf32>,
      %get3A_832 = vector.shape_cast %get3A_831 : vector<1x16xf32> to vector<16xf32>
      %add3A_833 = arith.addf %add3A_823, %get3A_832 : vector<16xf32>
      %add3A_834 = arith.constant 1 : i32
      %add3A_835 = arith.addi %mul3A_792, %add3A_834 : i32
      %swap3A = arith.index_cast %add3A_835 : i32 to index
      %swap3A_836 = tpu.vector_load %arg20[%swap3A] {strides = array<i32>} : memref<4224xf32, #tpu.memory_space<vmem>>, vector<16xf32>,
      %swap3A_837 = vector.shape_cast %swap3A_836 : vector<16xf32> to vector<16xf32>
      %swap3A_838 = vector.shape_cast %add3A_828 : vector<16xf32> to vector<16xf32>
      tpu.vector_store %arg20[%swap3A], %swap3A_838 {strides = array<i32>} : memref<4224xf32, #tpu.memory_space<vmem>>, vector<16xf32>,
      %add3A_839 = arith.constant 1 : i32
      %add3A_840 = arith.addi %mul3A_792, %add3A_839 : i32
      %add3A_841 = arith.constant 16 : i32
      %add3A_842 = arith.addi %add3A_840, %add3A_841 : i32
      %swap3A_843 = arith.index_cast %add3A_842 : i32 to index
      %swap3A_844 = tpu.vector_load %arg20[%swap3A_843] {strides = array<i32>} : memref<4224xf32, #tpu.memory_space<vmem>>, vector<16xf32>,
      %swap3A_845 = vector.shape_cast %swap3A_844 : vector<16xf32> to vector<16xf32>
      %swap3A_846 = vector.shape_cast %add3A_833 : vector<16xf32> to vector<16xf32>
      tpu.vector_store %arg20[%swap3A_843], %swap3A_846 {strides = array<i32>} : memref<4224xf32, #tpu.memory_space<vmem>>, vector<16xf32>,
    }
    %scan3A_497 = arith.constant 128 : i32
    %dma_start3A_498 = arith.constant 18 : i32
    %dma_start3A_499 = arith.constant 0 : i32
    %dma_start3A_500 = tpu.memref_slice %arg6[%dma_start3A_498, %dma_start3A_499] : memref<26x128xi32, #tpu.memory_space<vmem>> -> memref<1x128xi32, #tpu.memory_space<vmem>>
    %dma_start3A_501 = tpu.memref_squeeze %dma_start3A_500 : memref<1x128xi32, #tpu.memory_space<vmem>> -> memref<128xi32, #tpu.memory_space<vmem>>
    %dma_start3A_502 = arith.constant 0 : i32
    %dma_start3A_503 = arith.constant 0 : i32
    %dma_start3A_504 = tpu.memref_slice %arg3[%dma_start3A_502, %dma_start3A_503] : memref<2162688x16xf32, #tpu.memory_space<hbm>> -> memref<2162688x16xf32, #tpu.memory_space<hbm>>
    tpu.enqueue_indirect_dma source(%dma_start3A_504 : memref<2162688x16xf32, #tpu.memory_space<hbm>>) target(%arg8 : memref<128x16xf32, #tpu.memory_space<vmem>>) offsets(%dma_start3A_501 : memref<128xi32, #tpu.memory_space<vmem>>) semaphore(%arg21 : memref<!tpu.dma_semaphore, #tpu.memory_space<semaphore_mem>>)
    %dma_start3A_505 = arith.constant 18 : i32
    %dma_start3A_506 = arith.constant 0 : i32
    %dma_start3A_507 = tpu.memref_slice %arg7[%dma_start3A_505, %dma_start3A_506] : memref<26x128xi32, #tpu.memory_space<vmem>> -> memref<1x128xi32, #tpu.memory_space<vmem>>
    %dma_start3A_508 = tpu.memref_squeeze %dma_start3A_507 : memref<1x128xi32, #tpu.memory_space<vmem>> -> memref<128xi32, #tpu.memory_space<vmem>>
    %dma_start3A_509 = arith.constant 0 : i32
    %dma_start3A_510 = arith.constant 0 : i32
    %dma_start3A_511 = tpu.memref_slice %arg3[%dma_start3A_509, %dma_start3A_510] : memref<2162688x16xf32, #tpu.memory_space<hbm>> -> memref<2162688x16xf32, #tpu.memory_space<hbm>>
    tpu.enqueue_indirect_dma source(%dma_start3A_511 : memref<2162688x16xf32, #tpu.memory_space<hbm>>) target(%arg9 : memref<128x16xf32, #tpu.memory_space<vmem>>) offsets(%dma_start3A_508 : memref<128xi32, #tpu.memory_space<vmem>>) semaphore(%arg21 : memref<!tpu.dma_semaphore, #tpu.memory_space<semaphore_mem>>)
    %dma_start3A_512 = arith.constant 19 : i32
    %dma_start3A_513 = arith.constant 0 : i32
    %dma_start3A_514 = tpu.memref_slice %arg6[%dma_start3A_512, %dma_start3A_513] : memref<26x128xi32, #tpu.memory_space<vmem>> -> memref<1x128xi32, #tpu.memory_space<vmem>>
    %dma_start3A_515 = tpu.memref_squeeze %dma_start3A_514 : memref<1x128xi32, #tpu.memory_space<vmem>> -> memref<128xi32, #tpu.memory_space<vmem>>
    %dma_start3A_516 = arith.constant 0 : i32
    %dma_start3A_517 = arith.constant 0 : i32
    %dma_start3A_518 = tpu.memref_slice %arg3[%dma_start3A_516, %dma_start3A_517] : memref<2162688x16xf32, #tpu.memory_space<hbm>> -> memref<2162688x16xf32, #tpu.memory_space<hbm>>
    tpu.enqueue_indirect_dma source(%dma_start3A_518 : memref<2162688x16xf32, #tpu.memory_space<hbm>>) target(%arg10 : memref<128x16xf32, #tpu.memory_space<vmem>>) offsets(%dma_start3A_515 : memref<128xi32, #tpu.memory_space<vmem>>) semaphore(%arg21 : memref<!tpu.dma_semaphore, #tpu.memory_space<semaphore_mem>>)
    %dma_start3A_519 = arith.constant 19 : i32
    %dma_start3A_520 = arith.constant 0 : i32
    %dma_start3A_521 = tpu.memref_slice %arg7[%dma_start3A_519, %dma_start3A_520] : memref<26x128xi32, #tpu.memory_space<vmem>> -> memref<1x128xi32, #tpu.memory_space<vmem>>
    %dma_start3A_522 = tpu.memref_squeeze %dma_start3A_521 : memref<1x128xi32, #tpu.memory_space<vmem>> -> memref<128xi32, #tpu.memory_space<vmem>>
    %dma_start3A_523 = arith.constant 0 : i32
    %dma_start3A_524 = arith.constant 0 : i32
    %dma_start3A_525 = tpu.memref_slice %arg3[%dma_start3A_523, %dma_start3A_524] : memref<2162688x16xf32, #tpu.memory_space<hbm>> -> memref<2162688x16xf32, #tpu.memory_space<hbm>>
    tpu.enqueue_indirect_dma source(%dma_start3A_525 : memref<2162688x16xf32, #tpu.memory_space<hbm>>) target(%arg11 : memref<128x16xf32, #tpu.memory_space<vmem>>) offsets(%dma_start3A_522 : memref<128xi32, #tpu.memory_space<vmem>>) semaphore(%arg21 : memref<!tpu.dma_semaphore, #tpu.memory_space<semaphore_mem>>)
    %dma_start3A_526 = arith.constant 20 : i32
    %dma_start3A_527 = arith.constant 0 : i32
    %dma_start3A_528 = tpu.memref_slice %arg6[%dma_start3A_526, %dma_start3A_527] : memref<26x128xi32, #tpu.memory_space<vmem>> -> memref<1x128xi32, #tpu.memory_space<vmem>>
    %dma_start3A_529 = tpu.memref_squeeze %dma_start3A_528 : memref<1x128xi32, #tpu.memory_space<vmem>> -> memref<128xi32, #tpu.memory_space<vmem>>
    %dma_start3A_530 = arith.constant 0 : i32
    %dma_start3A_531 = arith.constant 0 : i32
    %dma_start3A_532 = tpu.memref_slice %arg3[%dma_start3A_530, %dma_start3A_531] : memref<2162688x16xf32, #tpu.memory_space<hbm>> -> memref<2162688x16xf32, #tpu.memory_space<hbm>>
    tpu.enqueue_indirect_dma source(%dma_start3A_532 : memref<2162688x16xf32, #tpu.memory_space<hbm>>) target(%arg12 : memref<128x16xf32, #tpu.memory_space<vmem>>) offsets(%dma_start3A_529 : memref<128xi32, #tpu.memory_space<vmem>>) semaphore(%arg21 : memref<!tpu.dma_semaphore, #tpu.memory_space<semaphore_mem>>)
    %dma_start3A_533 = arith.constant 20 : i32
    %dma_start3A_534 = arith.constant 0 : i32
    %dma_start3A_535 = tpu.memref_slice %arg7[%dma_start3A_533, %dma_start3A_534] : memref<26x128xi32, #tpu.memory_space<vmem>> -> memref<1x128xi32, #tpu.memory_space<vmem>>
    %dma_start3A_536 = tpu.memref_squeeze %dma_start3A_535 : memref<1x128xi32, #tpu.memory_space<vmem>> -> memref<128xi32, #tpu.memory_space<vmem>>
    %dma_start3A_537 = arith.constant 0 : i32
    %dma_start3A_538 = arith.constant 0 : i32
    %dma_start3A_539 = tpu.memref_slice %arg3[%dma_start3A_537, %dma_start3A_538] : memref<2162688x16xf32, #tpu.memory_space<hbm>> -> memref<2162688x16xf32, #tpu.memory_space<hbm>>
    tpu.enqueue_indirect_dma source(%dma_start3A_539 : memref<2162688x16xf32, #tpu.memory_space<hbm>>) target(%arg13 : memref<128x16xf32, #tpu.memory_space<vmem>>) offsets(%dma_start3A_536 : memref<128xi32, #tpu.memory_space<vmem>>) semaphore(%arg21 : memref<!tpu.dma_semaphore, #tpu.memory_space<semaphore_mem>>)
    %dma_wait3A_540 = arith.constant 15 : i32
    %dma_wait3A_541 = arith.constant 0 : i32
    %dma_wait3A_542 = tpu.memref_slice %arg6[%dma_wait3A_540, %dma_wait3A_541] : memref<26x128xi32, #tpu.memory_space<vmem>> -> memref<1x128xi32, #tpu.memory_space<vmem>>
    %dma_wait3A_543 = tpu.memref_squeeze %dma_wait3A_542 : memref<1x128xi32, #tpu.memory_space<vmem>> -> memref<128xi32, #tpu.memory_space<vmem>>
    %dma_wait3A_544 = arith.constant 0 : i32
    %dma_wait3A_545 = arith.constant 0 : i32
    %dma_wait3A_546 = tpu.memref_slice %arg3[%dma_wait3A_544, %dma_wait3A_545] : memref<2162688x16xf32, #tpu.memory_space<hbm>> -> memref<2162688x16xf32, #tpu.memory_space<hbm>>
    tpu.wait_indirect_dma semaphore(%arg22 : memref<!tpu.dma_semaphore, #tpu.memory_space<semaphore_mem>>) src(%dma_wait3A_546 : memref<2162688x16xf32, #tpu.memory_space<hbm>>) dst(%arg14 : memref<128x16xf32, #tpu.memory_space<vmem>>)
    %dma_wait3A_547 = arith.constant 15 : i32
    %dma_wait3A_548 = arith.constant 0 : i32
    %dma_wait3A_549 = tpu.memref_slice %arg7[%dma_wait3A_547, %dma_wait3A_548] : memref<26x128xi32, #tpu.memory_space<vmem>> -> memref<1x128xi32, #tpu.memory_space<vmem>>
    %dma_wait3A_550 = tpu.memref_squeeze %dma_wait3A_549 : memref<1x128xi32, #tpu.memory_space<vmem>> -> memref<128xi32, #tpu.memory_space<vmem>>
    %dma_wait3A_551 = arith.constant 0 : i32
    %dma_wait3A_552 = arith.constant 0 : i32
    %dma_wait3A_553 = tpu.memref_slice %arg3[%dma_wait3A_551, %dma_wait3A_552] : memref<2162688x16xf32, #tpu.memory_space<hbm>> -> memref<2162688x16xf32, #tpu.memory_space<hbm>>
    tpu.wait_indirect_dma semaphore(%arg22 : memref<!tpu.dma_semaphore, #tpu.memory_space<semaphore_mem>>) src(%dma_wait3A_553 : memref<2162688x16xf32, #tpu.memory_space<hbm>>) dst(%arg15 : memref<128x16xf32, #tpu.memory_space<vmem>>)
    %dma_wait3A_554 = arith.constant 16 : i32
    %dma_wait3A_555 = arith.constant 0 : i32
    %dma_wait3A_556 = tpu.memref_slice %arg6[%dma_wait3A_554, %dma_wait3A_555] : memref<26x128xi32, #tpu.memory_space<vmem>> -> memref<1x128xi32, #tpu.memory_space<vmem>>
    %dma_wait3A_557 = tpu.memref_squeeze %dma_wait3A_556 : memref<1x128xi32, #tpu.memory_space<vmem>> -> memref<128xi32, #tpu.memory_space<vmem>>
    %dma_wait3A_558 = arith.constant 0 : i32
    %dma_wait3A_559 = arith.constant 0 : i32
    %dma_wait3A_560 = tpu.memref_slice %arg3[%dma_wait3A_558, %dma_wait3A_559] : memref<2162688x16xf32, #tpu.memory_space<hbm>> -> memref<2162688x16xf32, #tpu.memory_space<hbm>>
    tpu.wait_indirect_dma semaphore(%arg22 : memref<!tpu.dma_semaphore, #tpu.memory_space<semaphore_mem>>) src(%dma_wait3A_560 : memref<2162688x16xf32, #tpu.memory_space<hbm>>) dst(%arg16 : memref<128x16xf32, #tpu.memory_space<vmem>>)
    %dma_wait3A_561 = arith.constant 16 : i32
    %dma_wait3A_562 = arith.constant 0 : i32
    %dma_wait3A_563 = tpu.memref_slice %arg7[%dma_wait3A_561, %dma_wait3A_562] : memref<26x128xi32, #tpu.memory_space<vmem>> -> memref<1x128xi32, #tpu.memory_space<vmem>>
    %dma_wait3A_564 = tpu.memref_squeeze %dma_wait3A_563 : memref<1x128xi32, #tpu.memory_space<vmem>> -> memref<128xi32, #tpu.memory_space<vmem>>
    %dma_wait3A_565 = arith.constant 0 : i32
    %dma_wait3A_566 = arith.constant 0 : i32
    %dma_wait3A_567 = tpu.memref_slice %arg3[%dma_wait3A_565, %dma_wait3A_566] : memref<2162688x16xf32, #tpu.memory_space<hbm>> -> memref<2162688x16xf32, #tpu.memory_space<hbm>>
    tpu.wait_indirect_dma semaphore(%arg22 : memref<!tpu.dma_semaphore, #tpu.memory_space<semaphore_mem>>) src(%dma_wait3A_567 : memref<2162688x16xf32, #tpu.memory_space<hbm>>) dst(%arg17 : memref<128x16xf32, #tpu.memory_space<vmem>>)
    %dma_wait3A_568 = arith.constant 17 : i32
    %dma_wait3A_569 = arith.constant 0 : i32
    %dma_wait3A_570 = tpu.memref_slice %arg6[%dma_wait3A_568, %dma_wait3A_569] : memref<26x128xi32, #tpu.memory_space<vmem>> -> memref<1x128xi32, #tpu.memory_space<vmem>>
    %dma_wait3A_571 = tpu.memref_squeeze %dma_wait3A_570 : memref<1x128xi32, #tpu.memory_space<vmem>> -> memref<128xi32, #tpu.memory_space<vmem>>
    %dma_wait3A_572 = arith.constant 0 : i32
    %dma_wait3A_573 = arith.constant 0 : i32
    %dma_wait3A_574 = tpu.memref_slice %arg3[%dma_wait3A_572, %dma_wait3A_573] : memref<2162688x16xf32, #tpu.memory_space<hbm>> -> memref<2162688x16xf32, #tpu.memory_space<hbm>>
    tpu.wait_indirect_dma semaphore(%arg22 : memref<!tpu.dma_semaphore, #tpu.memory_space<semaphore_mem>>) src(%dma_wait3A_574 : memref<2162688x16xf32, #tpu.memory_space<hbm>>) dst(%arg18 : memref<128x16xf32, #tpu.memory_space<vmem>>)
    %dma_wait3A_575 = arith.constant 17 : i32
    %dma_wait3A_576 = arith.constant 0 : i32
    %dma_wait3A_577 = tpu.memref_slice %arg7[%dma_wait3A_575, %dma_wait3A_576] : memref<26x128xi32, #tpu.memory_space<vmem>> -> memref<1x128xi32, #tpu.memory_space<vmem>>
    %dma_wait3A_578 = tpu.memref_squeeze %dma_wait3A_577 : memref<1x128xi32, #tpu.memory_space<vmem>> -> memref<128xi32, #tpu.memory_space<vmem>>
    %dma_wait3A_579 = arith.constant 0 : i32
    %dma_wait3A_580 = arith.constant 0 : i32
    %dma_wait3A_581 = tpu.memref_slice %arg3[%dma_wait3A_579, %dma_wait3A_580] : memref<2162688x16xf32, #tpu.memory_space<hbm>> -> memref<2162688x16xf32, #tpu.memory_space<hbm>>
    tpu.wait_indirect_dma semaphore(%arg22 : memref<!tpu.dma_semaphore, #tpu.memory_space<semaphore_mem>>) src(%dma_wait3A_581 : memref<2162688x16xf32, #tpu.memory_space<hbm>>) dst(%arg19 : memref<128x16xf32, #tpu.memory_space<vmem>>)
    %scan3A_582 = arith.constant 0 : i32
    %scan3A_583 = arith.constant 0 : i32
    %scan3A_584 = arith.constant 128 : i32
    %scan3A_585 = arith.addi %scan3A_583, %scan3A_584 : i32
    %scan3A_586 = arith.constant 1 : i32
    scf.for %scan3A_790 = %scan3A_583 to %scan3A_585 step %scan3A_586  : i32 {
      %mul3A_791 = arith.constant 33 : i32
      %mul3A_792 = arith.muli %scan3A_790, %mul3A_791 : i32
      %add3A_793 = arith.constant 1 : i32
      %add3A_794 = arith.addi %mul3A_792, %add3A_793 : i32
      %get3A = arith.index_cast %add3A_794 : i32 to index
      %get3A_795 = tpu.vector_load %arg20[%get3A] {strides = array<i32>} : memref<4224xf32, #tpu.memory_space<vmem>>, vector<16xf32>,
      %get3A_796 = vector.shape_cast %get3A_795 : vector<16xf32> to vector<16xf32>
      %add3A_797 = arith.constant 1 : i32
      %add3A_798 = arith.addi %mul3A_792, %add3A_797 : i32
      %add3A_799 = arith.constant 16 : i32
      %add3A_800 = arith.addi %add3A_798, %add3A_799 : i32
      %get3A_801 = arith.index_cast %add3A_800 : i32 to index
      %get3A_802 = tpu.vector_load %arg20[%get3A_801] {strides = array<i32>} : memref<4224xf32, #tpu.memory_space<vmem>>, vector<16xf32>,
      %get3A_803 = vector.shape_cast %get3A_802 : vector<16xf32> to vector<16xf32>
      %get3A_804 = arith.index_cast %scan3A_790 : i32 to index
      %get3A_805 = arith.constant 0 : index
      %get3A_806 = tpu.vector_load %arg14[%get3A_804, %get3A_805] {strides = array<i32>} : memref<128x16xf32, #tpu.memory_space<vmem>>, vector<1x16xf32>,
      %get3A_807 = vector.shape_cast %get3A_806 : vector<1x16xf32> to vector<16xf32>
      %add3A_808 = arith.addf %get3A_796, %get3A_807 : vector<16xf32>
      %get3A_809 = arith.index_cast %scan3A_790 : i32 to index
      %get3A_810 = arith.constant 0 : index
      %get3A_811 = tpu.vector_load %arg15[%get3A_809, %get3A_810] {strides = array<i32>} : memref<128x16xf32, #tpu.memory_space<vmem>>, vector<1x16xf32>,
      %get3A_812 = vector.shape_cast %get3A_811 : vector<1x16xf32> to vector<16xf32>
      %add3A_813 = arith.addf %get3A_803, %get3A_812 : vector<16xf32>
      %get3A_814 = arith.index_cast %scan3A_790 : i32 to index
      %get3A_815 = arith.constant 0 : index
      %get3A_816 = tpu.vector_load %arg16[%get3A_814, %get3A_815] {strides = array<i32>} : memref<128x16xf32, #tpu.memory_space<vmem>>, vector<1x16xf32>,
      %get3A_817 = vector.shape_cast %get3A_816 : vector<1x16xf32> to vector<16xf32>
      %add3A_818 = arith.addf %add3A_808, %get3A_817 : vector<16xf32>
      %get3A_819 = arith.index_cast %scan3A_790 : i32 to index
      %get3A_820 = arith.constant 0 : index
      %get3A_821 = tpu.vector_load %arg17[%get3A_819, %get3A_820] {strides = array<i32>} : memref<128x16xf32, #tpu.memory_space<vmem>>, vector<1x16xf32>,
      %get3A_822 = vector.shape_cast %get3A_821 : vector<1x16xf32> to vector<16xf32>
      %add3A_823 = arith.addf %add3A_813, %get3A_822 : vector<16xf32>
      %get3A_824 = arith.index_cast %scan3A_790 : i32 to index
      %get3A_825 = arith.constant 0 : index
      %get3A_826 = tpu.vector_load %arg18[%get3A_824, %get3A_825] {strides = array<i32>} : memref<128x16xf32, #tpu.memory_space<vmem>>, vector<1x16xf32>,
      %get3A_827 = vector.shape_cast %get3A_826 : vector<1x16xf32> to vector<16xf32>
      %add3A_828 = arith.addf %add3A_818, %get3A_827 : vector<16xf32>
      %get3A_829 = arith.index_cast %scan3A_790 : i32 to index
      %get3A_830 = arith.constant 0 : index
      %get3A_831 = tpu.vector_load %arg19[%get3A_829, %get3A_830] {strides = array<i32>} : memref<128x16xf32, #tpu.memory_space<vmem>>, vector<1x16xf32>,
      %get3A_832 = vector.shape_cast %get3A_831 : vector<1x16xf32> to vector<16xf32>
      %add3A_833 = arith.addf %add3A_823, %get3A_832 : vector<16xf32>
      %add3A_834 = arith.constant 1 : i32
      %add3A_835 = arith.addi %mul3A_792, %add3A_834 : i32
      %swap3A = arith.index_cast %add3A_835 : i32 to index
      %swap3A_836 = tpu.vector_load %arg20[%swap3A] {strides = array<i32>} : memref<4224xf32, #tpu.memory_space<vmem>>, vector<16xf32>,
      %swap3A_837 = vector.shape_cast %swap3A_836 : vector<16xf32> to vector<16xf32>
      %swap3A_838 = vector.shape_cast %add3A_828 : vector<16xf32> to vector<16xf32>
      tpu.vector_store %arg20[%swap3A], %swap3A_838 {strides = array<i32>} : memref<4224xf32, #tpu.memory_space<vmem>>, vector<16xf32>,
      %add3A_839 = arith.constant 1 : i32
      %add3A_840 = arith.addi %mul3A_792, %add3A_839 : i32
      %add3A_841 = arith.constant 16 : i32
      %add3A_842 = arith.addi %add3A_840, %add3A_841 : i32
      %swap3A_843 = arith.index_cast %add3A_842 : i32 to index
      %swap3A_844 = tpu.vector_load %arg20[%swap3A_843] {strides = array<i32>} : memref<4224xf32, #tpu.memory_space<vmem>>, vector<16xf32>,
      %swap3A_845 = vector.shape_cast %swap3A_844 : vector<16xf32> to vector<16xf32>
      %swap3A_846 = vector.shape_cast %add3A_833 : vector<16xf32> to vector<16xf32>
      tpu.vector_store %arg20[%swap3A_843], %swap3A_846 {strides = array<i32>} : memref<4224xf32, #tpu.memory_space<vmem>>, vector<16xf32>,
    }
    %scan3A_587 = arith.constant 128 : i32
    %dma_start3A_588 = arith.constant 21 : i32
    %dma_start3A_589 = arith.constant 0 : i32
    %dma_start3A_590 = tpu.memref_slice %arg6[%dma_start3A_588, %dma_start3A_589] : memref<26x128xi32, #tpu.memory_space<vmem>> -> memref<1x128xi32, #tpu.memory_space<vmem>>
    %dma_start3A_591 = tpu.memref_squeeze %dma_start3A_590 : memref<1x128xi32, #tpu.memory_space<vmem>> -> memref<128xi32, #tpu.memory_space<vmem>>
    %dma_start3A_592 = arith.constant 0 : i32
    %dma_start3A_593 = arith.constant 0 : i32
    %dma_start3A_594 = tpu.memref_slice %arg3[%dma_start3A_592, %dma_start3A_593] : memref<2162688x16xf32, #tpu.memory_space<hbm>> -> memref<2162688x16xf32, #tpu.memory_space<hbm>>
    tpu.enqueue_indirect_dma source(%dma_start3A_594 : memref<2162688x16xf32, #tpu.memory_space<hbm>>) target(%arg14 : memref<128x16xf32, #tpu.memory_space<vmem>>) offsets(%dma_start3A_591 : memref<128xi32, #tpu.memory_space<vmem>>) semaphore(%arg22 : memref<!tpu.dma_semaphore, #tpu.memory_space<semaphore_mem>>)
    %dma_start3A_595 = arith.constant 21 : i32
    %dma_start3A_596 = arith.constant 0 : i32
    %dma_start3A_597 = tpu.memref_slice %arg7[%dma_start3A_595, %dma_start3A_596] : memref<26x128xi32, #tpu.memory_space<vmem>> -> memref<1x128xi32, #tpu.memory_space<vmem>>
    %dma_start3A_598 = tpu.memref_squeeze %dma_start3A_597 : memref<1x128xi32, #tpu.memory_space<vmem>> -> memref<128xi32, #tpu.memory_space<vmem>>
    %dma_start3A_599 = arith.constant 0 : i32
    %dma_start3A_600 = arith.constant 0 : i32
    %dma_start3A_601 = tpu.memref_slice %arg3[%dma_start3A_599, %dma_start3A_600] : memref<2162688x16xf32, #tpu.memory_space<hbm>> -> memref<2162688x16xf32, #tpu.memory_space<hbm>>
    tpu.enqueue_indirect_dma source(%dma_start3A_601 : memref<2162688x16xf32, #tpu.memory_space<hbm>>) target(%arg15 : memref<128x16xf32, #tpu.memory_space<vmem>>) offsets(%dma_start3A_598 : memref<128xi32, #tpu.memory_space<vmem>>) semaphore(%arg22 : memref<!tpu.dma_semaphore, #tpu.memory_space<semaphore_mem>>)
    %dma_start3A_602 = arith.constant 22 : i32
    %dma_start3A_603 = arith.constant 0 : i32
    %dma_start3A_604 = tpu.memref_slice %arg6[%dma_start3A_602, %dma_start3A_603] : memref<26x128xi32, #tpu.memory_space<vmem>> -> memref<1x128xi32, #tpu.memory_space<vmem>>
    %dma_start3A_605 = tpu.memref_squeeze %dma_start3A_604 : memref<1x128xi32, #tpu.memory_space<vmem>> -> memref<128xi32, #tpu.memory_space<vmem>>
    %dma_start3A_606 = arith.constant 0 : i32
    %dma_start3A_607 = arith.constant 0 : i32
    %dma_start3A_608 = tpu.memref_slice %arg3[%dma_start3A_606, %dma_start3A_607] : memref<2162688x16xf32, #tpu.memory_space<hbm>> -> memref<2162688x16xf32, #tpu.memory_space<hbm>>
    tpu.enqueue_indirect_dma source(%dma_start3A_608 : memref<2162688x16xf32, #tpu.memory_space<hbm>>) target(%arg16 : memref<128x16xf32, #tpu.memory_space<vmem>>) offsets(%dma_start3A_605 : memref<128xi32, #tpu.memory_space<vmem>>) semaphore(%arg22 : memref<!tpu.dma_semaphore, #tpu.memory_space<semaphore_mem>>)
    %dma_start3A_609 = arith.constant 22 : i32
    %dma_start3A_610 = arith.constant 0 : i32
    %dma_start3A_611 = tpu.memref_slice %arg7[%dma_start3A_609, %dma_start3A_610] : memref<26x128xi32, #tpu.memory_space<vmem>> -> memref<1x128xi32, #tpu.memory_space<vmem>>
    %dma_start3A_612 = tpu.memref_squeeze %dma_start3A_611 : memref<1x128xi32, #tpu.memory_space<vmem>> -> memref<128xi32, #tpu.memory_space<vmem>>
    %dma_start3A_613 = arith.constant 0 : i32
    %dma_start3A_614 = arith.constant 0 : i32
    %dma_start3A_615 = tpu.memref_slice %arg3[%dma_start3A_613, %dma_start3A_614] : memref<2162688x16xf32, #tpu.memory_space<hbm>> -> memref<2162688x16xf32, #tpu.memory_space<hbm>>
    tpu.enqueue_indirect_dma source(%dma_start3A_615 : memref<2162688x16xf32, #tpu.memory_space<hbm>>) target(%arg17 : memref<128x16xf32, #tpu.memory_space<vmem>>) offsets(%dma_start3A_612 : memref<128xi32, #tpu.memory_space<vmem>>) semaphore(%arg22 : memref<!tpu.dma_semaphore, #tpu.memory_space<semaphore_mem>>)
    %dma_start3A_616 = arith.constant 23 : i32
    %dma_start3A_617 = arith.constant 0 : i32
    %dma_start3A_618 = tpu.memref_slice %arg6[%dma_start3A_616, %dma_start3A_617] : memref<26x128xi32, #tpu.memory_space<vmem>> -> memref<1x128xi32, #tpu.memory_space<vmem>>
    %dma_start3A_619 = tpu.memref_squeeze %dma_start3A_618 : memref<1x128xi32, #tpu.memory_space<vmem>> -> memref<128xi32, #tpu.memory_space<vmem>>
    %dma_start3A_620 = arith.constant 0 : i32
    %dma_start3A_621 = arith.constant 0 : i32
    %dma_start3A_622 = tpu.memref_slice %arg3[%dma_start3A_620, %dma_start3A_621] : memref<2162688x16xf32, #tpu.memory_space<hbm>> -> memref<2162688x16xf32, #tpu.memory_space<hbm>>
    tpu.enqueue_indirect_dma source(%dma_start3A_622 : memref<2162688x16xf32, #tpu.memory_space<hbm>>) target(%arg18 : memref<128x16xf32, #tpu.memory_space<vmem>>) offsets(%dma_start3A_619 : memref<128xi32, #tpu.memory_space<vmem>>) semaphore(%arg22 : memref<!tpu.dma_semaphore, #tpu.memory_space<semaphore_mem>>)
    %dma_start3A_623 = arith.constant 23 : i32
    %dma_start3A_624 = arith.constant 0 : i32
    %dma_start3A_625 = tpu.memref_slice %arg7[%dma_start3A_623, %dma_start3A_624] : memref<26x128xi32, #tpu.memory_space<vmem>> -> memref<1x128xi32, #tpu.memory_space<vmem>>
    %dma_start3A_626 = tpu.memref_squeeze %dma_start3A_625 : memref<1x128xi32, #tpu.memory_space<vmem>> -> memref<128xi32, #tpu.memory_space<vmem>>
    %dma_start3A_627 = arith.constant 0 : i32
    %dma_start3A_628 = arith.constant 0 : i32
    %dma_start3A_629 = tpu.memref_slice %arg3[%dma_start3A_627, %dma_start3A_628] : memref<2162688x16xf32, #tpu.memory_space<hbm>> -> memref<2162688x16xf32, #tpu.memory_space<hbm>>
    tpu.enqueue_indirect_dma source(%dma_start3A_629 : memref<2162688x16xf32, #tpu.memory_space<hbm>>) target(%arg19 : memref<128x16xf32, #tpu.memory_space<vmem>>) offsets(%dma_start3A_626 : memref<128xi32, #tpu.memory_space<vmem>>) semaphore(%arg22 : memref<!tpu.dma_semaphore, #tpu.memory_space<semaphore_mem>>)
    %dma_wait3A_630 = arith.constant 18 : i32
    %dma_wait3A_631 = arith.constant 0 : i32
    %dma_wait3A_632 = tpu.memref_slice %arg6[%dma_wait3A_630, %dma_wait3A_631] : memref<26x128xi32, #tpu.memory_space<vmem>> -> memref<1x128xi32, #tpu.memory_space<vmem>>
    %dma_wait3A_633 = tpu.memref_squeeze %dma_wait3A_632 : memref<1x128xi32, #tpu.memory_space<vmem>> -> memref<128xi32, #tpu.memory_space<vmem>>
    %dma_wait3A_634 = arith.constant 0 : i32
    %dma_wait3A_635 = arith.constant 0 : i32
    %dma_wait3A_636 = tpu.memref_slice %arg3[%dma_wait3A_634, %dma_wait3A_635] : memref<2162688x16xf32, #tpu.memory_space<hbm>> -> memref<2162688x16xf32, #tpu.memory_space<hbm>>
    tpu.wait_indirect_dma semaphore(%arg21 : memref<!tpu.dma_semaphore, #tpu.memory_space<semaphore_mem>>) src(%dma_wait3A_636 : memref<2162688x16xf32, #tpu.memory_space<hbm>>) dst(%arg8 : memref<128x16xf32, #tpu.memory_space<vmem>>)
    %dma_wait3A_637 = arith.constant 18 : i32
    %dma_wait3A_638 = arith.constant 0 : i32
    %dma_wait3A_639 = tpu.memref_slice %arg7[%dma_wait3A_637, %dma_wait3A_638] : memref<26x128xi32, #tpu.memory_space<vmem>> -> memref<1x128xi32, #tpu.memory_space<vmem>>
    %dma_wait3A_640 = tpu.memref_squeeze %dma_wait3A_639 : memref<1x128xi32, #tpu.memory_space<vmem>> -> memref<128xi32, #tpu.memory_space<vmem>>
    %dma_wait3A_641 = arith.constant 0 : i32
    %dma_wait3A_642 = arith.constant 0 : i32
    %dma_wait3A_643 = tpu.memref_slice %arg3[%dma_wait3A_641, %dma_wait3A_642] : memref<2162688x16xf32, #tpu.memory_space<hbm>> -> memref<2162688x16xf32, #tpu.memory_space<hbm>>
    tpu.wait_indirect_dma semaphore(%arg21 : memref<!tpu.dma_semaphore, #tpu.memory_space<semaphore_mem>>) src(%dma_wait3A_643 : memref<2162688x16xf32, #tpu.memory_space<hbm>>) dst(%arg9 : memref<128x16xf32, #tpu.memory_space<vmem>>)
    %dma_wait3A_644 = arith.constant 19 : i32
    %dma_wait3A_645 = arith.constant 0 : i32
    %dma_wait3A_646 = tpu.memref_slice %arg6[%dma_wait3A_644, %dma_wait3A_645] : memref<26x128xi32, #tpu.memory_space<vmem>> -> memref<1x128xi32, #tpu.memory_space<vmem>>
    %dma_wait3A_647 = tpu.memref_squeeze %dma_wait3A_646 : memref<1x128xi32, #tpu.memory_space<vmem>> -> memref<128xi32, #tpu.memory_space<vmem>>
    %dma_wait3A_648 = arith.constant 0 : i32
    %dma_wait3A_649 = arith.constant 0 : i32
    %dma_wait3A_650 = tpu.memref_slice %arg3[%dma_wait3A_648, %dma_wait3A_649] : memref<2162688x16xf32, #tpu.memory_space<hbm>> -> memref<2162688x16xf32, #tpu.memory_space<hbm>>
    tpu.wait_indirect_dma semaphore(%arg21 : memref<!tpu.dma_semaphore, #tpu.memory_space<semaphore_mem>>) src(%dma_wait3A_650 : memref<2162688x16xf32, #tpu.memory_space<hbm>>) dst(%arg10 : memref<128x16xf32, #tpu.memory_space<vmem>>)
    %dma_wait3A_651 = arith.constant 19 : i32
    %dma_wait3A_652 = arith.constant 0 : i32
    %dma_wait3A_653 = tpu.memref_slice %arg7[%dma_wait3A_651, %dma_wait3A_652] : memref<26x128xi32, #tpu.memory_space<vmem>> -> memref<1x128xi32, #tpu.memory_space<vmem>>
    %dma_wait3A_654 = tpu.memref_squeeze %dma_wait3A_653 : memref<1x128xi32, #tpu.memory_space<vmem>> -> memref<128xi32, #tpu.memory_space<vmem>>
    %dma_wait3A_655 = arith.constant 0 : i32
    %dma_wait3A_656 = arith.constant 0 : i32
    %dma_wait3A_657 = tpu.memref_slice %arg3[%dma_wait3A_655, %dma_wait3A_656] : memref<2162688x16xf32, #tpu.memory_space<hbm>> -> memref<2162688x16xf32, #tpu.memory_space<hbm>>
    tpu.wait_indirect_dma semaphore(%arg21 : memref<!tpu.dma_semaphore, #tpu.memory_space<semaphore_mem>>) src(%dma_wait3A_657 : memref<2162688x16xf32, #tpu.memory_space<hbm>>) dst(%arg11 : memref<128x16xf32, #tpu.memory_space<vmem>>)
    %dma_wait3A_658 = arith.constant 20 : i32
    %dma_wait3A_659 = arith.constant 0 : i32
    %dma_wait3A_660 = tpu.memref_slice %arg6[%dma_wait3A_658, %dma_wait3A_659] : memref<26x128xi32, #tpu.memory_space<vmem>> -> memref<1x128xi32, #tpu.memory_space<vmem>>
    %dma_wait3A_661 = tpu.memref_squeeze %dma_wait3A_660 : memref<1x128xi32, #tpu.memory_space<vmem>> -> memref<128xi32, #tpu.memory_space<vmem>>
    %dma_wait3A_662 = arith.constant 0 : i32
    %dma_wait3A_663 = arith.constant 0 : i32
    %dma_wait3A_664 = tpu.memref_slice %arg3[%dma_wait3A_662, %dma_wait3A_663] : memref<2162688x16xf32, #tpu.memory_space<hbm>> -> memref<2162688x16xf32, #tpu.memory_space<hbm>>
    tpu.wait_indirect_dma semaphore(%arg21 : memref<!tpu.dma_semaphore, #tpu.memory_space<semaphore_mem>>) src(%dma_wait3A_664 : memref<2162688x16xf32, #tpu.memory_space<hbm>>) dst(%arg12 : memref<128x16xf32, #tpu.memory_space<vmem>>)
    %dma_wait3A_665 = arith.constant 20 : i32
    %dma_wait3A_666 = arith.constant 0 : i32
    %dma_wait3A_667 = tpu.memref_slice %arg7[%dma_wait3A_665, %dma_wait3A_666] : memref<26x128xi32, #tpu.memory_space<vmem>> -> memref<1x128xi32, #tpu.memory_space<vmem>>
    %dma_wait3A_668 = tpu.memref_squeeze %dma_wait3A_667 : memref<1x128xi32, #tpu.memory_space<vmem>> -> memref<128xi32, #tpu.memory_space<vmem>>
    %dma_wait3A_669 = arith.constant 0 : i32
    %dma_wait3A_670 = arith.constant 0 : i32
    %dma_wait3A_671 = tpu.memref_slice %arg3[%dma_wait3A_669, %dma_wait3A_670] : memref<2162688x16xf32, #tpu.memory_space<hbm>> -> memref<2162688x16xf32, #tpu.memory_space<hbm>>
    tpu.wait_indirect_dma semaphore(%arg21 : memref<!tpu.dma_semaphore, #tpu.memory_space<semaphore_mem>>) src(%dma_wait3A_671 : memref<2162688x16xf32, #tpu.memory_space<hbm>>) dst(%arg13 : memref<128x16xf32, #tpu.memory_space<vmem>>)
    %scan3A_672 = arith.constant 0 : i32
    %scan3A_673 = arith.constant 0 : i32
    %scan3A_674 = arith.constant 128 : i32
    %scan3A_675 = arith.addi %scan3A_673, %scan3A_674 : i32
    %scan3A_676 = arith.constant 1 : i32
    scf.for %scan3A_790 = %scan3A_673 to %scan3A_675 step %scan3A_676  : i32 {
      %mul3A_791 = arith.constant 33 : i32
      %mul3A_792 = arith.muli %scan3A_790, %mul3A_791 : i32
      %add3A_793 = arith.constant 1 : i32
      %add3A_794 = arith.addi %mul3A_792, %add3A_793 : i32
      %get3A = arith.index_cast %add3A_794 : i32 to index
      %get3A_795 = tpu.vector_load %arg20[%get3A] {strides = array<i32>} : memref<4224xf32, #tpu.memory_space<vmem>>, vector<16xf32>,
      %get3A_796 = vector.shape_cast %get3A_795 : vector<16xf32> to vector<16xf32>
      %add3A_797 = arith.constant 1 : i32
      %add3A_798 = arith.addi %mul3A_792, %add3A_797 : i32
      %add3A_799 = arith.constant 16 : i32
      %add3A_800 = arith.addi %add3A_798, %add3A_799 : i32
      %get3A_801 = arith.index_cast %add3A_800 : i32 to index
      %get3A_802 = tpu.vector_load %arg20[%get3A_801] {strides = array<i32>} : memref<4224xf32, #tpu.memory_space<vmem>>, vector<16xf32>,
      %get3A_803 = vector.shape_cast %get3A_802 : vector<16xf32> to vector<16xf32>
      %get3A_804 = arith.index_cast %scan3A_790 : i32 to index
      %get3A_805 = arith.constant 0 : index
      %get3A_806 = tpu.vector_load %arg8[%get3A_804, %get3A_805] {strides = array<i32>} : memref<128x16xf32, #tpu.memory_space<vmem>>, vector<1x16xf32>,
      %get3A_807 = vector.shape_cast %get3A_806 : vector<1x16xf32> to vector<16xf32>
      %add3A_808 = arith.addf %get3A_796, %get3A_807 : vector<16xf32>
      %get3A_809 = arith.index_cast %scan3A_790 : i32 to index
      %get3A_810 = arith.constant 0 : index
      %get3A_811 = tpu.vector_load %arg9[%get3A_809, %get3A_810] {strides = array<i32>} : memref<128x16xf32, #tpu.memory_space<vmem>>, vector<1x16xf32>,
      %get3A_812 = vector.shape_cast %get3A_811 : vector<1x16xf32> to vector<16xf32>
      %add3A_813 = arith.addf %get3A_803, %get3A_812 : vector<16xf32>
      %get3A_814 = arith.index_cast %scan3A_790 : i32 to index
      %get3A_815 = arith.constant 0 : index
      %get3A_816 = tpu.vector_load %arg10[%get3A_814, %get3A_815] {strides = array<i32>} : memref<128x16xf32, #tpu.memory_space<vmem>>, vector<1x16xf32>,
      %get3A_817 = vector.shape_cast %get3A_816 : vector<1x16xf32> to vector<16xf32>
      %add3A_818 = arith.addf %add3A_808, %get3A_817 : vector<16xf32>
      %get3A_819 = arith.index_cast %scan3A_790 : i32 to index
      %get3A_820 = arith.constant 0 : index
      %get3A_821 = tpu.vector_load %arg11[%get3A_819, %get3A_820] {strides = array<i32>} : memref<128x16xf32, #tpu.memory_space<vmem>>, vector<1x16xf32>,
      %get3A_822 = vector.shape_cast %get3A_821 : vector<1x16xf32> to vector<16xf32>
      %add3A_823 = arith.addf %add3A_813, %get3A_822 : vector<16xf32>
      %get3A_824 = arith.index_cast %scan3A_790 : i32 to index
      %get3A_825 = arith.constant 0 : index
      %get3A_826 = tpu.vector_load %arg12[%get3A_824, %get3A_825] {strides = array<i32>} : memref<128x16xf32, #tpu.memory_space<vmem>>, vector<1x16xf32>,
      %get3A_827 = vector.shape_cast %get3A_826 : vector<1x16xf32> to vector<16xf32>
      %add3A_828 = arith.addf %add3A_818, %get3A_827 : vector<16xf32>
      %get3A_829 = arith.index_cast %scan3A_790 : i32 to index
      %get3A_830 = arith.constant 0 : index
      %get3A_831 = tpu.vector_load %arg13[%get3A_829, %get3A_830] {strides = array<i32>} : memref<128x16xf32, #tpu.memory_space<vmem>>, vector<1x16xf32>,
      %get3A_832 = vector.shape_cast %get3A_831 : vector<1x16xf32> to vector<16xf32>
      %add3A_833 = arith.addf %add3A_823, %get3A_832 : vector<16xf32>
      %add3A_834 = arith.constant 1 : i32
      %add3A_835 = arith.addi %mul3A_792, %add3A_834 : i32
      %swap3A = arith.index_cast %add3A_835 : i32 to index
      %swap3A_836 = tpu.vector_load %arg20[%swap3A] {strides = array<i32>} : memref<4224xf32, #tpu.memory_space<vmem>>, vector<16xf32>,
      %swap3A_837 = vector.shape_cast %swap3A_836 : vector<16xf32> to vector<16xf32>
      %swap3A_838 = vector.shape_cast %add3A_828 : vector<16xf32> to vector<16xf32>
      tpu.vector_store %arg20[%swap3A], %swap3A_838 {strides = array<i32>} : memref<4224xf32, #tpu.memory_space<vmem>>, vector<16xf32>,
      %add3A_839 = arith.constant 1 : i32
      %add3A_840 = arith.addi %mul3A_792, %add3A_839 : i32
      %add3A_841 = arith.constant 16 : i32
      %add3A_842 = arith.addi %add3A_840, %add3A_841 : i32
      %swap3A_843 = arith.index_cast %add3A_842 : i32 to index
      %swap3A_844 = tpu.vector_load %arg20[%swap3A_843] {strides = array<i32>} : memref<4224xf32, #tpu.memory_space<vmem>>, vector<16xf32>,
      %swap3A_845 = vector.shape_cast %swap3A_844 : vector<16xf32> to vector<16xf32>
      %swap3A_846 = vector.shape_cast %add3A_833 : vector<16xf32> to vector<16xf32>
      tpu.vector_store %arg20[%swap3A_843], %swap3A_846 {strides = array<i32>} : memref<4224xf32, #tpu.memory_space<vmem>>, vector<16xf32>,
    }
    %scan3A_677 = arith.constant 128 : i32
    %dma_start3A_678 = arith.constant 24 : i32
    %dma_start3A_679 = arith.constant 0 : i32
    %dma_start3A_680 = tpu.memref_slice %arg6[%dma_start3A_678, %dma_start3A_679] : memref<26x128xi32, #tpu.memory_space<vmem>> -> memref<1x128xi32, #tpu.memory_space<vmem>>
    %dma_start3A_681 = tpu.memref_squeeze %dma_start3A_680 : memref<1x128xi32, #tpu.memory_space<vmem>> -> memref<128xi32, #tpu.memory_space<vmem>>
    %dma_start3A_682 = arith.constant 0 : i32
    %dma_start3A_683 = arith.constant 0 : i32
    %dma_start3A_684 = tpu.memref_slice %arg3[%dma_start3A_682, %dma_start3A_683] : memref<2162688x16xf32, #tpu.memory_space<hbm>> -> memref<2162688x16xf32, #tpu.memory_space<hbm>>
    tpu.enqueue_indirect_dma source(%dma_start3A_684 : memref<2162688x16xf32, #tpu.memory_space<hbm>>) target(%arg8 : memref<128x16xf32, #tpu.memory_space<vmem>>) offsets(%dma_start3A_681 : memref<128xi32, #tpu.memory_space<vmem>>) semaphore(%arg21 : memref<!tpu.dma_semaphore, #tpu.memory_space<semaphore_mem>>)
    %dma_start3A_685 = arith.constant 24 : i32
    %dma_start3A_686 = arith.constant 0 : i32
    %dma_start3A_687 = tpu.memref_slice %arg7[%dma_start3A_685, %dma_start3A_686] : memref<26x128xi32, #tpu.memory_space<vmem>> -> memref<1x128xi32, #tpu.memory_space<vmem>>
    %dma_start3A_688 = tpu.memref_squeeze %dma_start3A_687 : memref<1x128xi32, #tpu.memory_space<vmem>> -> memref<128xi32, #tpu.memory_space<vmem>>
    %dma_start3A_689 = arith.constant 0 : i32
    %dma_start3A_690 = arith.constant 0 : i32
    %dma_start3A_691 = tpu.memref_slice %arg3[%dma_start3A_689, %dma_start3A_690] : memref<2162688x16xf32, #tpu.memory_space<hbm>> -> memref<2162688x16xf32, #tpu.memory_space<hbm>>
    tpu.enqueue_indirect_dma source(%dma_start3A_691 : memref<2162688x16xf32, #tpu.memory_space<hbm>>) target(%arg9 : memref<128x16xf32, #tpu.memory_space<vmem>>) offsets(%dma_start3A_688 : memref<128xi32, #tpu.memory_space<vmem>>) semaphore(%arg21 : memref<!tpu.dma_semaphore, #tpu.memory_space<semaphore_mem>>)
    %dma_start3A_692 = arith.constant 25 : i32
    %dma_start3A_693 = arith.constant 0 : i32
    %dma_start3A_694 = tpu.memref_slice %arg6[%dma_start3A_692, %dma_start3A_693] : memref<26x128xi32, #tpu.memory_space<vmem>> -> memref<1x128xi32, #tpu.memory_space<vmem>>
    %dma_start3A_695 = tpu.memref_squeeze %dma_start3A_694 : memref<1x128xi32, #tpu.memory_space<vmem>> -> memref<128xi32, #tpu.memory_space<vmem>>
    %dma_start3A_696 = arith.constant 0 : i32
    %dma_start3A_697 = arith.constant 0 : i32
    %dma_start3A_698 = tpu.memref_slice %arg3[%dma_start3A_696, %dma_start3A_697] : memref<2162688x16xf32, #tpu.memory_space<hbm>> -> memref<2162688x16xf32, #tpu.memory_space<hbm>>
    tpu.enqueue_indirect_dma source(%dma_start3A_698 : memref<2162688x16xf32, #tpu.memory_space<hbm>>) target(%arg10 : memref<128x16xf32, #tpu.memory_space<vmem>>) offsets(%dma_start3A_695 : memref<128xi32, #tpu.memory_space<vmem>>) semaphore(%arg21 : memref<!tpu.dma_semaphore, #tpu.memory_space<semaphore_mem>>)
    %dma_start3A_699 = arith.constant 25 : i32
    %dma_start3A_700 = arith.constant 0 : i32
    %dma_start3A_701 = tpu.memref_slice %arg7[%dma_start3A_699, %dma_start3A_700] : memref<26x128xi32, #tpu.memory_space<vmem>> -> memref<1x128xi32, #tpu.memory_space<vmem>>
    %dma_start3A_702 = tpu.memref_squeeze %dma_start3A_701 : memref<1x128xi32, #tpu.memory_space<vmem>> -> memref<128xi32, #tpu.memory_space<vmem>>
    %dma_start3A_703 = arith.constant 0 : i32
    %dma_start3A_704 = arith.constant 0 : i32
    %dma_start3A_705 = tpu.memref_slice %arg3[%dma_start3A_703, %dma_start3A_704] : memref<2162688x16xf32, #tpu.memory_space<hbm>> -> memref<2162688x16xf32, #tpu.memory_space<hbm>>
    tpu.enqueue_indirect_dma source(%dma_start3A_705 : memref<2162688x16xf32, #tpu.memory_space<hbm>>) target(%arg11 : memref<128x16xf32, #tpu.memory_space<vmem>>) offsets(%dma_start3A_702 : memref<128xi32, #tpu.memory_space<vmem>>) semaphore(%arg21 : memref<!tpu.dma_semaphore, #tpu.memory_space<semaphore_mem>>)
    %dma_wait3A_706 = arith.constant 21 : i32
    %dma_wait3A_707 = arith.constant 0 : i32
    %dma_wait3A_708 = tpu.memref_slice %arg6[%dma_wait3A_706, %dma_wait3A_707] : memref<26x128xi32, #tpu.memory_space<vmem>> -> memref<1x128xi32, #tpu.memory_space<vmem>>
    %dma_wait3A_709 = tpu.memref_squeeze %dma_wait3A_708 : memref<1x128xi32, #tpu.memory_space<vmem>> -> memref<128xi32, #tpu.memory_space<vmem>>
    %dma_wait3A_710 = arith.constant 0 : i32
    %dma_wait3A_711 = arith.constant 0 : i32
    %dma_wait3A_712 = tpu.memref_slice %arg3[%dma_wait3A_710, %dma_wait3A_711] : memref<2162688x16xf32, #tpu.memory_space<hbm>> -> memref<2162688x16xf32, #tpu.memory_space<hbm>>
    tpu.wait_indirect_dma semaphore(%arg22 : memref<!tpu.dma_semaphore, #tpu.memory_space<semaphore_mem>>) src(%dma_wait3A_712 : memref<2162688x16xf32, #tpu.memory_space<hbm>>) dst(%arg14 : memref<128x16xf32, #tpu.memory_space<vmem>>)
    %dma_wait3A_713 = arith.constant 21 : i32
    %dma_wait3A_714 = arith.constant 0 : i32
    %dma_wait3A_715 = tpu.memref_slice %arg7[%dma_wait3A_713, %dma_wait3A_714] : memref<26x128xi32, #tpu.memory_space<vmem>> -> memref<1x128xi32, #tpu.memory_space<vmem>>
    %dma_wait3A_716 = tpu.memref_squeeze %dma_wait3A_715 : memref<1x128xi32, #tpu.memory_space<vmem>> -> memref<128xi32, #tpu.memory_space<vmem>>
    %dma_wait3A_717 = arith.constant 0 : i32
    %dma_wait3A_718 = arith.constant 0 : i32
    %dma_wait3A_719 = tpu.memref_slice %arg3[%dma_wait3A_717, %dma_wait3A_718] : memref<2162688x16xf32, #tpu.memory_space<hbm>> -> memref<2162688x16xf32, #tpu.memory_space<hbm>>
    tpu.wait_indirect_dma semaphore(%arg22 : memref<!tpu.dma_semaphore, #tpu.memory_space<semaphore_mem>>) src(%dma_wait3A_719 : memref<2162688x16xf32, #tpu.memory_space<hbm>>) dst(%arg15 : memref<128x16xf32, #tpu.memory_space<vmem>>)
    %dma_wait3A_720 = arith.constant 22 : i32
    %dma_wait3A_721 = arith.constant 0 : i32
    %dma_wait3A_722 = tpu.memref_slice %arg6[%dma_wait3A_720, %dma_wait3A_721] : memref<26x128xi32, #tpu.memory_space<vmem>> -> memref<1x128xi32, #tpu.memory_space<vmem>>
    %dma_wait3A_723 = tpu.memref_squeeze %dma_wait3A_722 : memref<1x128xi32, #tpu.memory_space<vmem>> -> memref<128xi32, #tpu.memory_space<vmem>>
    %dma_wait3A_724 = arith.constant 0 : i32
    %dma_wait3A_725 = arith.constant 0 : i32
    %dma_wait3A_726 = tpu.memref_slice %arg3[%dma_wait3A_724, %dma_wait3A_725] : memref<2162688x16xf32, #tpu.memory_space<hbm>> -> memref<2162688x16xf32, #tpu.memory_space<hbm>>
    tpu.wait_indirect_dma semaphore(%arg22 : memref<!tpu.dma_semaphore, #tpu.memory_space<semaphore_mem>>) src(%dma_wait3A_726 : memref<2162688x16xf32, #tpu.memory_space<hbm>>) dst(%arg16 : memref<128x16xf32, #tpu.memory_space<vmem>>)
    %dma_wait3A_727 = arith.constant 22 : i32
    %dma_wait3A_728 = arith.constant 0 : i32
    %dma_wait3A_729 = tpu.memref_slice %arg7[%dma_wait3A_727, %dma_wait3A_728] : memref<26x128xi32, #tpu.memory_space<vmem>> -> memref<1x128xi32, #tpu.memory_space<vmem>>
    %dma_wait3A_730 = tpu.memref_squeeze %dma_wait3A_729 : memref<1x128xi32, #tpu.memory_space<vmem>> -> memref<128xi32, #tpu.memory_space<vmem>>
    %dma_wait3A_731 = arith.constant 0 : i32
    %dma_wait3A_732 = arith.constant 0 : i32
    %dma_wait3A_733 = tpu.memref_slice %arg3[%dma_wait3A_731, %dma_wait3A_732] : memref<2162688x16xf32, #tpu.memory_space<hbm>> -> memref<2162688x16xf32, #tpu.memory_space<hbm>>
    tpu.wait_indirect_dma semaphore(%arg22 : memref<!tpu.dma_semaphore, #tpu.memory_space<semaphore_mem>>) src(%dma_wait3A_733 : memref<2162688x16xf32, #tpu.memory_space<hbm>>) dst(%arg17 : memref<128x16xf32, #tpu.memory_space<vmem>>)
    %dma_wait3A_734 = arith.constant 23 : i32
    %dma_wait3A_735 = arith.constant 0 : i32
    %dma_wait3A_736 = tpu.memref_slice %arg6[%dma_wait3A_734, %dma_wait3A_735] : memref<26x128xi32, #tpu.memory_space<vmem>> -> memref<1x128xi32, #tpu.memory_space<vmem>>
    %dma_wait3A_737 = tpu.memref_squeeze %dma_wait3A_736 : memref<1x128xi32, #tpu.memory_space<vmem>> -> memref<128xi32, #tpu.memory_space<vmem>>
    %dma_wait3A_738 = arith.constant 0 : i32
    %dma_wait3A_739 = arith.constant 0 : i32
    %dma_wait3A_740 = tpu.memref_slice %arg3[%dma_wait3A_738, %dma_wait3A_739] : memref<2162688x16xf32, #tpu.memory_space<hbm>> -> memref<2162688x16xf32, #tpu.memory_space<hbm>>
    tpu.wait_indirect_dma semaphore(%arg22 : memref<!tpu.dma_semaphore, #tpu.memory_space<semaphore_mem>>) src(%dma_wait3A_740 : memref<2162688x16xf32, #tpu.memory_space<hbm>>) dst(%arg18 : memref<128x16xf32, #tpu.memory_space<vmem>>)
    %dma_wait3A_741 = arith.constant 23 : i32
    %dma_wait3A_742 = arith.constant 0 : i32
    %dma_wait3A_743 = tpu.memref_slice %arg7[%dma_wait3A_741, %dma_wait3A_742] : memref<26x128xi32, #tpu.memory_space<vmem>> -> memref<1x128xi32, #tpu.memory_space<vmem>>
    %dma_wait3A_744 = tpu.memref_squeeze %dma_wait3A_743 : memref<1x128xi32, #tpu.memory_space<vmem>> -> memref<128xi32, #tpu.memory_space<vmem>>
    %dma_wait3A_745 = arith.constant 0 : i32
    %dma_wait3A_746 = arith.constant 0 : i32
    %dma_wait3A_747 = tpu.memref_slice %arg3[%dma_wait3A_745, %dma_wait3A_746] : memref<2162688x16xf32, #tpu.memory_space<hbm>> -> memref<2162688x16xf32, #tpu.memory_space<hbm>>
    tpu.wait_indirect_dma semaphore(%arg22 : memref<!tpu.dma_semaphore, #tpu.memory_space<semaphore_mem>>) src(%dma_wait3A_747 : memref<2162688x16xf32, #tpu.memory_space<hbm>>) dst(%arg19 : memref<128x16xf32, #tpu.memory_space<vmem>>)
    %scan3A_748 = arith.constant 0 : i32
    %scan3A_749 = arith.constant 0 : i32
    %scan3A_750 = arith.constant 128 : i32
    %scan3A_751 = arith.addi %scan3A_749, %scan3A_750 : i32
    %scan3A_752 = arith.constant 1 : i32
    scf.for %scan3A_790 = %scan3A_749 to %scan3A_751 step %scan3A_752  : i32 {
      %mul3A_791 = arith.constant 33 : i32
      %mul3A_792 = arith.muli %scan3A_790, %mul3A_791 : i32
      %add3A_793 = arith.constant 1 : i32
      %add3A_794 = arith.addi %mul3A_792, %add3A_793 : i32
      %get3A = arith.index_cast %add3A_794 : i32 to index
      %get3A_795 = tpu.vector_load %arg20[%get3A] {strides = array<i32>} : memref<4224xf32, #tpu.memory_space<vmem>>, vector<16xf32>,
      %get3A_796 = vector.shape_cast %get3A_795 : vector<16xf32> to vector<16xf32>
      %add3A_797 = arith.constant 1 : i32
      %add3A_798 = arith.addi %mul3A_792, %add3A_797 : i32
      %add3A_799 = arith.constant 16 : i32
      %add3A_800 = arith.addi %add3A_798, %add3A_799 : i32
      %get3A_801 = arith.index_cast %add3A_800 : i32 to index
      %get3A_802 = tpu.vector_load %arg20[%get3A_801] {strides = array<i32>} : memref<4224xf32, #tpu.memory_space<vmem>>, vector<16xf32>,
      %get3A_803 = vector.shape_cast %get3A_802 : vector<16xf32> to vector<16xf32>
      %get3A_804 = arith.index_cast %scan3A_790 : i32 to index
      %get3A_805 = arith.constant 0 : index
      %get3A_806 = tpu.vector_load %arg14[%get3A_804, %get3A_805] {strides = array<i32>} : memref<128x16xf32, #tpu.memory_space<vmem>>, vector<1x16xf32>,
      %get3A_807 = vector.shape_cast %get3A_806 : vector<1x16xf32> to vector<16xf32>
      %add3A_808 = arith.addf %get3A_796, %get3A_807 : vector<16xf32>
      %get3A_809 = arith.index_cast %scan3A_790 : i32 to index
      %get3A_810 = arith.constant 0 : index
      %get3A_811 = tpu.vector_load %arg15[%get3A_809, %get3A_810] {strides = array<i32>} : memref<128x16xf32, #tpu.memory_space<vmem>>, vector<1x16xf32>,
      %get3A_812 = vector.shape_cast %get3A_811 : vector<1x16xf32> to vector<16xf32>
      %add3A_813 = arith.addf %get3A_803, %get3A_812 : vector<16xf32>
      %get3A_814 = arith.index_cast %scan3A_790 : i32 to index
      %get3A_815 = arith.constant 0 : index
      %get3A_816 = tpu.vector_load %arg16[%get3A_814, %get3A_815] {strides = array<i32>} : memref<128x16xf32, #tpu.memory_space<vmem>>, vector<1x16xf32>,
      %get3A_817 = vector.shape_cast %get3A_816 : vector<1x16xf32> to vector<16xf32>
      %add3A_818 = arith.addf %add3A_808, %get3A_817 : vector<16xf32>
      %get3A_819 = arith.index_cast %scan3A_790 : i32 to index
      %get3A_820 = arith.constant 0 : index
      %get3A_821 = tpu.vector_load %arg17[%get3A_819, %get3A_820] {strides = array<i32>} : memref<128x16xf32, #tpu.memory_space<vmem>>, vector<1x16xf32>,
      %get3A_822 = vector.shape_cast %get3A_821 : vector<1x16xf32> to vector<16xf32>
      %add3A_823 = arith.addf %add3A_813, %get3A_822 : vector<16xf32>
      %get3A_824 = arith.index_cast %scan3A_790 : i32 to index
      %get3A_825 = arith.constant 0 : index
      %get3A_826 = tpu.vector_load %arg18[%get3A_824, %get3A_825] {strides = array<i32>} : memref<128x16xf32, #tpu.memory_space<vmem>>, vector<1x16xf32>,
      %get3A_827 = vector.shape_cast %get3A_826 : vector<1x16xf32> to vector<16xf32>
      %add3A_828 = arith.addf %add3A_818, %get3A_827 : vector<16xf32>
      %get3A_829 = arith.index_cast %scan3A_790 : i32 to index
      %get3A_830 = arith.constant 0 : index
      %get3A_831 = tpu.vector_load %arg19[%get3A_829, %get3A_830] {strides = array<i32>} : memref<128x16xf32, #tpu.memory_space<vmem>>, vector<1x16xf32>,
      %get3A_832 = vector.shape_cast %get3A_831 : vector<1x16xf32> to vector<16xf32>
      %add3A_833 = arith.addf %add3A_823, %get3A_832 : vector<16xf32>
      %add3A_834 = arith.constant 1 : i32
      %add3A_835 = arith.addi %mul3A_792, %add3A_834 : i32
      %swap3A = arith.index_cast %add3A_835 : i32 to index
      %swap3A_836 = tpu.vector_load %arg20[%swap3A] {strides = array<i32>} : memref<4224xf32, #tpu.memory_space<vmem>>, vector<16xf32>,
      %swap3A_837 = vector.shape_cast %swap3A_836 : vector<16xf32> to vector<16xf32>
      %swap3A_838 = vector.shape_cast %add3A_828 : vector<16xf32> to vector<16xf32>
      tpu.vector_store %arg20[%swap3A], %swap3A_838 {strides = array<i32>} : memref<4224xf32, #tpu.memory_space<vmem>>, vector<16xf32>,
      %add3A_839 = arith.constant 1 : i32
      %add3A_840 = arith.addi %mul3A_792, %add3A_839 : i32
      %add3A_841 = arith.constant 16 : i32
      %add3A_842 = arith.addi %add3A_840, %add3A_841 : i32
      %swap3A_843 = arith.index_cast %add3A_842 : i32 to index
      %swap3A_844 = tpu.vector_load %arg20[%swap3A_843] {strides = array<i32>} : memref<4224xf32, #tpu.memory_space<vmem>>, vector<16xf32>,
      %swap3A_845 = vector.shape_cast %swap3A_844 : vector<16xf32> to vector<16xf32>
      %swap3A_846 = vector.shape_cast %add3A_833 : vector<16xf32> to vector<16xf32>
      tpu.vector_store %arg20[%swap3A_843], %swap3A_846 {strides = array<i32>} : memref<4224xf32, #tpu.memory_space<vmem>>, vector<16xf32>,
    }
    %scan3A_753 = arith.constant 128 : i32
    %dma_wait3A_754 = arith.constant 24 : i32
    %dma_wait3A_755 = arith.constant 0 : i32
    %dma_wait3A_756 = tpu.memref_slice %arg6[%dma_wait3A_754, %dma_wait3A_755] : memref<26x128xi32, #tpu.memory_space<vmem>> -> memref<1x128xi32, #tpu.memory_space<vmem>>
    %dma_wait3A_757 = tpu.memref_squeeze %dma_wait3A_756 : memref<1x128xi32, #tpu.memory_space<vmem>> -> memref<128xi32, #tpu.memory_space<vmem>>
    %dma_wait3A_758 = arith.constant 0 : i32
    %dma_wait3A_759 = arith.constant 0 : i32
    %dma_wait3A_760 = tpu.memref_slice %arg3[%dma_wait3A_758, %dma_wait3A_759] : memref<2162688x16xf32, #tpu.memory_space<hbm>> -> memref<2162688x16xf32, #tpu.memory_space<hbm>>
    tpu.wait_indirect_dma semaphore(%arg21 : memref<!tpu.dma_semaphore, #tpu.memory_space<semaphore_mem>>) src(%dma_wait3A_760 : memref<2162688x16xf32, #tpu.memory_space<hbm>>) dst(%arg8 : memref<128x16xf32, #tpu.memory_space<vmem>>)
    %dma_wait3A_761 = arith.constant 24 : i32
    %dma_wait3A_762 = arith.constant 0 : i32
    %dma_wait3A_763 = tpu.memref_slice %arg7[%dma_wait3A_761, %dma_wait3A_762] : memref<26x128xi32, #tpu.memory_space<vmem>> -> memref<1x128xi32, #tpu.memory_space<vmem>>
    %dma_wait3A_764 = tpu.memref_squeeze %dma_wait3A_763 : memref<1x128xi32, #tpu.memory_space<vmem>> -> memref<128xi32, #tpu.memory_space<vmem>>
    %dma_wait3A_765 = arith.constant 0 : i32
    %dma_wait3A_766 = arith.constant 0 : i32
    %dma_wait3A_767 = tpu.memref_slice %arg3[%dma_wait3A_765, %dma_wait3A_766] : memref<2162688x16xf32, #tpu.memory_space<hbm>> -> memref<2162688x16xf32, #tpu.memory_space<hbm>>
    tpu.wait_indirect_dma semaphore(%arg21 : memref<!tpu.dma_semaphore, #tpu.memory_space<semaphore_mem>>) src(%dma_wait3A_767 : memref<2162688x16xf32, #tpu.memory_space<hbm>>) dst(%arg9 : memref<128x16xf32, #tpu.memory_space<vmem>>)
    %dma_wait3A_768 = arith.constant 25 : i32
    %dma_wait3A_769 = arith.constant 0 : i32
    %dma_wait3A_770 = tpu.memref_slice %arg6[%dma_wait3A_768, %dma_wait3A_769] : memref<26x128xi32, #tpu.memory_space<vmem>> -> memref<1x128xi32, #tpu.memory_space<vmem>>
    %dma_wait3A_771 = tpu.memref_squeeze %dma_wait3A_770 : memref<1x128xi32, #tpu.memory_space<vmem>> -> memref<128xi32, #tpu.memory_space<vmem>>
    %dma_wait3A_772 = arith.constant 0 : i32
    %dma_wait3A_773 = arith.constant 0 : i32
    %dma_wait3A_774 = tpu.memref_slice %arg3[%dma_wait3A_772, %dma_wait3A_773] : memref<2162688x16xf32, #tpu.memory_space<hbm>> -> memref<2162688x16xf32, #tpu.memory_space<hbm>>
    tpu.wait_indirect_dma semaphore(%arg21 : memref<!tpu.dma_semaphore, #tpu.memory_space<semaphore_mem>>) src(%dma_wait3A_774 : memref<2162688x16xf32, #tpu.memory_space<hbm>>) dst(%arg10 : memref<128x16xf32, #tpu.memory_space<vmem>>)
    %dma_wait3A_775 = arith.constant 25 : i32
    %dma_wait3A_776 = arith.constant 0 : i32
    %dma_wait3A_777 = tpu.memref_slice %arg7[%dma_wait3A_775, %dma_wait3A_776] : memref<26x128xi32, #tpu.memory_space<vmem>> -> memref<1x128xi32, #tpu.memory_space<vmem>>
    %dma_wait3A_778 = tpu.memref_squeeze %dma_wait3A_777 : memref<1x128xi32, #tpu.memory_space<vmem>> -> memref<128xi32, #tpu.memory_space<vmem>>
    %dma_wait3A_779 = arith.constant 0 : i32
    %dma_wait3A_780 = arith.constant 0 : i32
    %dma_wait3A_781 = tpu.memref_slice %arg3[%dma_wait3A_779, %dma_wait3A_780] : memref<2162688x16xf32, #tpu.memory_space<hbm>> -> memref<2162688x16xf32, #tpu.memory_space<hbm>>
    tpu.wait_indirect_dma semaphore(%arg21 : memref<!tpu.dma_semaphore, #tpu.memory_space<semaphore_mem>>) src(%dma_wait3A_781 : memref<2162688x16xf32, #tpu.memory_space<hbm>>) dst(%arg11 : memref<128x16xf32, #tpu.memory_space<vmem>>)
    %scan3A_782 = arith.constant 0 : i32
    %scan3A_783 = arith.constant 0 : i32
    %scan3A_784 = arith.constant 128 : i32
    %scan3A_785 = arith.addi %scan3A_783, %scan3A_784 : i32
    %scan3A_786 = arith.constant 1 : i32
    scf.for %scan3A_790 = %scan3A_783 to %scan3A_785 step %scan3A_786  : i32 {
      %mul3A_791 = arith.constant 33 : i32
      %mul3A_792 = arith.muli %scan3A_790, %mul3A_791 : i32
      %add3A_793 = arith.constant 1 : i32
      %add3A_794 = arith.addi %mul3A_792, %add3A_793 : i32
      %get3A = arith.index_cast %add3A_794 : i32 to index
      %get3A_795 = tpu.vector_load %arg20[%get3A] {strides = array<i32>} : memref<4224xf32, #tpu.memory_space<vmem>>, vector<16xf32>,
      %get3A_796 = vector.shape_cast %get3A_795 : vector<16xf32> to vector<16xf32>
      %add3A_797 = arith.constant 1 : i32
      %add3A_798 = arith.addi %mul3A_792, %add3A_797 : i32
      %add3A_799 = arith.constant 16 : i32
      %add3A_800 = arith.addi %add3A_798, %add3A_799 : i32
      %get3A_801 = arith.index_cast %add3A_800 : i32 to index
      %get3A_802 = tpu.vector_load %arg20[%get3A_801] {strides = array<i32>} : memref<4224xf32, #tpu.memory_space<vmem>>, vector<16xf32>,
      %get3A_803 = vector.shape_cast %get3A_802 : vector<16xf32> to vector<16xf32>
      %get3A_804 = arith.index_cast %scan3A_790 : i32 to index
      %get3A_805 = arith.constant 0 : index
      %get3A_806 = tpu.vector_load %arg8[%get3A_804, %get3A_805] {strides = array<i32>} : memref<128x16xf32, #tpu.memory_space<vmem>>, vector<1x16xf32>,
      %get3A_807 = vector.shape_cast %get3A_806 : vector<1x16xf32> to vector<16xf32>
      %add3A_808 = arith.addf %get3A_796, %get3A_807 : vector<16xf32>
      %get3A_809 = arith.index_cast %scan3A_790 : i32 to index
      %get3A_810 = arith.constant 0 : index
      %get3A_811 = tpu.vector_load %arg9[%get3A_809, %get3A_810] {strides = array<i32>} : memref<128x16xf32, #tpu.memory_space<vmem>>, vector<1x16xf32>,
      %get3A_812 = vector.shape_cast %get3A_811 : vector<1x16xf32> to vector<16xf32>
      %add3A_813 = arith.addf %get3A_803, %get3A_812 : vector<16xf32>
      %get3A_814 = arith.index_cast %scan3A_790 : i32 to index
      %get3A_815 = arith.constant 0 : index
      %get3A_816 = tpu.vector_load %arg10[%get3A_814, %get3A_815] {strides = array<i32>} : memref<128x16xf32, #tpu.memory_space<vmem>>, vector<1x16xf32>,
      %get3A_817 = vector.shape_cast %get3A_816 : vector<1x16xf32> to vector<16xf32>
      %add3A_818 = arith.addf %add3A_808, %get3A_817 : vector<16xf32>
      %get3A_819 = arith.index_cast %scan3A_790 : i32 to index
      %get3A_820 = arith.constant 0 : index
      %get3A_821 = tpu.vector_load %arg11[%get3A_819, %get3A_820] {strides = array<i32>} : memref<128x16xf32, #tpu.memory_space<vmem>>, vector<1x16xf32>,
      %get3A_822 = vector.shape_cast %get3A_821 : vector<1x16xf32> to vector<16xf32>
      %add3A_823 = arith.addf %add3A_813, %get3A_822 : vector<16xf32>
      %add3A_824 = arith.constant 1 : i32
      %add3A_825 = arith.addi %mul3A_792, %add3A_824 : i32
      %swap3A = arith.index_cast %add3A_825 : i32 to index
      %swap3A_826 = tpu.vector_load %arg20[%swap3A] {strides = array<i32>} : memref<4224xf32, #tpu.memory_space<vmem>>, vector<16xf32>,
      %swap3A_827 = vector.shape_cast %swap3A_826 : vector<16xf32> to vector<16xf32>
      %swap3A_828 = vector.shape_cast %add3A_818 : vector<16xf32> to vector<16xf32>
      tpu.vector_store %arg20[%swap3A], %swap3A_828 {strides = array<i32>} : memref<4224xf32, #tpu.memory_space<vmem>>, vector<16xf32>,
      %add3A_829 = arith.constant 1 : i32
      %add3A_830 = arith.addi %mul3A_792, %add3A_829 : i32
      %add3A_831 = arith.constant 16 : i32
      %add3A_832 = arith.addi %add3A_830, %add3A_831 : i32
      %swap3A_833 = arith.index_cast %add3A_832 : i32 to index
      %swap3A_834 = tpu.vector_load %arg20[%swap3A_833] {strides = array<i32>} : memref<4224xf32, #tpu.memory_space<vmem>>, vector<16xf32>,
      %swap3A_835 = vector.shape_cast %swap3A_834 : vector<16xf32> to vector<16xf32>
      %swap3A_836 = vector.shape_cast %add3A_823 : vector<16xf32> to vector<16xf32>
      tpu.vector_store %arg20[%swap3A_833], %swap3A_836 {strides = array<i32>} : memref<4224xf32, #tpu.memory_space<vmem>>, vector<16xf32>,
    }
    %scan3A_787 = arith.constant 128 : i32
    %mul3A_788 = arith.constant 4224 : i32
    %mul3A_789 = arith.muli %add3A, %mul3A_788 : i32
    "tpu.region"() ({
      %run_scoped3A = tpu.sem_alloc : memref<!tpu.dma_semaphore, #tpu.memory_space<semaphore_mem>>
      %dma_start3A_790 = tpu.memref_slice %arg4[%mul3A_789] : memref<135168xf32, #tpu.memory_space<hbm>> -> memref<4224xf32, #tpu.memory_space<hbm>>
      %dma_start3A_791 = tpu.memref_slice %arg4[%mul3A_789] : memref<135168xf32, #tpu.memory_space<hbm>> -> memref<4224xf32, #tpu.memory_space<hbm>>
      tpu.enqueue_dma source(%arg20 : memref<4224xf32, #tpu.memory_space<vmem>>) target(%dma_start3A_791 : memref<4224xf32, #tpu.memory_space<hbm>>) target_semaphore(%run_scoped3A : memref<!tpu.dma_semaphore, #tpu.memory_space<semaphore_mem>>)
      %dma_wait3A_792 = tpu.memref_slice %arg4[%mul3A_789] : memref<135168xf32, #tpu.memory_space<hbm>> -> memref<4224xf32, #tpu.memory_space<hbm>>
      %dma_wait3A_793 = tpu.memref_slice %arg4[%mul3A_789] : memref<135168xf32, #tpu.memory_space<hbm>> -> memref<4224xf32, #tpu.memory_space<hbm>>
      tpu.wait_dma2 semaphore(%run_scoped3A : memref<!tpu.dma_semaphore, #tpu.memory_space<semaphore_mem>>) src(%arg20 : memref<4224xf32, #tpu.memory_space<vmem>>) dst(%dma_wait3A_793 : memref<4224xf32, #tpu.memory_space<hbm>>)
      tpu.yield
    }) : () -> ()
    return
  }
}

module attributes {stable_mosaic.version = 14 : i64} {
  func.func @_tc_linearize_body(%arg0: i32, %arg1: memref<32x8192xf32, #tpu.memory_space<vmem>>, %arg2: memref<32x8192xf32, #tpu.memory_space<vmem>>, %arg3: memref<32x8192xf32, #tpu.memory_space<vmem>>, %arg4: memref<32x8192xf32, #tpu.memory_space<vmem>>, %arg5: memref<8192x128xf32, #tpu.memory_space<vmem>>) attributes {dimension_semantics = [#tpu.dimension_semantics<arbitrary>], iteration_bounds = array<i64: 33>, scalar_prefetch = 0 : i64, scratch_operands = 0 : i64, tpu.core_type = #tpu.core_type<tc>, window_params = [{transform_indices = @transform_0, window_bounds = array<i64: 32, 8192>}, {transform_indices = @transform_1, window_bounds = array<i64: 32, 8192>}, {transform_indices = @transform_2, window_bounds = array<i64: 32, 8192>}, {transform_indices = @transform_3, window_bounds = array<i64: 32, 8192>}, {transform_indices = @transform_4, window_bounds = array<i64: 8192, 128>}]} {
    %iota3A = tpu.iota {dimensions = array<i32: 0>} : vector<32x32xi32>
    %iota3A_0 = tpu.iota {dimensions = array<i32: 1>} : vector<32x32xi32>
    %add3A = arith.constant 0 : i32
    %add3A_1 = vector.broadcast %add3A : i32 to vector<32x32xi32>
    %add3A_2 = arith.addi %iota3A, %add3A_1 : vector<32x32xi32>
    %eq3A = arith.cmpi eq, %add3A_2, %iota3A_0 : vector<32x32xi32>
    %convert_element_type3A = arith.extui %eq3A : vector<32x32xi1> to vector<32x32xi32>
    %convert_element_type3A_3 = arith.sitofp %convert_element_type3A : vector<32x32xi32> to vector<32x32xf32>
    %get3A = arith.constant 0 : index
    %get3A_4 = arith.constant 0 : index
    %get3A_5 = vector.load %arg1[%get3A, %get3A_4] : memref<32x8192xf32, #tpu.memory_space<vmem>>, vector<32x8192xf32>
    %dot_general3A = arith.constant dense<0.000000e+00> : vector<8192x32xf32>
    %dot_general3A_6 = tpu.matmul %get3A_5, %convert_element_type3A_3, %dot_general3A {dimension_numbers = #tpu.dot_dimension_numbers<[0], [0], [1], [1], [0, 1, 1, 1], [], []>, transpose_lhs_hint = false} : vector<32x8192xf32>, vector<32x32xf32>, vector<8192x32xf32> -> vector<8192x32xf32>
    %get3A_7 = arith.constant 0 : index
    %get3A_8 = arith.constant 0 : index
    %get3A_9 = vector.load %arg2[%get3A_7, %get3A_8] : memref<32x8192xf32, #tpu.memory_space<vmem>>, vector<32x8192xf32>
    %dot_general3A_10 = arith.constant dense<0.000000e+00> : vector<8192x32xf32>
    %dot_general3A_11 = tpu.matmul %get3A_9, %convert_element_type3A_3, %dot_general3A_10 {dimension_numbers = #tpu.dot_dimension_numbers<[0], [0], [1], [1], [0, 1, 1, 1], [], []>, transpose_lhs_hint = false} : vector<32x8192xf32>, vector<32x32xf32>, vector<8192x32xf32> -> vector<8192x32xf32>
    %get3A_12 = arith.constant 0 : index
    %get3A_13 = arith.constant 0 : index
    %get3A_14 = vector.load %arg3[%get3A_12, %get3A_13] : memref<32x8192xf32, #tpu.memory_space<vmem>>, vector<32x8192xf32>
    %dot_general3A_15 = arith.constant dense<0.000000e+00> : vector<8192x32xf32>
    %dot_general3A_16 = tpu.matmul %get3A_14, %convert_element_type3A_3, %dot_general3A_15 {dimension_numbers = #tpu.dot_dimension_numbers<[0], [0], [1], [1], [0, 1, 1, 1], [], []>, transpose_lhs_hint = false} : vector<32x8192xf32>, vector<32x32xf32>, vector<8192x32xf32> -> vector<8192x32xf32>
    %get3A_17 = arith.constant 0 : index
    %get3A_18 = arith.constant 0 : index
    %get3A_19 = vector.load %arg4[%get3A_17, %get3A_18] : memref<32x8192xf32, #tpu.memory_space<vmem>>, vector<32x8192xf32>
    %dot_general3A_20 = arith.constant dense<0.000000e+00> : vector<8192x32xf32>
    %dot_general3A_21 = tpu.matmul %get3A_19, %convert_element_type3A_3, %dot_general3A_20 {dimension_numbers = #tpu.dot_dimension_numbers<[0], [0], [1], [1], [0, 1, 1, 1], [], []>, transpose_lhs_hint = false} : vector<32x8192xf32>, vector<32x32xf32>, vector<8192x32xf32> -> vector<8192x32xf32>
    %concatenate3A = tpu.concatenate %dot_general3A_6, %dot_general3A_11, %dot_general3A_16, %dot_general3A_21 in 1 : vector<8192x32xf32>, vector<8192x32xf32>, vector<8192x32xf32>, vector<8192x32xf32> -> vector<8192x128xf32>
    %swap3A = arith.constant 0 : index
    %swap3A_22 = arith.constant 0 : index
    %swap3A_23 = vector.load %arg5[%swap3A, %swap3A_22] : memref<8192x128xf32, #tpu.memory_space<vmem>>, vector<8192x128xf32>
    tpu.vector_store %arg5[%swap3A, %swap3A_22], %concatenate3A {strides = array<i32>} : memref<8192x128xf32, #tpu.memory_space<vmem>>, vector<8192x128xf32>,
    return
  }
  func.func @transform_0(%arg0: i32) -> (i32, i32) {
    %add3A = arith.constant 0 : i32
    %add3A_0 = arith.addi %add3A, %arg0 : i32
    %c0_i32 = arith.constant 0 : i32
    %c0_i32_1 = arith.constant 0 : i32
    return %c0_i32, %add3A_0 : i32, i32
  }
  func.func @transform_1(%arg0: i32) -> (i32, i32) {
    %add3A = arith.constant 30 : i32
    %add3A_0 = arith.addi %add3A, %arg0 : i32
    %c0_i32 = arith.constant 0 : i32
    %c0_i32_1 = arith.constant 0 : i32
    return %c0_i32, %add3A_0 : i32, i32
  }
  func.func @transform_2(%arg0: i32) -> (i32, i32) {
    %add3A = arith.constant 60 : i32
    %add3A_0 = arith.addi %add3A, %arg0 : i32
    %c0_i32 = arith.constant 0 : i32
    %c0_i32_1 = arith.constant 0 : i32
    return %c0_i32, %add3A_0 : i32, i32
  }
  func.func @transform_3(%arg0: i32) -> (i32, i32) {
    %add3A = arith.constant 90 : i32
    %add3A_0 = arith.addi %add3A, %arg0 : i32
    %c0_i32 = arith.constant 0 : i32
    %c0_i32_1 = arith.constant 0 : i32
    return %c0_i32, %add3A_0 : i32, i32
  }
  func.func @transform_4(%arg0: i32) -> (i32, i32) {
    %c0_i32 = arith.constant 0 : i32
    %c0_i32_0 = arith.constant 0 : i32
    return %arg0, %c0_i32 : i32, i32
  }
}

</mosaic_0001>

<sc_bundles>
// kernel: kernel.4.cloned.1.call-start
scs
__scs_entry_jumppad:
0x0: {  	(pc) =	sbr.rel $0x88, $3  }
0x1: {  	(tag) =	ssettag $0x0;
	lr =	simm.s32 $0x1  }
0x2: {  	[smem:$0x3F9F] =	sst lr;
	_ =	strace $0xD0000000  }
0x3: {  	_ = 	snop  }
0x4: {  	_ = 	snop  }
0x5: {  	_ = 	snop  }
0x6: {  	_ = 	snop  }
0x7: {  	_ = 	snop  }
__scs_overlays_trampoline_lowered:
0x8: {  	[smem:$0x3FAE] =	sst s0  }
0x9: {  	[smem:$0x3FAF] =	sst s1  }
0xa: {  	[smem:$0x3FB0] =	sst s2  }
0xb: {  	[smem:$0x3FB1] =	sst s3  }
0xc: {  	[smem:$0x3FB2] =	sst s4  }
0xd: {  	[smem:$0x3FB3] =	sst s5  }
0xe: {  	[smem:$0x3FB4] =	sst s6  }
0xf: {  	[smem:$0x3FB5] =	sst s7  }
0x10: {  	[smem:$0x3FB6] =	sst s8  }
0x11: {  	[smem:$0x3FB7] =	sst s9;
	s0 =	simm.s32 @!p0 $0x0  }
0x12: {  	s1 =	sld [smem:$0x3F9D];
	s0 =	simm.s32 @p0 $0x1  }
0x13: {  	[smem:$0x3FB8] =	sst s0;
	s0 =	simm.s32 @!p1 $0x0  }
0x14: {  	s2 =	sld [smem:$0x3F9C];
	s0 =	simm.s32 @p1 $0x1  }
0x15: {  	[smem:$0x3FB9] =	sst s0;
	s0 =	simm.s32 @!p2 $0x0  }
0x16: {  	s3 =	sld [smem:$0x3FDB];
	s0 =	simm.s32 @p2 $0x1  }
0x17: {  	s4 =	simm.s32 $0x1BF5;
	[smem:$0x3FBB] =	sst s0  }
0x18: {  	s0 =	sld [smem:$0x3F9E];
	_ =	swait.ge [sflag:s4], $0x0  }
0x19: {  	s7 =	sld [smem:$0x3F9F]  }
0x1a: {  	s8 =	sadd.s32 $0xFFFFE003, lr  }
0x1b: {  	s9 =	sadd.s32 $0xFFFFFEF7, lr;
	s5 =	simm.s32 $0xFFFFFFFF;
	p2 =	slt.u32 s8, $0xFFFFF086  }
0x1c: {  	p1 =	slt.u32 s9, $0xF7A;
	s5 =	simm.s32 @!p2 $0x0  }
0x1d: {  	s5 =	simm.s32 @p1 $0x1;
	p0 =	seq.s32 s7, s2  }
0x1e: {  	s7 =	smul.u32 @!p0 $0xF7A, s2;
	p2 =	seq.s32 @!p0 s5, $0x0  }
0x1f: {  	s9 =	smul.u32 $0xF7A, s1;
	s8 =	simm.s32 @!p0 $0x1BF5;
	p2 =	por !p2, p0  }
0x20: {  	[sflag:s8] =	ssyncset.s32 @!p0 $0xFFFFF086;
	s6 =	sadd.s32 @!p0 s3, s7;
	s7 =	simm.s32 @!p0 $0x108  }
0x21: {  	s3 =	sadd.s32 s3, s9;
	s6 =	sadd.s32 @!p0 $0x88, s6;
	s7 =	simm.s32 @p2 $0x1082  }
0x22: {  	[simem:s7], [sflag:s8] =	dma.local @!p0 [hbm:s6], $0xF7A  }
0x23: {  	s9 =	sor.u32 $0xD0000000, s2;
	s6 =	simm.s32 $0x108;
	_ =	swait.ge @!p0 [sflag:s8], $0x0  }
0x24: {  	s3 =	sadd.s32 $0x88, s3;
	s6 =	simm.s32 @!p1 $0x1082;
	[sflag:s4] =	ssyncset.s32 $0xFFFFF086  }
0x25: {  	[simem:s6], [sflag:s4] =	dma.local [hbm:s3], $0xF7A  }
0x26: {  	[smem:$0x3F9F] =	sst s1;
	(tag) =	ssettag s2;
	_ =	strace s9  }
0x27: {  	s1 =	sld [smem:$0x3FAF]  }
0x28: {  	s2 =	sld [smem:$0x3FB0]  }
0x29: {  	s4 =	sld [smem:$0x3FB2]  }
0x2a: {  	p0 =	seq.s32 s5, $0x0;
	s5 =	sld [smem:$0x3FB3]  }
0x2b: {  	s6 =	sld [smem:$0x3FB4]  }
0x2c: {  	s7 =	sld [smem:$0x3FB5]  }
0x2d: {  	s3 =	simm.s32 $0x108;
	s8 =	sld [smem:$0x3FB6]  }
0x2e: {  	s3 =	simm.s32 @!p0 $0x1082;
	s9 =	sld [smem:$0x3FB7]  }
0x2f: {  	lr =	sadd.s32 s0, s3;
	s0 =	sld [smem:$0x3FAE]  }
0x30: {  	s3 =	sld [smem:$0x3FB1]  }
0x31: {  	[smem:$0x3FBA] =	sst s10  }
0x32: {  	s10 =	sld [smem:$0x3FB8];
	_ =	sdelay $0x3  }
0x33: {  	p0 =	seq.s32 s10, $0x1;
	s10 =	sld [smem:$0x3FBA];
	_ =	sdelay $0x3  }
0x34: {  	[smem:$0x3FBA] =	sst s10  }
0x35: {  	s10 =	sld [smem:$0x3FB9];
	_ =	sdelay $0x3  }
0x36: {  	p1 =	seq.s32 s10, $0x1;
	s10 =	sld [smem:$0x3FBA];
	_ =	sdelay $0x3  }
0x37: {  	[smem:$0x3FBA] =	sst s10  }
0x38: {  	s10 =	sld [smem:$0x3FBB]  }
0x39: {  	_ = 	snop;
	(pc) =	sbr.ind lr, $3  }
0x3a: {  	_ = 	snop  }
0x3b: {  	_ = 	snop  }
0x3c: {  	p2 =	seq.s32 s10, $0x1;
	s10 =	sld [smem:$0x3FBA]  }
0x3d: {  	_ =	shalt  }
0x3e: {  	_ =	shalt  }
0x3f: {  	_ =	shalt  }
0x40: {  	_ =	shalt  }
0x41: {  	_ =	shalt  }
0x42: {  	_ =	shalt  }
0x43: {  	_ =	shalt  }
0x44: {  	_ =	shalt  }
0x45: {  	_ =	shalt  }
0x46: {  	_ =	shalt  }
0x47: {  	_ =	shalt  }
0x48: {  	_ =	shalt  }
0x49: {  	_ =	shalt  }
0x4a: {  	_ =	shalt  }
0x4b: {  	_ =	shalt  }
0x4c: {  	_ =	shalt  }
0x4d: {  	_ =	shalt  }
0x4e: {  	_ =	shalt  }
0x4f: {  	_ =	shalt  }
0x50: {  	_ =	shalt  }
0x51: {  	_ =	shalt  }
0x52: {  	_ =	shalt  }
0x53: {  	_ =	shalt  }
0x54: {  	_ =	shalt  }
0x55: {  	_ =	shalt  }
0x56: {  	_ =	shalt  }
0x57: {  	_ =	shalt  }
0x58: {  	_ =	shalt  }
0x59: {  	_ =	shalt  }
0x5a: {  	_ =	shalt  }
0x5b: {  	_ =	shalt  }
0x5c: {  	_ =	shalt  }
0x5d: {  	_ =	shalt  }
0x5e: {  	_ =	shalt  }
0x5f: {  	_ =	shalt  }
0x60: {  	_ =	shalt  }
0x61: {  	_ =	shalt  }
0x62: {  	_ =	shalt  }
0x63: {  	_ =	shalt  }
0x64: {  	_ =	shalt  }
0x65: {  	_ =	shalt  }
0x66: {  	_ =	shalt  }
0x67: {  	_ =	shalt  }
0x68: {  	_ =	shalt  }
0x69: {  	_ =	shalt  }
0x6a: {  	_ =	shalt  }
0x6b: {  	_ =	shalt  }
0x6c: {  	_ =	shalt  }
0x6d: {  	_ =	shalt  }
0x6e: {  	_ =	shalt  }
0x6f: {  	_ =	shalt  }
0x70: {  	_ =	shalt  }
0x71: {  	_ =	shalt  }
0x72: {  	_ =	shalt  }
0x73: {  	_ =	shalt  }
0x74: {  	_ =	shalt  }
0x75: {  	_ =	shalt  }
0x76: {  	_ =	shalt  }
0x77: {  	_ =	shalt  }
0x78: {  	_ =	shalt  }
0x79: {  	_ =	shalt  }
0x7a: {  	_ =	shalt  }
0x7b: {  	_ =	shalt  }
0x7c: {  	_ =	shalt  }
0x7d: {  	_ =	shalt  }
0x7e: {  	_ =	shalt  }
0x7f: {  	_ =	shalt  }
0x80: {  	_ =	shalt  }
0x81: {  	_ =	shalt  }
0x82: {  	_ =	shalt  }
0x83: {  	_ =	shalt  }
0x84: {  	_ =	shalt  }
0x85: {  	_ =	shalt  }
0x86: {  	_ =	shalt  }
0x87: {  	_ =	shalt  }
.Lfunc_end0:
.L_simem_size_0:
called_computation_lowered:
.L_overlay_start_0:
0x88: {  	s2 =	sld [smem:$0x3FD9]  }
0x89: {  	s3 =	sld [smem:$0x3FFE];
	_ =	sdelay $0x1  }
0x8a: {  	s1 =	srdreg.scid  }
0x8b: {  	s0 =	sand.u32 $0x1, s1  }
0x8c: {  	s17 =	sshll.u32 s0, $0xA;
	s2 =	sadd.s32 s3, s2  }
0x8d: {  	s2 =	sadd.s32 s2, s17  }
0x8e: {  	[smem:$0x3FC6] =	sst s2  }
0x8f: {  	_ = 	snop  }
0x90: {  	s2 =	sld [smem:$0x3FD0];
	(tm) =	ssettm $0x1  }
0x91: {  	s18 =	sld [smem:$0x3FFB];
	_ =	sdelay $0x3  }
0x92: {  	_ =	strace s18  }
0x93: {  	s3 =	sld [smem:$0x3FFC];
	_ =	sdelay $0x3  }
0x94: {  	_ =	strace s3  }
0x95: {  	s3 =	sld [smem:$0x3FFD];
	_ =	sdelay $0x3  }
0x96: {  	_ =	strace s3  }
0x97: {  	_ =	strace $0x8FFFFFFF  }
0x98: {  	s19 =	sld [smem:$0x3FDB];
	_ =	sdelay $0x1  }
0x99: {  	s4 =	simm.s32 $_scs_section_size  }
0x9a: {  	s5 =	simm.s32 $_size__tile_overlayer_lowered;
	s6 =	simm.s32 $_tile_overlayer_lowered  }
0x9b: {  	s22 =	simm.s32 $0x1BFF;
	s21 =	sshll.u32 s6, $0x1;
	s3 =	sadd.s32 s4, s19  }
0x9c: {  	s7 =	simm.s32 $0x0;
	s20 =	sshll.u32 s5, $0x1;
	s5 =	sadd.s32 s21, s3  }
0x9d: {  	[timem:s7], [sflag:s22] =	dma.local [hbm:s5], s20  }
0x9e: {  	_ =	swait.ge [sflag:s22], s20  }
0x9f: {  	s4 =	ssub.s32 $0x0, s20;
	[sflag:s22] =	ssyncset.done $0x0  }
0xa0: {  	[sflag:s22] =	ssyncadd.s32 s4;
	_ =	sdelay $0x1  }
0xa1: {  	s23 =	simm.s32 $0x1B8B  }
0xa2: {  	_ =	swait.ge [sflag:s23], $0x1  }
0xa3: {  	[sflag:s23] =	ssyncset.done $0x0  }
0xa4: {  	s25 =	simm.s32 $0x1B8E;
	s24 =	sld [smem:$0x3FFE];
	[sflag:s23] =	ssyncadd.s32 $0xFFFFFFFF  }
0xa5: {  	s26 =	simm.s32 $execute0_lowered;
	[smem:$0x3FD2] =	sst s25  }
0xa6: {  	s5 =	sshll.u32 s26, $0x1;
	_ =	strace $0x80000046;
	[dreg:$0x1] =	wrdreg $0xFFFFFFFF  }
0xa7: {  	s28 =	simm.s32 $_size_execute0_lowered;
	s3 =	sadd.s32 s3, s5;
	[dreg:$0x0] =	wrdreg $0x0  }
0xa8: {  	s5 =	sshll.u32 s28, $0x1;
	[dreg:$0x2] =	wrdreg s3  }
0xa9: {  	[dreg:$0x3] =	wrdreg s5  }
0xaa: {  	[dreg:$0x4] =	wrdreg $0xC0  }
0xab: {  	_ =	task [dreg:s7], $0x5FFFF  }
0xac: {  	[dreg:$0x1] =	wrdreg $0xFFFFFFFF  }
0xad: {  	[dreg:$0x0] =	wrdreg $0x60  }
0xae: {  	[dreg:$0x2] =	wrdreg s24  }
0xaf: {  	[dreg:$0x3] =	wrdreg s2  }
0xb0: {  	[dreg:$0x4] =	wrdreg $0x9  }
0xb1: {  	_ =	task.clear_ibuf [dreg:s7], $0x5FFFF;
	_ =	strace $0x90000046  }
0xb2: {  	s29 =	simm.s32 $0x9;
	_ =	strace $0x80000048  }
0xb3: {  	_ =	swait.ge [sflag:s29], $0x1  }
0xb4: {  	[sflag:s29] =	ssyncadd.s32 $0xFFFFFFFF  }
0xb5: {  	_ =	strace $0x90000048  }
0xb6: {  	_ =	sfence  }
0xb7: {  	s30 =	sld [smem:$0x0];
	_ =	sdelay $0x2  }
0xb8: {  	s31 =	sshll.u32 s1, $0xD;
	s1 =	sshrl.u32 s1, $0x2  }
0xb9: {  	s3 =	sand.u32 $0x4000, s31;
	s1 =	sadd.s32 s1, s30  }
0xba: {  	s0 =	sor.u32 s3, s0;
	s1 =	sshll.u32 s1, $0x11  }
0xbb: {  	s0 =	sor.u32 s1, s0  }
0xbc: {  	s0 =	sadd.s32 $0x8F2B, s0  }
0xbd: {  	[sflag:s0] =	ssyncadd.remote.s32 $0x1  }
0xbe: {  	_ =	sfence.sel $0xFFFF  }
0xbf: {  	[dreg:$0x0] =	wrdreg $0xFFFFFFFF;
	(pc) =	sbr.abs _section_cstart, $3  }
0xc0: {  	[dreg:$0x1] =	wrdreg $0xFFFFFFFF  }
0xc1: {  	_ =	task.clear_ibuf [dreg:s7], $0x2FFFF;
	_ =	strace $0x9FFFFFFF  }
0xc2: {  	(tm) =	ssettm $0x7FFFFFFF  }
0xc3: {  	_ =	shalt  }
tec
execute0_lowered:
.L_overlay_start_1:
0x0: {  	(tag) =	ssettag $0x1  }
0x1: {  	s0 =	rddreg [dreg:$0x0]  }
0x2: {  	s1 =	rddreg [dreg:$0x1];
	s3 =	srdreg.scid  }
0x3: {  	s4 =	stileid.u32;
	s2 =	simm.s32 $0x0;
	s9 =	simm.s32 $0x3  }
0x4: {  	s11 =	simm.s32 $0x2700;
	s13 =	simm.s32 $0x2F00;
	s15 =	simm.s32 $0x3700  }
0x5: {  	s17 =	simm.s32 $0x3F00;
	s19 =	simm.s32 $0x4700;
	s21 =	simm.s32 $0x4F00  }
0x6: {  	s23 =	simm.s32 $0x5700;
	s25 =	simm.s32 $0x5F00;
	s28 =	simm.s32 $0x6700  }
0x7: {  	s30 =	simm.s32 $0x6F00;
	s10 =	simm.s32 $0x7F00;
	s12 =	simm.s32 $0x1  }
0x8: {  	s24 =	simm.s32 $0x2;
	s14 =	simm.s32 $0x2600;
	s16 =	simm.s32 $0x1980  }
0x9: {  	s18 =	simm.s32 $0x2680;
	s20 =	simm.s32 $0x8700;
	s22 =	simm.s32 $0x0  }
0xa: {  	s3 =	sand.u32 $0x1, s3;
	s4 =	sshll.u32 s4, $0x1;
	[smem:$0x7FF] =	sst s2  }
0xb: {  	s4 =	sor.u32 s3, s4;
	_ =	strace $0x80000047;
	s6 =	ssub.s32 $0x2, s3  }
0xc: {  	s3 =	sadd.s32 $0x3800, s0;
	s5 =	sshll.u32 s4, $0x4;
	s7 =	sshrl.u32 s6, $0x1  }
0xd: {  	s8 =	smul.u32 $0x210, s4;
	s5 =	sadd.s32 s5, s0;
	s31 =	ssub.s32 s6, s7  }
0xe: {  	s7 =	simm.s32 $0x80;
	s0 =	simm.s32 $0x7700;
	s4 =	sadd.s32 $0x400, s5  }
0xf: {  	v0 =	vimm.s32 $0x0;
	v1 =	vimm.f32 $1.000000000e+00;
	s5 =	sadd.s32 s1, s8;
	s6 =	smax.u32 s31, $0x1;
	s8 =	simm.s32 $0x1000  }
.LBB2_1:
0x10: {  	[tilespmem:s2], [sflag:$0x3] =	stream.strided.gather [hbm4b:s4+s7], $0xD00, s8, s7, $0x38;
	[tilespmem:$0x9780] =	vst v63  }
0x11: {  	_ =	swait.ge [sflag:s9], $0xD00  }
0x12: {  	[sflag:s9] =	ssyncset.done $0x0  }
0x13: {  	s26 =	simm.s32 $0x0;
	[sflag:s9] =	ssyncadd.s32 $0xFFFFF300  }
0x14: {  	v2 =	vld [tilespmem:s26+$0x70]  }
0x15: {  	v4 =	vld [tilespmem:s26+$0x10]  }
0x16: {  	v5 =	vld [tilespmem:s26+$0x20]  }
0x17: {  	v6 =	vld [tilespmem:s26+$0x30]  }
0x18: {  	v7 =	vld [tilespmem:s26+$0x40]  }
0x19: {  	v10 =	vld [tilespmem:s26+$0x50]  }
0x1a: {  	v11 =	vld [tilespmem:s26+$0x60]  }
0x1b: {  	vm0 =	vgt.s32 v2, $0x3BFFF;
	vm1 =	vgt.s32 v2, $0x77FFF  }
0x1c: {  	v3 =	vld [tilespmem:s26+$0x0];
	vm14 =	vgt.s32 v2, $0xB3FFF;
	vm2 =	vgt.s32 v4, $0x3BFFF;
	vm3 =	vgt.s32 v4, $0x77FFF  }
0x1d: {  	vm4 =	vgt.s32 v5, $0x3BFFF;
	vm5 =	vgt.s32 v5, $0x77FFF;
	vm6 =	vgt.s32 v6, $0x3BFFF  }
0x1e: {  	vm7 =	vgt.s32 v6, $0x77FFF;
	vm8 =	vgt.s32 v7, $0x3BFFF;
	vm9 =	vgt.s32 v7, $0x77FFF  }
0x1f: {  	vm10 =	vgt.s32 v10, $0x3BFFF;
	vm11 =	vgt.s32 v10, $0x77FFF;
	vm12 =	vgt.s32 v11, $0x3BFFF  }
0x20: {  	vm15 =	vgt.s32 v11, $0x77FFF;
	vm13 =	vgt.s32 v7, $0xB3FFF;
	v8 =	vsel vm0, $0x1, v0  }
0x21: {  	v9 =	vsel vm1, $0x1, v0;
	vm1 =	vgt.s32 v3, $0x3BFFF;
	vm0 =	vgt.s32 v3, $0x77FFF  }
0x22: {  	v13 =	vsel vm2, $0x1, v0;
	v14 =	vsel vm3, $0x1, v0;
	v15 =	vsel vm4, $0x1, v0  }
0x23: {  	v16 =	vsel vm5, $0x1, v0;
	v17 =	vsel vm6, $0x1, v0;
	v18 =	vsel vm7, $0x1, v0  }
0x24: {  	v19 =	vsel vm8, $0x1, v0;
	v20 =	vsel vm9, $0x1, v0;
	v21 =	vsel vm10, $0x1, v0  }
0x25: {  	v22 =	vsel vm11, $0x1, v0;
	vm9 =	vgt.s32 v3, $0xB3FFF;
	vm10 =	vgt.s32 v4, $0xB3FFF  }
0x26: {  	vm11 =	vgt.s32 v5, $0xB3FFF;
	v59 =	vsel vm13, $0x1, v0;
	v8 =	vadd.s32 v9, v8  }
0x27: {  	v9 =	vsel vm14, $0x1, v0;
	v13 =	vadd.s32 v14, v13;
	v14 =	vsel vm15, $0x1, v0  }
0x28: {  	vm14 =	vgt.s32 v10, $0xB3FFF;
	v15 =	vadd.s32 v16, v15;
	vm15 =	vgt.s32 v11, $0xB3FFF  }
0x29: {  	v16 =	vadd.s32 v18, v17;
	v17 =	vadd.s32 v20, v19;
	v8 =	vadd.s32 v9, v8  }
0x2a: {  	v55 =	vadd.s32 v22, v21;
	v56 =	vsel vm10, $0x1, v0;
	v9 =	vmul.u32 $0x1FFC4000, v8  }
0x2b: {  	v57 =	vsel vm11, $0x1, v0;
	v13 =	vadd.s32 v56, v13;
	v60 =	vsel vm15, $0x1, v0  }
0x2c: {  	v15 =	vadd.s32 v57, v15;
	v17 =	vadd.s32 v59, v17;
	v2 =	vadd.s32 v2, v9  }
0x2d: {  	v8 =	vshll.u32 v8, $0x1;
	v22 =	vmul.u32 $0x1FFC4000, v17;
	v2 =	vshll.u32 v2, $0x3  }
0x2e: {  	v9 =	vadd.s32 v8, v2;
	v2 =	vsel vm1, $0x1, v0;
	v8 =	vsel vm0, $0x1, v0  }
0x2f: {  	v63 =	vadd.s32 v7, v22;
	v2 =	vadd.s32 v8, v2;
	v8 =	vsel vm12, $0x1, v0  }
0x30: {  	v12 =	vor.u32 $0x1, v9;
	vm12 =	vgt.s32 v6, $0xB3FFF;
	v8 =	vadd.s32 v14, v8  }
0x31: {  	v14 =	vsel vm9, $0x1, v0;
	v58 =	vsel vm12, $0x1, v0;
	[tilespmem:s26+$0x1A70] =	vst v12;
	v12 =	vshll.u32 v15, $0x1  }
0x32: {  	v14 =	vadd.s32 v14, v2;
	v2 =	vsel vm14, $0x1, v0;
	v16 =	vadd.s32 v58, v16  }
0x33: {  	v19 =	vadd.s32 v60, v8;
	v8 =	vmul.u32 $0x1FFC4000, v15;
	v15 =	vshll.u32 v17, $0x1  }
0x34: {  	v61 =	vmul.u32 $0x1FFC4000, v14;
	v18 =	vadd.s32 v2, v55;
	v2 =	vmul.u32 $0x1FFC4000, v13  }
0x35: {  	[tilespmem:s26+$0xD70] =	vst v9;
	v21 =	vmul.u32 $0x1FFC4000, v16;
	v9 =	vshll.u32 v19, $0x1;
	v62 =	vmul.u32 $0x1FFC4000, v18  }
0x36: {  	v5 =	vadd.s32 v5, v8;
	v3 =	vadd.s32 v3, v61;
	v2 =	vadd.s32 v4, v2  }
0x37: {  	v4 =	vmul.u32 $0x1FFC4000, v19;
	v6 =	vadd.s32 v6, v21;
	v8 =	vshll.u32 v5, $0x3  }
0x38: {  	v5 =	vshll.u32 v63, $0x3;
	v10 =	vadd.s32 v10, v62;
	v7 =	vshll.u32 v3, $0x3  }
0x39: {  	v2 =	vshll.u32 v2, $0x3;
	v3 =	vshll.u32 v6, $0x3;
	v4 =	vadd.s32 v11, v4  }
0x3a: {  	v11 =	vshll.u32 v14, $0x1;
	v6 =	vshll.u32 v10, $0x3;
	v14 =	vshll.u32 v13, $0x1  }
0x3b: {  	s29 =	simm.s32 $0x80;
	s31 =	simm.s32 $0x400;
	v10 =	vshll.u32 v16, $0x1;
	v13 =	vshll.u32 v18, $0x1;
	v4 =	vshll.u32 v4, $0x3  }
.LBB2_2:
0x3c: {  	p0 =	sne.s32 s31, $0x3200;
	v16 =	vld [tilespmem:s29+$0x70];
	v7 =	vadd.s32 v11, v7;
	v11 =	vadd.s32 v14, v2;
	v8 =	vadd.s32 v12, v8  }
0x3d: {  	v10 =	vadd.s32 v10, v3;
	v5 =	vadd.s32 v15, v5;
	v6 =	vadd.s32 v13, v6;
	v2 =	vld [tilespmem:s29+$0x0];
	[tilespmem:s26+$0xD00] =	vst v7  }
0x3e: {  	v9 =	vadd.s32 v9, v4;
	v7 =	vor.u32 $0x1, v7;
	v3 =	vld [tilespmem:s29+$0x10];
	[tilespmem:s26+$0xD10] =	vst v11;
	v11 =	vor.u32 $0x1, v11  }
0x3f: {  	v12 =	vor.u32 $0x1, v10;
	v13 =	vor.u32 $0x1, v5;
	v4 =	vld [tilespmem:s29+$0x20];
	[tilespmem:s26+$0x1A00] =	vst v7;
	v7 =	vor.u32 $0x1, v8  }
0x40: {  	v15 =	vor.u32 $0x1, v9;
	v14 =	vld [tilespmem:s29+$0x30];
	[tilespmem:s26+$0x1A10] =	vst v11;
	v11 =	vor.u32 $0x1, v6  }
0x41: {  	v17 =	vld [tilespmem:s29+$0x40];
	vm0 =	vgt.s32 v16, $0x3BFFF;
	vm1 =	vgt.s32 v16, $0x77FFF;
	[tilespmem:s26+$0x1A20] =	vst v7  }
0x42: {  	v7 =	vld [tilespmem:s29+$0x50];
	v18 =	vsel vm0, $0x1, v0;
	v19 =	vsel vm1, $0x1, v0;
	vm1 =	vgt.s32 v16, $0xB3FFF;
	[tilespmem:s26+$0x1A30] =	vst v12  }
0x43: {  	vm0 =	vgt.s32 v2, $0x3BFFF;
	v12 =	vld [tilespmem:s29+$0x60];
	v18 =	vadd.s32 v19, v18;
	v19 =	vsel vm1, $0x1, v0;
	[tilespmem:s26+$0x1A40] =	vst v13  }
0x44: {  	vm1 =	vgt.s32 v2, $0x77FFF;
	vm2 =	vgt.s32 v3, $0x3BFFF;
	v13 =	vadd.s32 v19, v18;
	[tilespmem:s26+$0x1A50] =	vst v11  }
0x45: {  	vm5 =	vgt.s32 v3, $0x77FFF;
	vm3 =	vgt.s32 v4, $0x3BFFF;
	v11 =	vmul.u32 $0x1FFC4000, v13;
	[tilespmem:s26+$0x1A60] =	vst v15  }
0x46: {  	vm6 =	vgt.s32 v4, $0x77FFF;
	vm7 =	vgt.s32 v14, $0x3BFFF;
	vm4 =	vgt.s32 v14, $0x77FFF;
	[tilespmem:s26+$0xD20] =	vst v8  }
0x47: {  	vm8 =	vgt.s32 v17, $0x3BFFF;
	vm9 =	vgt.s32 v17, $0x77FFF;
	v8 =	vadd.s32 v16, v11;
	[tilespmem:s26+$0xD30] =	vst v10  }
0x48: {  	vm10 =	vgt.s32 v7, $0x3BFFF;
	v10 =	vshll.u32 v13, $0x1;
	v8 =	vshll.u32 v8, $0x3;
	[tilespmem:s26+$0xD40] =	vst v5  }
0x49: {  	vm11 =	vgt.s32 v7, $0x77FFF;
	vm12 =	vgt.s32 v12, $0x3BFFF;
	v5 =	vadd.s32 v10, v8;
	[tilespmem:s26+$0xD50] =	vst v6  }
0x4a: {  	v6 =	vsel vm0, $0x1, v0;
	vm0 =	vgt.s32 v12, $0x77FFF;
	v8 =	vor.u32 $0x1, v5;
	[tilespmem:s26+$0xD60] =	vst v9;
	s26 =	smov.u32 s29  }
0x4b: {  	v11 =	vsel vm5, $0x1, v0;
	v10 =	vsel vm2, $0x1, v0;
	v9 =	vsel vm1, $0x1, v0;
	[tilespmem:s26+$0x1A70] =	vst v8  }
0x4c: {  	v15 =	vsel vm7, $0x1, v0;
	v13 =	vsel vm6, $0x1, v0;
	v8 =	vsel vm3, $0x1, v0;
	[tilespmem:s26+$0xD70] =	vst v5  }
0x4d: {  	v16 =	vsel vm8, $0x1, v0;
	v18 =	vsel vm9, $0x1, v0;
	v5 =	vsel vm4, $0x1, v0  }
0x4e: {  	v19 =	vsel vm10, $0x1, v0;
	v20 =	vsel vm11, $0x1, v0;
	v21 =	vsel vm12, $0x1, v0  }
0x4f: {  	vm2 =	vgt.s32 v3, $0xB3FFF;
	vm1 =	vgt.s32 v2, $0xB3FFF;
	v22 =	vsel vm0, $0x1, v0  }
0x50: {  	vm0 =	vgt.s32 v4, $0xB3FFF;
	vm3 =	vgt.s32 v14, $0xB3FFF;
	vm4 =	vgt.s32 v17, $0xB3FFF  }
0x51: {  	vm5 =	vgt.s32 v7, $0xB3FFF;
	vm6 =	vgt.s32 v12, $0xB3FFF;
	v6 =	vadd.s32 v9, v6  }
0x52: {  	v9 =	vadd.s32 v11, v10;
	v8 =	vadd.s32 v13, v8;
	v5 =	vadd.s32 v5, v15  }
0x53: {  	v10 =	vadd.s32 v18, v16;
	v11 =	vadd.s32 v20, v19;
	v13 =	vadd.s32 v22, v21  }
0x54: {  	v16 =	vsel vm2, $0x1, v0;
	v18 =	vsel vm0, $0x1, v0;
	v15 =	vsel vm1, $0x1, v0  }
0x55: {  	v19 =	vsel vm3, $0x1, v0;
	v21 =	vsel vm5, $0x1, v0;
	v20 =	vsel vm4, $0x1, v0  }
0x56: {  	v9 =	vadd.s32 v16, v9;
	v6 =	vadd.s32 v15, v6;
	v15 =	vsel vm6, $0x1, v0  }
0x57: {  	v16 =	vadd.s32 v18, v8;
	v18 =	vadd.s32 v19, v5;
	v19 =	vadd.s32 v20, v10  }
0x58: {  	v20 =	vadd.s32 v21, v11;
	v5 =	vmul.u32 $0x1FFC4000, v6;
	v21 =	vadd.s32 v15, v13  }
0x59: {  	v8 =	vmul.u32 $0x1FFC4000, v9;
	v10 =	vmul.u32 $0x1FFC4000, v16;
	v11 =	vmul.u32 $0x1FFC4000, v18  }
0x5a: {  	v13 =	vmul.u32 $0x1FFC4000, v19;
	v15 =	vmul.u32 $0x1FFC4000, v20;
	v22 =	vmul.u32 $0x1FFC4000, v21  }
0x5b: {  	v3 =	vadd.s32 v3, v8;
	v4 =	vadd.s32 v4, v10;
	v2 =	vadd.s32 v2, v5  }
0x5c: {  	v5 =	vadd.s32 v14, v11;
	v10 =	vadd.s32 v17, v13;
	v13 =	vadd.s32 v7, v15  }
.Ltmp0:
0x5d: {  	v7 =	vshll.u32 v2, $0x3;
	v2 =	vshll.u32 v3, $0x3;
	v12 =	vadd.s32 v12, v22;
	(pc) =	sbr.rel @p0 .LBB2_2-.Ltmp0, $4  }
0x5e: {  	v8 =	vshll.u32 v4, $0x3;
	v3 =	vshll.u32 v5, $0x3;
	v5 =	vshll.u32 v10, $0x3  }
0x5f: {  	v11 =	vshll.u32 v6, $0x1;
	v6 =	vshll.u32 v13, $0x3;
	v4 =	vshll.u32 v12, $0x3  }
0x60: {  	v14 =	vshll.u32 v9, $0x1;
	v10 =	vshll.u32 v18, $0x1;
	v12 =	vshll.u32 v16, $0x1  }
0x61: {  	s29 =	sshra.s32 s31, $0x2;
	s31 =	sadd.s32 $0x200, s31;
	v15 =	vshll.u32 v19, $0x1;
	v9 =	vshll.u32 v21, $0x1;
	v13 =	vshll.u32 v20, $0x1  }
0x62: {  	v16 =	vld [tilespmem:s29+$0x70];
	v7 =	vadd.s32 v11, v7  }
0x63: {  	v28 =	vld [tilespmem:s29+$0x0];
	v2 =	vadd.s32 v14, v2;
	v8 =	vadd.s32 v12, v8;
	v3 =	vadd.s32 v10, v3  }
0x64: {  	v5 =	vadd.s32 v15, v5;
	v6 =	vadd.s32 v13, v6;
	v4 =	vadd.s32 v9, v4;
	[tilespmem:s26+$0xD00] =	vst v7  }
0x65: {  	v7 =	vor.u32 $0x1, v7;
	v31 =	vor.u32 $0x1, v3;
	v32 =	vor.u32 $0x1, v5;
	v29 =	vld [tilespmem:s29+$0x10];
	[tilespmem:s26+$0xD10] =	vst v2  }
0x66: {  	v19 =	vor.u32 $0x1, v4;
	v2 =	vor.u32 $0x1, v2;
	v30 =	vld [tilespmem:s29+$0x20];
	[tilespmem:s26+$0x1A00] =	vst v7;
	v7 =	vor.u32 $0x1, v8  }
0x67: {  	v33 =	vld [tilespmem:s29+$0x30];
	[tilespmem:s26+$0x1A10] =	vst v2;
	v2 =	vor.u32 $0x1, v6;
	vm0 =	vgt.s32 v16, $0x3BFFF;
	vm1 =	vgt.s32 v16, $0x77FFF  }
0x68: {  	vm11 =	vgt.s32 v16, $0xB3FFF;
	vm12 =	vgt.s32 v28, $0x3BFFF;
	vm13 =	vgt.s32 v28, $0x77FFF  }
0x69: {  	v17 =	vsel vm0, $0x1, v0;
	v18 =	vsel vm1, $0x1, v0;
	v35 =	vsel vm11, $0x1, v0  }
0x6a: {  	v34 =	vld [tilespmem:s29+$0x40];
	[tilespmem:s26+$0x1A20] =	vst v7;
	v37 =	vsel vm12, $0x1, v0;
	v38 =	vsel vm13, $0x1, v0;
	v7 =	vadd.s32 v18, v17  }
0x6b: {  	vm2 =	vgt.s32 v29, $0x3BFFF;
	vm3 =	vgt.s32 v29, $0x77FFF;
	v7 =	vadd.s32 v35, v7  }
0x6c: {  	vm4 =	vgt.s32 v30, $0x3BFFF;
	vm5 =	vgt.s32 v30, $0x77FFF;
	v20 =	vsel vm2, $0x1, v0  }
0x6d: {  	v21 =	vsel vm3, $0x1, v0;
	vm11 =	vgt.s32 v30, $0xB3FFF;
	v17 =	vmul.u32 $0x1FFC4000, v7  }
0x6e: {  	v36 =	vld [tilespmem:s29+$0x50];
	vm6 =	vgt.s32 v33, $0x3BFFF;
	vm7 =	vgt.s32 v33, $0x77FFF;
	v7 =	vshll.u32 v7, $0x1  }
0x6f: {  	v39 =	vadd.s32 v21, v20;
	v40 =	vsel vm4, $0x1, v0;
	v41 =	vsel vm5, $0x1, v0  }
0x70: {  	[tilespmem:s26+$0x1A30] =	vst v31;
	vm12 =	vgt.s32 v33, $0xB3FFF;
	v48 =	vsel vm11, $0x1, v0;
	vm8 =	vgt.s32 v34, $0x3BFFF  }
0x71: {  	v9 =	vld [tilespmem:s29+$0x60];
	vm9 =	vgt.s32 v34, $0x77FFF;
	v20 =	vadd.s32 v41, v40;
	v42 =	vsel vm6, $0x1, v0  }
0x72: {  	v22 =	vsel vm7, $0x1, v0;
	vm13 =	vgt.s32 v34, $0xB3FFF;
	v49 =	vsel vm12, $0x1, v0  }
0x73: {  	v16 =	vadd.s32 v16, v17;
	vm10 =	vgt.s32 v36, $0x3BFFF;
	vm14 =	vgt.s32 v36, $0x77FFF  }
0x74: {  	v23 =	vsel vm8, $0x1, v0;
	v24 =	vsel vm9, $0x1, v0;
	v21 =	vadd.s32 v22, v42  }
0x75: {  	vm9 =	vgt.s32 v28, $0xB3FFF;
	v20 =	vadd.s32 v48, v20;
	v16 =	vshll.u32 v16, $0x3  }
0x76: {  	vm15 =	vgt.s32 v9, $0x3BFFF;
	vm5 =	vgt.s32 v9, $0x77FFF;
	v25 =	vsel vm10, $0x1, v0  }
0x77: {  	v43 =	vsel vm14, $0x1, v0;
	v23 =	vadd.s32 v24, v23;
	vm10 =	vgt.s32 v29, $0xB3FFF  }
0x78: {  	v46 =	vsel vm9, $0x1, v0;
	vm14 =	vgt.s32 v36, $0xB3FFF;
	v50 =	vadd.s32 v49, v21  }
0x79: {  	[tilespmem:s26+$0x1A40] =	vst v32;
	v55 =	vmul.u32 $0x1FFC4000, v20;
	v61 =	vshll.u32 v20, $0x1;
	v7 =	vadd.s32 v7, v16  }
0x7a: {  	[tilespmem:s26+$0x1A50] =	vst v2;
	v16 =	vadd.s32 v38, v37;
	v44 =	vsel vm15, $0x1, v0;
	v22 =	vadd.s32 v43, v25  }
0x7b: {  	[tilespmem:s26+$0x1A60] =	vst v19;
	v45 =	vsel vm5, $0x1, v0;
	v47 =	vsel vm10, $0x1, v0;
	vm15 =	vgt.s32 v9, $0xB3FFF  }
0x7c: {  	[tilespmem:s26+$0xD30] =	vst v3;
	v2 =	vsel vm14, $0x1, v0;
	v3 =	vmul.u32 $0x1FFC4000, v50;
	v12 =	vshll.u32 v50, $0x1  }
0x7d: {  	[tilespmem:s26+$0xD20] =	vst v8;
	v24 =	vadd.s32 v45, v44;
	v16 =	vadd.s32 v46, v16;
	v17 =	vadd.s32 v47, v39  }
0x7e: {  	[tilespmem:s26+$0xD40] =	vst v5;
	v53 =	vsel vm15, $0x1, v0;
	v2 =	vadd.s32 v2, v22;
	v5 =	vor.u32 $0x1, v7  }
0x7f: {  	[tilespmem:s26+$0xD50] =	vst v6;
	v10 =	vadd.s32 v30, v55;
	v52 =	vmul.u32 $0x1FFC4000, v16;
	v54 =	vmul.u32 $0x1FFC4000, v17  }
0x80: {  	[tilespmem:s26+$0xD60] =	vst v4;
	v8 =	vadd.s32 v53, v24;
	v57 =	vmul.u32 $0x1FFC4000, v2;
	v3 =	vadd.s32 v33, v3  }
0x81: {  	[tilespmem:s29+$0xD70] =	vst v7;
	v59 =	vshll.u32 v16, $0x1;
	v7 =	vshll.u32 v17, $0x1;
	v3 =	vshll.u32 v3, $0x3  }
0x82: {  	[tilespmem:s29+$0x1A70] =	vst v5;
	v6 =	vmul.u32 $0x1FFC4000, v8;
	v11 =	vadd.s32 v28, v52;
	v3 =	vadd.s32 v12, v3  }
0x83: {  	v14 =	vadd.s32 v29, v54;
	v11 =	vshll.u32 v11, $0x3;
	v63 =	vor.u32 $0x1, v3;
	[tilespmem:s29+$0xD30] =	vst v3  }
0x84: {  	v14 =	vshll.u32 v14, $0x3;
	v5 =	vadd.s32 v9, v6;
	v9 =	vadd.s32 v59, v11;
	[tilespmem:s29+$0x1A30] =	vst v63  }
0x85: {  	v4 =	vadd.s32 v36, v57;
	v6 =	vshll.u32 v10, $0x3;
	v7 =	vadd.s32 v7, v14;
	[tilespmem:s29+$0xD00] =	vst v9  }
0x86: {  	v2 =	vshll.u32 v2, $0x1;
	v4 =	vshll.u32 v4, $0x3;
	v6 =	vadd.s32 v61, v6;
	[tilespmem:s29+$0xD10] =	vst v7  }
0x87: {  	v51 =	vsel vm13, $0x1, v0;
	v2 =	vadd.s32 v2, v4;
	[tilespmem:s29+$0xD20] =	vst v6  }
0x88: {  	v21 =	vadd.s32 v51, v23;
	v9 =	vor.u32 $0x1, v9;
	[tilespmem:s29+$0xD50] =	vst v2  }
0x89: {  	v56 =	vmul.u32 $0x1FFC4000, v21;
	v7 =	vor.u32 $0x1, v7;
	[tilespmem:s29+$0x1A00] =	vst v9  }
0x8a: {  	v8 =	vshll.u32 v8, $0x1;
	v5 =	vshll.u32 v5, $0x3;
	v11 =	vor.u32 $0x1, v6;
	[tilespmem:s29+$0x1A10] =	vst v7  }
0x8b: {  	v58 =	vadd.s32 v34, v56;
	v5 =	vadd.s32 v8, v5;
	v8 =	vor.u32 $0x1, v2;
	[tilespmem:s29+$0x1A20] =	vst v11  }
0x8c: {  	v62 =	vshll.u32 v21, $0x1;
	v60 =	vshll.u32 v58, $0x3;
	[tilespmem:s29+$0x1A50] =	vst v8  }
0x8d: {  	v7 =	vadd.s32 v62, v60;
	[tilespmem:s29+$0xD60] =	vst v5  }
0x8e: {  	v4 =	vor.u32 $0x1, v7;
	[tilespmem:s29+$0xD40] =	vst v7  }
0x8f: {  	[tilespmem:s29+$0x1A40] =	vst v4;
	v4 =	vor.u32 $0x1, v5  }
0x90: {  	s1 =	simm.s32 $0xD00;
	[tilespmem:s29+$0x1A60] =	vst v4  }
0x91: {  	[tilespmem:s11], [sflag:$0x1] =	stream.indirect.gather [hbm4b:s3+s7], $0x10, s1, s7, $0xb8;
	[tilespmem:$0x9780] =	vst v63  }
0x92: {  	s26 =	simm.s32 $0x1A00  }
0x93: {  	[tilespmem:s13], [sflag:$0x1] =	stream.indirect.gather [hbm4b:s3+s7], $0x10, s26, s7, $0xb8;
	[tilespmem:$0x9780] =	vst v63  }
0x94: {  	s26 =	simm.s32 $0xD80  }
0x95: {  	[tilespmem:s15], [sflag:$0x1] =	stream.indirect.gather [hbm4b:s3+s7], $0x10, s26, s7, $0xb8;
	[tilespmem:$0x9780] =	vst v63  }
0x96: {  	s26 =	simm.s32 $0x1A80  }
0x97: {  	[tilespmem:s17], [sflag:$0x1] =	stream.indirect.gather [hbm4b:s3+s7], $0x10, s26, s7, $0xb8;
	[tilespmem:$0x9780] =	vst v63  }
0x98: {  	s26 =	simm.s32 $0xE00  }
0x99: {  	[tilespmem:s19], [sflag:$0x1] =	stream.indirect.gather [hbm4b:s3+s7], $0x10, s26, s7, $0xb8;
	[tilespmem:$0x9780] =	vst v63  }
0x9a: {  	s26 =	simm.s32 $0x1B00  }
0x9b: {  	[tilespmem:s21], [sflag:$0x1] =	stream.indirect.gather [hbm4b:s3+s7], $0x10, s26, s7, $0xb8;
	[tilespmem:$0x9780] =	vst v63  }
0x9c: {  	s26 =	simm.s32 $0xE80  }
0x9d: {  	[tilespmem:s23], [sflag:$0x2] =	stream.indirect.gather [hbm4b:s3+s7], $0x10, s26, s7, $0xb8;
	[tilespmem:$0x9780] =	vst v63  }
0x9e: {  	s26 =	simm.s32 $0x1B80  }
0x9f: {  	[tilespmem:s25], [sflag:$0x2] =	stream.indirect.gather [hbm4b:s3+s7], $0x10, s26, s7, $0xb8;
	[tilespmem:$0x9780] =	vst v63  }
0xa0: {  	s26 =	simm.s32 $0xF00  }
0xa1: {  	[tilespmem:s28], [sflag:$0x2] =	stream.indirect.gather [hbm4b:s3+s7], $0x10, s26, s7, $0xb8;
	[tilespmem:$0x9780] =	vst v63  }
0xa2: {  	s26 =	simm.s32 $0x1C00  }
0xa3: {  	[tilespmem:s30], [sflag:$0x2] =	stream.indirect.gather [hbm4b:s3+s7], $0x10, s26, s7, $0xb8;
	[tilespmem:$0x9780] =	vst v63  }
0xa4: {  	s26 =	simm.s32 $0xF80  }
0xa5: {  	[tilespmem:s0], [sflag:$0x2] =	stream.indirect.gather [hbm4b:s3+s7], $0x10, s26, s7, $0xb8;
	[tilespmem:$0x9780] =	vst v63  }
0xa6: {  	s26 =	simm.s32 $0x1C80  }
0xa7: {  	[tilespmem:s10], [sflag:$0x2] =	stream.indirect.gather [hbm4b:s3+s7], $0x10, s26, s7, $0xb8;
	[tilespmem:$0x9780] =	vst v63  }
0xa8: {  	_ =	swait.ge [sflag:s12], $0x800  }
0xa9: {  	[sflag:s12] =	ssyncset.done $0x0  }
0xaa: {  	[sflag:s12] =	ssyncadd.s32 $0xFFFFF800  }
0xab: {  	_ =	swait.ge [sflag:s12], $0x800  }
0xac: {  	[sflag:s12] =	ssyncset.done $0x0  }
0xad: {  	[sflag:s12] =	ssyncadd.s32 $0xFFFFF800  }
0xae: {  	_ =	swait.ge [sflag:s12], $0x800  }
0xaf: {  	[sflag:s12] =	ssyncset.done $0x0  }
0xb0: {  	[sflag:s12] =	ssyncadd.s32 $0xFFFFF800  }
0xb1: {  	_ =	swait.ge [sflag:s12], $0x800  }
0xb2: {  	[sflag:s12] =	ssyncset.done $0x0  }
0xb3: {  	[sflag:s12] =	ssyncadd.s32 $0xFFFFF800  }
0xb4: {  	_ =	swait.ge [sflag:s12], $0x800  }
0xb5: {  	[sflag:s12] =	ssyncset.done $0x0  }
0xb6: {  	[sflag:s12] =	ssyncadd.s32 $0xFFFFF800  }
0xb7: {  	_ =	swait.ge [sflag:s12], $0x800  }
0xb8: {  	[sflag:s12] =	ssyncset.done $0x0  }
0xb9: {  	s26 =	simm.s32 $0x8700;
	[sflag:s12] =	ssyncadd.s32 $0xFFFFF800  }
0xba: {  	s29 =	simm.s32 $0x0;
	[tilespmem:s26+$0x0] =	vst v1  }
0xbb: {  	v6 =	vld [tilespmem:s29+$0x2F00]  }
0xbc: {  	v7 =	vld [tilespmem:s29+$0x3F00]  }
0xbd: {  	v2 =	vld [tilespmem:s29+$0x3700]  }
0xbe: {  	v5 =	vld [tilespmem:s29+$0x2700]  }
0xbf: {  	v3 =	vld [tilespmem:s29+$0x4F00]  }
0xc0: {  	v4 =	vld [tilespmem:s29+$0x4700]  }
0xc1: {  	s31 =	simm.s32 $0x40;
	s29 =	simm.s32 $0x8700;
	v6 =	vadd.f32 v7, v6  }
.LBB2_4:
0xc2: {  	p0 =	sne.s32 s31, $0x1FC0  }
0xc3: {  	v2 =	vadd.f32 v2, v5;
	s26 =	sadd.s32 $0x21, s26;
	s1 =	smov.u32 s31;
	s31 =	sadd.s32 $0x40, s31  }
0xc4: {  	v3 =	vadd.f32 v3, v6  }
0xc5: {  	v2 =	vadd.f32 v4, v2  }
0xc6: {  	[tilespmem:s29+$0x11] =	vst v3  }
0xc7: {  	s1 =	sshra.s32 s1, $0x2;
	[tilespmem:s29+$0x1] =	vst v2;
	s29 =	smov.u32 s26  }
0xc8: {  	[tilespmem:s26+$0x0] =	vst v1  }
0xc9: {  	v2 =	vld [tilespmem:s1+$0x3700]  }
0xca: {  	v6 =	vld [tilespmem:s1+$0x2F00]  }
0xcb: {  	v7 =	vld [tilespmem:s1+$0x3F00]  }
.Ltmp1:
0xcc: {  	v5 =	vld [tilespmem:s1+$0x2700];
	(pc) =	sbr.rel @p0 .LBB2_4-.Ltmp1, $3  }
0xcd: {  	v3 =	vld [tilespmem:s1+$0x4F00]  }
0xce: {  	v4 =	vld [tilespmem:s1+$0x4700];
	_ =	sdelay $0x1  }
0xcf: {  	v6 =	vadd.f32 v7, v6  }
0xd0: {  	v2 =	vadd.f32 v2, v5  }
0xd1: {  	v3 =	vadd.f32 v3, v6  }
0xd2: {  	v2 =	vadd.f32 v4, v2  }
0xd3: {  	[tilespmem:s29+$0x11] =	vst v3  }
0xd4: {  	[tilespmem:s29+$0x1] =	vst v2  }
0xd5: {  	[tilespmem:s11], [sflag:$0x1] =	stream.indirect.gather [hbm4b:s3+s7], $0x10, s8, s7, $0xb8;
	[tilespmem:$0x9780] =	vst v63  }
0xd6: {  	s1 =	simm.s32 $0x1D00  }
0xd7: {  	[tilespmem:s13], [sflag:$0x1] =	stream.indirect.gather [hbm4b:s3+s7], $0x10, s1, s7, $0xb8;
	[tilespmem:$0x9780] =	vst v63  }
0xd8: {  	s26 =	simm.s32 $0x1080  }
0xd9: {  	[tilespmem:s15], [sflag:$0x1] =	stream.indirect.gather [hbm4b:s3+s7], $0x10, s26, s7, $0xb8;
	[tilespmem:$0x9780] =	vst v63  }
0xda: {  	s26 =	simm.s32 $0x1D80  }
0xdb: {  	[tilespmem:s17], [sflag:$0x1] =	stream.indirect.gather [hbm4b:s3+s7], $0x10, s26, s7, $0xb8;
	[tilespmem:$0x9780] =	vst v63  }
0xdc: {  	s26 =	simm.s32 $0x1100  }
0xdd: {  	[tilespmem:s19], [sflag:$0x1] =	stream.indirect.gather [hbm4b:s3+s7], $0x10, s26, s7, $0xb8;
	[tilespmem:$0x9780] =	vst v63  }
0xde: {  	s26 =	simm.s32 $0x1E00  }
0xdf: {  	[tilespmem:s21], [sflag:$0x1] =	stream.indirect.gather [hbm4b:s3+s7], $0x10, s26, s7, $0xb8;
	[tilespmem:$0x9780] =	vst v63  }
0xe0: {  	_ =	swait.ge [sflag:s24], $0x800  }
0xe1: {  	[sflag:s24] =	ssyncset.done $0x0  }
0xe2: {  	[sflag:s24] =	ssyncadd.s32 $0xFFFFF800  }
0xe3: {  	_ =	swait.ge [sflag:s24], $0x800  }
0xe4: {  	[sflag:s24] =	ssyncset.done $0x0  }
0xe5: {  	[sflag:s24] =	ssyncadd.s32 $0xFFFFF800  }
0xe6: {  	_ =	swait.ge [sflag:s24], $0x800  }
0xe7: {  	[sflag:s24] =	ssyncset.done $0x0  }
0xe8: {  	[sflag:s24] =	ssyncadd.s32 $0xFFFFF800  }
0xe9: {  	_ =	swait.ge [sflag:s24], $0x800  }
0xea: {  	[sflag:s24] =	ssyncset.done $0x0  }
0xeb: {  	[sflag:s24] =	ssyncadd.s32 $0xFFFFF800  }
0xec: {  	_ =	swait.ge [sflag:s24], $0x800  }
0xed: {  	[sflag:s24] =	ssyncset.done $0x0  }
0xee: {  	[sflag:s24] =	ssyncadd.s32 $0xFFFFF800  }
0xef: {  	_ =	swait.ge [sflag:s24], $0x800  }
0xf0: {  	[sflag:s24] =	ssyncset.done $0x0  }
0xf1: {  	s26 =	simm.s32 $0x8711;
	[sflag:s24] =	ssyncadd.s32 $0xFFFFF800  }
0xf2: {  	v2 =	vld [tilespmem:s26+$0xFFFFFFF0]  }
0xf3: {  	s1 =	simm.s32 $0x0;
	v6 =	vld [tilespmem:s26+$0x0]  }
0xf4: {  	v8 =	vld [tilespmem:s1+$0x5F00]  }
0xf5: {  	v7 =	vld [tilespmem:s1+$0x5700]  }
0xf6: {  	v5 =	vld [tilespmem:s1+$0x6F00]  }
0xf7: {  	v3 =	vld [tilespmem:s1+$0x6700]  }
0xf8: {  	v4 =	vld [tilespmem:s1+$0x7F00]  }
0xf9: {  	s31 =	simm.s32 $0x40;
	s29 =	simm.s32 $0x8711;
	v8 =	vadd.f32 v8, v6;
	v6 =	vld [tilespmem:s1+$0x7700]  }
.LBB2_6:
0xfa: {  	p0 =	sne.s32 s31, $0x1FC0  }
0xfb: {  	v7 =	vadd.f32 v7, v2;
	s26 =	sadd.s32 $0x21, s26;
	s1 =	smov.u32 s31;
	s31 =	sadd.s32 $0x40, s31  }
0xfc: {  	v5 =	vadd.f32 v5, v8  }
0xfd: {  	s1 =	sshra.s32 s1, $0x2;
	v2 =	vld [tilespmem:s26+$0xFFFFFFF0];
	v3 =	vadd.f32 v3, v7  }
0xfe: {  	v4 =	vadd.f32 v4, v5  }
0xff: {  	v3 =	vadd.f32 v6, v3  }
0x100: {  	[tilespmem:s29+$0x0] =	vst v4  }
0x101: {  	[tilespmem:s29+$0xFFFFFFF0] =	vst v3;
	s29 =	smov.u32 s26  }
0x102: {  	v6 =	vld [tilespmem:s26+$0x0]  }
0x103: {  	v8 =	vld [tilespmem:s1+$0x5F00]  }
.Ltmp2:
0x104: {  	v7 =	vld [tilespmem:s1+$0x5700];
	(pc) =	sbr.rel @p0 .LBB2_6-.Ltmp2, $4  }
0x105: {  	v5 =	vld [tilespmem:s1+$0x6F00]  }
0x106: {  	v3 =	vld [tilespmem:s1+$0x6700]  }
0x107: {  	v4 =	vld [tilespmem:s1+$0x7F00]  }
0x108: {  	v8 =	vadd.f32 v8, v6;
	v6 =	vld [tilespmem:s1+$0x7700]  }
0x109: {  	v2 =	vadd.f32 v7, v2  }
0x10a: {  	v5 =	vadd.f32 v5, v8  }
0x10b: {  	v2 =	vadd.f32 v3, v2  }
0x10c: {  	v3 =	vadd.f32 v4, v5  }
0x10d: {  	v2 =	vadd.f32 v6, v2  }
0x10e: {  	[tilespmem:s29+$0x0] =	vst v3  }
0x10f: {  	s1 =	simm.s32 $0x1180;
	[tilespmem:s29+$0xFFFFFFF0] =	vst v2  }
0x110: {  	[tilespmem:s23], [sflag:$0x2] =	stream.indirect.gather [hbm4b:s3+s7], $0x10, s1, s7, $0xb8;
	[tilespmem:$0x9780] =	vst v63  }
0x111: {  	s26 =	simm.s32 $0x1E80  }
0x112: {  	[tilespmem:s25], [sflag:$0x2] =	stream.indirect.gather [hbm4b:s3+s7], $0x10, s26, s7, $0xb8;
	[tilespmem:$0x9780] =	vst v63  }
0x113: {  	s26 =	simm.s32 $0x1200  }
0x114: {  	[tilespmem:s28], [sflag:$0x2] =	stream.indirect.gather [hbm4b:s3+s7], $0x10, s26, s7, $0xb8;
	[tilespmem:$0x9780] =	vst v63  }
0x115: {  	s26 =	simm.s32 $0x1F00  }
0x116: {  	[tilespmem:s30], [sflag:$0x2] =	stream.indirect.gather [hbm4b:s3+s7], $0x10, s26, s7, $0xb8;
	[tilespmem:$0x9780] =	vst v63  }
0x117: {  	s26 =	simm.s32 $0x1280  }
0x118: {  	[tilespmem:s0], [sflag:$0x2] =	stream.indirect.gather [hbm4b:s3+s7], $0x10, s26, s7, $0xb8;
	[tilespmem:$0x9780] =	vst v63  }
0x119: {  	s26 =	simm.s32 $0x1F80  }
0x11a: {  	[tilespmem:s10], [sflag:$0x2] =	stream.indirect.gather [hbm4b:s3+s7], $0x10, s26, s7, $0xb8;
	[tilespmem:$0x9780] =	vst v63  }
0x11b: {  	_ =	swait.ge [sflag:s12], $0x800  }
0x11c: {  	[sflag:s12] =	ssyncset.done $0x0  }
0x11d: {  	[sflag:s12] =	ssyncadd.s32 $0xFFFFF800  }
0x11e: {  	_ =	swait.ge [sflag:s12], $0x800  }
0x11f: {  	[sflag:s12] =	ssyncset.done $0x0  }
0x120: {  	[sflag:s12] =	ssyncadd.s32 $0xFFFFF800  }
0x121: {  	_ =	swait.ge [sflag:s12], $0x800  }
0x122: {  	[sflag:s12] =	ssyncset.done $0x0  }
0x123: {  	[sflag:s12] =	ssyncadd.s32 $0xFFFFF800  }
0x124: {  	_ =	swait.ge [sflag:s12], $0x800  }
0x125: {  	[sflag:s12] =	ssyncset.done $0x0  }
0x126: {  	[sflag:s12] =	ssyncadd.s32 $0xFFFFF800  }
0x127: {  	_ =	swait.ge [sflag:s12], $0x800  }
0x128: {  	[sflag:s12] =	ssyncset.done $0x0  }
0x129: {  	[sflag:s12] =	ssyncadd.s32 $0xFFFFF800  }
0x12a: {  	_ =	swait.ge [sflag:s12], $0x800  }
0x12b: {  	[sflag:s12] =	ssyncset.done $0x0  }
0x12c: {  	s26 =	simm.s32 $0x8711;
	[sflag:s12] =	ssyncadd.s32 $0xFFFFF800  }
0x12d: {  	v2 =	vld [tilespmem:s26+$0xFFFFFFF0]  }
0x12e: {  	s1 =	simm.s32 $0x0;
	v6 =	vld [tilespmem:s26+$0x0]  }
0x12f: {  	v8 =	vld [tilespmem:s1+$0x2F00]  }
0x130: {  	v7 =	vld [tilespmem:s1+$0x2700]  }
0x131: {  	v5 =	vld [tilespmem:s1+$0x3F00]  }
0x132: {  	v3 =	vld [tilespmem:s1+$0x3700]  }
0x133: {  	v4 =	vld [tilespmem:s1+$0x4F00]  }
0x134: {  	s31 =	simm.s32 $0x40;
	s29 =	simm.s32 $0x8711;
	v8 =	vadd.f32 v8, v6;
	v6 =	vld [tilespmem:s1+$0x4700]  }
.LBB2_8:
0x135: {  	p0 =	sne.s32 s31, $0x1FC0  }
0x136: {  	v7 =	vadd.f32 v7, v2;
	s26 =	sadd.s32 $0x21, s26;
	s1 =	smov.u32 s31;
	s31 =	sadd.s32 $0x40, s31  }
0x137: {  	v5 =	vadd.f32 v5, v8  }
0x138: {  	s1 =	sshra.s32 s1, $0x2;
	v2 =	vld [tilespmem:s26+$0xFFFFFFF0];
	v3 =	vadd.f32 v3, v7  }
0x139: {  	v4 =	vadd.f32 v4, v5  }
0x13a: {  	v3 =	vadd.f32 v6, v3  }
0x13b: {  	[tilespmem:s29+$0x0] =	vst v4  }
0x13c: {  	[tilespmem:s29+$0xFFFFFFF0] =	vst v3;
	s29 =	smov.u32 s26  }
0x13d: {  	v6 =	vld [tilespmem:s26+$0x0]  }
0x13e: {  	v8 =	vld [tilespmem:s1+$0x2F00]  }
.Ltmp3:
0x13f: {  	v7 =	vld [tilespmem:s1+$0x2700];
	(pc) =	sbr.rel @p0 .LBB2_8-.Ltmp3, $4  }
0x140: {  	v5 =	vld [tilespmem:s1+$0x3F00]  }
0x141: {  	v3 =	vld [tilespmem:s1+$0x3700]  }
0x142: {  	v4 =	vld [tilespmem:s1+$0x4F00]  }
0x143: {  	v8 =	vadd.f32 v8, v6;
	v6 =	vld [tilespmem:s1+$0x4700]  }
0x144: {  	v2 =	vadd.f32 v7, v2  }
0x145: {  	v5 =	vadd.f32 v5, v8  }
0x146: {  	v2 =	vadd.f32 v3, v2  }
0x147: {  	v3 =	vadd.f32 v4, v5  }
0x148: {  	v2 =	vadd.f32 v6, v2  }
0x149: {  	[tilespmem:s29+$0x0] =	vst v3  }
0x14a: {  	s1 =	simm.s32 $0x1300;
	[tilespmem:s29+$0xFFFFFFF0] =	vst v2  }
0x14b: {  	[tilespmem:s11], [sflag:$0x1] =	stream.indirect.gather [hbm4b:s3+s7], $0x10, s1, s7, $0xb8;
	[tilespmem:$0x9780] =	vst v63  }
0x14c: {  	s26 =	simm.s32 $0x2000  }
0x14d: {  	[tilespmem:s13], [sflag:$0x1] =	stream.indirect.gather [hbm4b:s3+s7], $0x10, s26, s7, $0xb8;
	[tilespmem:$0x9780] =	vst v63  }
0x14e: {  	s26 =	simm.s32 $0x1380  }
0x14f: {  	[tilespmem:s15], [sflag:$0x1] =	stream.indirect.gather [hbm4b:s3+s7], $0x10, s26, s7, $0xb8;
	[tilespmem:$0x9780] =	vst v63  }
0x150: {  	s26 =	simm.s32 $0x2080  }
0x151: {  	[tilespmem:s17], [sflag:$0x1] =	stream.indirect.gather [hbm4b:s3+s7], $0x10, s26, s7, $0xb8;
	[tilespmem:$0x9780] =	vst v63  }
0x152: {  	s26 =	simm.s32 $0x1400  }
0x153: {  	[tilespmem:s19], [sflag:$0x1] =	stream.indirect.gather [hbm4b:s3+s7], $0x10, s26, s7, $0xb8;
	[tilespmem:$0x9780] =	vst v63  }
0x154: {  	s26 =	simm.s32 $0x2100  }
0x155: {  	[tilespmem:s21], [sflag:$0x1] =	stream.indirect.gather [hbm4b:s3+s7], $0x10, s26, s7, $0xb8;
	[tilespmem:$0x9780] =	vst v63  }
0x156: {  	_ =	swait.ge [sflag:s24], $0x800  }
0x157: {  	[sflag:s24] =	ssyncset.done $0x0  }
0x158: {  	[sflag:s24] =	ssyncadd.s32 $0xFFFFF800  }
0x159: {  	_ =	swait.ge [sflag:s24], $0x800  }
0x15a: {  	[sflag:s24] =	ssyncset.done $0x0  }
0x15b: {  	[sflag:s24] =	ssyncadd.s32 $0xFFFFF800  }
0x15c: {  	_ =	swait.ge [sflag:s24], $0x800  }
0x15d: {  	[sflag:s24] =	ssyncset.done $0x0  }
0x15e: {  	[sflag:s24] =	ssyncadd.s32 $0xFFFFF800  }
0x15f: {  	_ =	swait.ge [sflag:s24], $0x800  }
0x160: {  	[sflag:s24] =	ssyncset.done $0x0  }
0x161: {  	[sflag:s24] =	ssyncadd.s32 $0xFFFFF800  }
0x162: {  	_ =	swait.ge [sflag:s24], $0x800  }
0x163: {  	[sflag:s24] =	ssyncset.done $0x0  }
0x164: {  	[sflag:s24] =	ssyncadd.s32 $0xFFFFF800  }
0x165: {  	_ =	swait.ge [sflag:s24], $0x800  }
0x166: {  	[sflag:s24] =	ssyncset.done $0x0  }
0x167: {  	s26 =	simm.s32 $0x8711;
	[sflag:s24] =	ssyncadd.s32 $0xFFFFF800  }
0x168: {  	v2 =	vld [tilespmem:s26+$0xFFFFFFF0]  }
0x169: {  	s1 =	simm.s32 $0x0;
	v6 =	vld [tilespmem:s26+$0x0]  }
0x16a: {  	v8 =	vld [tilespmem:s1+$0x5F00]  }
0x16b: {  	v7 =	vld [tilespmem:s1+$0x5700]  }
0x16c: {  	v5 =	vld [tilespmem:s1+$0x6F00]  }
0x16d: {  	v3 =	vld [tilespmem:s1+$0x6700]  }
0x16e: {  	v4 =	vld [tilespmem:s1+$0x7F00]  }
0x16f: {  	s31 =	simm.s32 $0x40;
	s29 =	simm.s32 $0x8711;
	v8 =	vadd.f32 v8, v6;
	v6 =	vld [tilespmem:s1+$0x7700]  }
.LBB2_10:
0x170: {  	p0 =	sne.s32 s31, $0x1FC0  }
0x171: {  	v7 =	vadd.f32 v7, v2;
	s26 =	sadd.s32 $0x21, s26;
	s1 =	smov.u32 s31;
	s31 =	sadd.s32 $0x40, s31  }
0x172: {  	v5 =	vadd.f32 v5, v8  }
0x173: {  	s1 =	sshra.s32 s1, $0x2;
	v2 =	vld [tilespmem:s26+$0xFFFFFFF0];
	v3 =	vadd.f32 v3, v7  }
0x174: {  	v4 =	vadd.f32 v4, v5  }
0x175: {  	v3 =	vadd.f32 v6, v3  }
0x176: {  	[tilespmem:s29+$0x0] =	vst v4  }
0x177: {  	[tilespmem:s29+$0xFFFFFFF0] =	vst v3;
	s29 =	smov.u32 s26  }
0x178: {  	v6 =	vld [tilespmem:s26+$0x0]  }
0x179: {  	v8 =	vld [tilespmem:s1+$0x5F00]  }
.Ltmp4:
0x17a: {  	v7 =	vld [tilespmem:s1+$0x5700];
	(pc) =	sbr.rel @p0 .LBB2_10-.Ltmp4, $4  }
0x17b: {  	v5 =	vld [tilespmem:s1+$0x6F00]  }
0x17c: {  	v3 =	vld [tilespmem:s1+$0x6700]  }
0x17d: {  	v4 =	vld [tilespmem:s1+$0x7F00]  }
0x17e: {  	v8 =	vadd.f32 v8, v6;
	v6 =	vld [tilespmem:s1+$0x7700]  }
0x17f: {  	v2 =	vadd.f32 v7, v2  }
0x180: {  	v5 =	vadd.f32 v5, v8  }
0x181: {  	v2 =	vadd.f32 v3, v2  }
0x182: {  	v3 =	vadd.f32 v4, v5  }
0x183: {  	v2 =	vadd.f32 v6, v2  }
0x184: {  	[tilespmem:s29+$0x0] =	vst v3  }
0x185: {  	s1 =	simm.s32 $0x1480;
	[tilespmem:s29+$0xFFFFFFF0] =	vst v2  }
0x186: {  	[tilespmem:s23], [sflag:$0x2] =	stream.indirect.gather [hbm4b:s3+s7], $0x10, s1, s7, $0xb8;
	[tilespmem:$0x9780] =	vst v63  }
0x187: {  	s26 =	simm.s32 $0x2180  }
0x188: {  	[tilespmem:s25], [sflag:$0x2] =	stream.indirect.gather [hbm4b:s3+s7], $0x10, s26, s7, $0xb8;
	[tilespmem:$0x9780] =	vst v63  }
0x189: {  	s26 =	simm.s32 $0x1500  }
0x18a: {  	[tilespmem:s28], [sflag:$0x2] =	stream.indirect.gather [hbm4b:s3+s7], $0x10, s26, s7, $0xb8;
	[tilespmem:$0x9780] =	vst v63  }
0x18b: {  	s26 =	simm.s32 $0x2200  }
0x18c: {  	[tilespmem:s30], [sflag:$0x2] =	stream.indirect.gather [hbm4b:s3+s7], $0x10, s26, s7, $0xb8;
	[tilespmem:$0x9780] =	vst v63  }
0x18d: {  	s26 =	simm.s32 $0x1580  }
0x18e: {  	[tilespmem:s0], [sflag:$0x2] =	stream.indirect.gather [hbm4b:s3+s7], $0x10, s26, s7, $0xb8;
	[tilespmem:$0x9780] =	vst v63  }
0x18f: {  	s26 =	simm.s32 $0x2280  }
0x190: {  	[tilespmem:s10], [sflag:$0x2] =	stream.indirect.gather [hbm4b:s3+s7], $0x10, s26, s7, $0xb8;
	[tilespmem:$0x9780] =	vst v63  }
0x191: {  	_ =	swait.ge [sflag:s12], $0x800  }
0x192: {  	[sflag:s12] =	ssyncset.done $0x0  }
0x193: {  	[sflag:s12] =	ssyncadd.s32 $0xFFFFF800  }
0x194: {  	_ =	swait.ge [sflag:s12], $0x800  }
0x195: {  	[sflag:s12] =	ssyncset.done $0x0  }
0x196: {  	[sflag:s12] =	ssyncadd.s32 $0xFFFFF800  }
0x197: {  	_ =	swait.ge [sflag:s12], $0x800  }
0x198: {  	[sflag:s12] =	ssyncset.done $0x0  }
0x199: {  	[sflag:s12] =	ssyncadd.s32 $0xFFFFF800  }
0x19a: {  	_ =	swait.ge [sflag:s12], $0x800  }
0x19b: {  	[sflag:s12] =	ssyncset.done $0x0  }
0x19c: {  	[sflag:s12] =	ssyncadd.s32 $0xFFFFF800  }
0x19d: {  	_ =	swait.ge [sflag:s12], $0x800  }
0x19e: {  	[sflag:s12] =	ssyncset.done $0x0  }
0x19f: {  	[sflag:s12] =	ssyncadd.s32 $0xFFFFF800  }
0x1a0: {  	_ =	swait.ge [sflag:s12], $0x800  }
0x1a1: {  	[sflag:s12] =	ssyncset.done $0x0  }
0x1a2: {  	s26 =	simm.s32 $0x8711;
	[sflag:s12] =	ssyncadd.s32 $0xFFFFF800  }
0x1a3: {  	v2 =	vld [tilespmem:s26+$0xFFFFFFF0]  }
0x1a4: {  	s1 =	simm.s32 $0x0;
	v6 =	vld [tilespmem:s26+$0x0]  }
0x1a5: {  	v8 =	vld [tilespmem:s1+$0x2F00]  }
0x1a6: {  	v7 =	vld [tilespmem:s1+$0x2700]  }
0x1a7: {  	v5 =	vld [tilespmem:s1+$0x3F00]  }
0x1a8: {  	v3 =	vld [tilespmem:s1+$0x3700]  }
0x1a9: {  	v4 =	vld [tilespmem:s1+$0x4F00]  }
0x1aa: {  	s31 =	simm.s32 $0x40;
	s29 =	simm.s32 $0x8711;
	v8 =	vadd.f32 v8, v6;
	v6 =	vld [tilespmem:s1+$0x4700]  }
.LBB2_12:
0x1ab: {  	p0 =	sne.s32 s31, $0x1FC0  }
0x1ac: {  	v7 =	vadd.f32 v7, v2;
	s26 =	sadd.s32 $0x21, s26;
	s1 =	smov.u32 s31;
	s31 =	sadd.s32 $0x40, s31  }
0x1ad: {  	v5 =	vadd.f32 v5, v8  }
0x1ae: {  	s1 =	sshra.s32 s1, $0x2;
	v2 =	vld [tilespmem:s26+$0xFFFFFFF0];
	v3 =	vadd.f32 v3, v7  }
0x1af: {  	v4 =	vadd.f32 v4, v5  }
0x1b0: {  	v3 =	vadd.f32 v6, v3  }
0x1b1: {  	[tilespmem:s29+$0x0] =	vst v4  }
0x1b2: {  	[tilespmem:s29+$0xFFFFFFF0] =	vst v3;
	s29 =	smov.u32 s26  }
0x1b3: {  	v6 =	vld [tilespmem:s26+$0x0]  }
0x1b4: {  	v8 =	vld [tilespmem:s1+$0x2F00]  }
.Ltmp5:
0x1b5: {  	v7 =	vld [tilespmem:s1+$0x2700];
	(pc) =	sbr.rel @p0 .LBB2_12-.Ltmp5, $4  }
0x1b6: {  	v5 =	vld [tilespmem:s1+$0x3F00]  }
0x1b7: {  	v3 =	vld [tilespmem:s1+$0x3700]  }
0x1b8: {  	v4 =	vld [tilespmem:s1+$0x4F00]  }
0x1b9: {  	v8 =	vadd.f32 v8, v6;
	v6 =	vld [tilespmem:s1+$0x4700]  }
0x1ba: {  	v2 =	vadd.f32 v7, v2  }
0x1bb: {  	v5 =	vadd.f32 v5, v8  }
0x1bc: {  	v2 =	vadd.f32 v3, v2  }
0x1bd: {  	v3 =	vadd.f32 v4, v5  }
0x1be: {  	v2 =	vadd.f32 v6, v2  }
0x1bf: {  	[tilespmem:s29+$0x0] =	vst v3  }
0x1c0: {  	s1 =	simm.s32 $0x1600;
	[tilespmem:s29+$0xFFFFFFF0] =	vst v2  }
0x1c1: {  	[tilespmem:s11], [sflag:$0x1] =	stream.indirect.gather [hbm4b:s3+s7], $0x10, s1, s7, $0xb8;
	[tilespmem:$0x9780] =	vst v63  }
0x1c2: {  	s26 =	simm.s32 $0x2300  }
0x1c3: {  	[tilespmem:s13], [sflag:$0x1] =	stream.indirect.gather [hbm4b:s3+s7], $0x10, s26, s7, $0xb8;
	[tilespmem:$0x9780] =	vst v63  }
0x1c4: {  	s26 =	simm.s32 $0x1680  }
0x1c5: {  	[tilespmem:s15], [sflag:$0x1] =	stream.indirect.gather [hbm4b:s3+s7], $0x10, s26, s7, $0xb8;
	[tilespmem:$0x9780] =	vst v63  }
0x1c6: {  	s26 =	simm.s32 $0x2380  }
0x1c7: {  	[tilespmem:s17], [sflag:$0x1] =	stream.indirect.gather [hbm4b:s3+s7], $0x10, s26, s7, $0xb8;
	[tilespmem:$0x9780] =	vst v63  }
0x1c8: {  	s26 =	simm.s32 $0x1700  }
0x1c9: {  	[tilespmem:s19], [sflag:$0x1] =	stream.indirect.gather [hbm4b:s3+s7], $0x10, s26, s7, $0xb8;
	[tilespmem:$0x9780] =	vst v63  }
0x1ca: {  	s26 =	simm.s32 $0x2400  }
0x1cb: {  	[tilespmem:s21], [sflag:$0x1] =	stream.indirect.gather [hbm4b:s3+s7], $0x10, s26, s7, $0xb8;
	[tilespmem:$0x9780] =	vst v63  }
0x1cc: {  	_ =	swait.ge [sflag:s24], $0x800  }
0x1cd: {  	[sflag:s24] =	ssyncset.done $0x0  }
0x1ce: {  	[sflag:s24] =	ssyncadd.s32 $0xFFFFF800  }
0x1cf: {  	_ =	swait.ge [sflag:s24], $0x800  }
0x1d0: {  	[sflag:s24] =	ssyncset.done $0x0  }
0x1d1: {  	[sflag:s24] =	ssyncadd.s32 $0xFFFFF800  }
0x1d2: {  	_ =	swait.ge [sflag:s24], $0x800  }
0x1d3: {  	[sflag:s24] =	ssyncset.done $0x0  }
0x1d4: {  	[sflag:s24] =	ssyncadd.s32 $0xFFFFF800  }
0x1d5: {  	_ =	swait.ge [sflag:s24], $0x800  }
0x1d6: {  	[sflag:s24] =	ssyncset.done $0x0  }
0x1d7: {  	[sflag:s24] =	ssyncadd.s32 $0xFFFFF800  }
0x1d8: {  	_ =	swait.ge [sflag:s24], $0x800  }
0x1d9: {  	[sflag:s24] =	ssyncset.done $0x0  }
0x1da: {  	[sflag:s24] =	ssyncadd.s32 $0xFFFFF800  }
0x1db: {  	_ =	swait.ge [sflag:s24], $0x800  }
0x1dc: {  	[sflag:s24] =	ssyncset.done $0x0  }
0x1dd: {  	s26 =	simm.s32 $0x8711;
	[sflag:s24] =	ssyncadd.s32 $0xFFFFF800  }
0x1de: {  	v2 =	vld [tilespmem:s26+$0xFFFFFFF0]  }
0x1df: {  	s1 =	simm.s32 $0x0;
	v6 =	vld [tilespmem:s26+$0x0]  }
0x1e0: {  	v8 =	vld [tilespmem:s1+$0x5F00]  }
0x1e1: {  	v7 =	vld [tilespmem:s1+$0x5700]  }
0x1e2: {  	v5 =	vld [tilespmem:s1+$0x6F00]  }
0x1e3: {  	v3 =	vld [tilespmem:s1+$0x6700]  }
0x1e4: {  	v4 =	vld [tilespmem:s1+$0x7F00]  }
0x1e5: {  	s31 =	simm.s32 $0x40;
	s29 =	simm.s32 $0x8711;
	v8 =	vadd.f32 v8, v6;
	v6 =	vld [tilespmem:s1+$0x7700]  }
.LBB2_14:
0x1e6: {  	p0 =	sne.s32 s31, $0x1FC0  }
0x1e7: {  	v7 =	vadd.f32 v7, v2;
	s26 =	sadd.s32 $0x21, s26;
	s1 =	smov.u32 s31;
	s31 =	sadd.s32 $0x40, s31  }
0x1e8: {  	v5 =	vadd.f32 v5, v8  }
0x1e9: {  	s1 =	sshra.s32 s1, $0x2;
	v2 =	vld [tilespmem:s26+$0xFFFFFFF0];
	v3 =	vadd.f32 v3, v7  }
0x1ea: {  	v4 =	vadd.f32 v4, v5  }
0x1eb: {  	v3 =	vadd.f32 v6, v3  }
0x1ec: {  	[tilespmem:s29+$0x0] =	vst v4  }
0x1ed: {  	[tilespmem:s29+$0xFFFFFFF0] =	vst v3;
	s29 =	smov.u32 s26  }
0x1ee: {  	v6 =	vld [tilespmem:s26+$0x0]  }
0x1ef: {  	v8 =	vld [tilespmem:s1+$0x5F00]  }
.Ltmp6:
0x1f0: {  	v7 =	vld [tilespmem:s1+$0x5700];
	(pc) =	sbr.rel @p0 .LBB2_14-.Ltmp6, $4  }
0x1f1: {  	v5 =	vld [tilespmem:s1+$0x6F00]  }
0x1f2: {  	v3 =	vld [tilespmem:s1+$0x6700]  }
0x1f3: {  	v4 =	vld [tilespmem:s1+$0x7F00]  }
0x1f4: {  	v8 =	vadd.f32 v8, v6;
	v6 =	vld [tilespmem:s1+$0x7700]  }
0x1f5: {  	v2 =	vadd.f32 v7, v2  }
0x1f6: {  	v5 =	vadd.f32 v5, v8  }
0x1f7: {  	v2 =	vadd.f32 v3, v2  }
0x1f8: {  	v3 =	vadd.f32 v4, v5  }
0x1f9: {  	v2 =	vadd.f32 v6, v2  }
0x1fa: {  	[tilespmem:s29+$0x0] =	vst v3  }
0x1fb: {  	s1 =	simm.s32 $0x1780;
	[tilespmem:s29+$0xFFFFFFF0] =	vst v2  }
0x1fc: {  	[tilespmem:s23], [sflag:$0x2] =	stream.indirect.gather [hbm4b:s3+s7], $0x10, s1, s7, $0xb8;
	[tilespmem:$0x9780] =	vst v63  }
0x1fd: {  	s26 =	simm.s32 $0x2480  }
0x1fe: {  	[tilespmem:s25], [sflag:$0x2] =	stream.indirect.gather [hbm4b:s3+s7], $0x10, s26, s7, $0xb8;
	[tilespmem:$0x9780] =	vst v63  }
0x1ff: {  	s26 =	simm.s32 $0x1800  }
0x200: {  	[tilespmem:s28], [sflag:$0x2] =	stream.indirect.gather [hbm4b:s3+s7], $0x10, s26, s7, $0xb8;
	[tilespmem:$0x9780] =	vst v63  }
0x201: {  	s26 =	simm.s32 $0x2500  }
0x202: {  	[tilespmem:s30], [sflag:$0x2] =	stream.indirect.gather [hbm4b:s3+s7], $0x10, s26, s7, $0xb8;
	[tilespmem:$0x9780] =	vst v63  }
0x203: {  	s26 =	simm.s32 $0x1880  }
0x204: {  	[tilespmem:s0], [sflag:$0x2] =	stream.indirect.gather [hbm4b:s3+s7], $0x10, s26, s7, $0xb8;
	[tilespmem:$0x9780] =	vst v63  }
0x205: {  	s26 =	simm.s32 $0x2580  }
0x206: {  	[tilespmem:s10], [sflag:$0x2] =	stream.indirect.gather [hbm4b:s3+s7], $0x10, s26, s7, $0xb8;
	[tilespmem:$0x9780] =	vst v63  }
0x207: {  	_ =	swait.ge [sflag:s12], $0x800  }
0x208: {  	[sflag:s12] =	ssyncset.done $0x0  }
0x209: {  	[sflag:s12] =	ssyncadd.s32 $0xFFFFF800  }
0x20a: {  	_ =	swait.ge [sflag:s12], $0x800  }
0x20b: {  	[sflag:s12] =	ssyncset.done $0x0  }
0x20c: {  	[sflag:s12] =	ssyncadd.s32 $0xFFFFF800  }
0x20d: {  	_ =	swait.ge [sflag:s12], $0x800  }
0x20e: {  	[sflag:s12] =	ssyncset.done $0x0  }
0x20f: {  	[sflag:s12] =	ssyncadd.s32 $0xFFFFF800  }
0x210: {  	_ =	swait.ge [sflag:s12], $0x800  }
0x211: {  	[sflag:s12] =	ssyncset.done $0x0  }
0x212: {  	[sflag:s12] =	ssyncadd.s32 $0xFFFFF800  }
0x213: {  	_ =	swait.ge [sflag:s12], $0x800  }
0x214: {  	[sflag:s12] =	ssyncset.done $0x0  }
0x215: {  	[sflag:s12] =	ssyncadd.s32 $0xFFFFF800  }
0x216: {  	_ =	swait.ge [sflag:s12], $0x800  }
0x217: {  	[sflag:s12] =	ssyncset.done $0x0  }
0x218: {  	s26 =	simm.s32 $0x8711;
	[sflag:s12] =	ssyncadd.s32 $0xFFFFF800  }
0x219: {  	v2 =	vld [tilespmem:s26+$0xFFFFFFF0]  }
0x21a: {  	s1 =	simm.s32 $0x0;
	v6 =	vld [tilespmem:s26+$0x0]  }
0x21b: {  	v8 =	vld [tilespmem:s1+$0x2F00]  }
0x21c: {  	v7 =	vld [tilespmem:s1+$0x2700]  }
0x21d: {  	v5 =	vld [tilespmem:s1+$0x3F00]  }
0x21e: {  	v3 =	vld [tilespmem:s1+$0x3700]  }
0x21f: {  	v4 =	vld [tilespmem:s1+$0x4F00]  }
0x220: {  	s31 =	simm.s32 $0x40;
	s29 =	simm.s32 $0x8711;
	v8 =	vadd.f32 v8, v6;
	v6 =	vld [tilespmem:s1+$0x4700]  }
.LBB2_16:
0x221: {  	p0 =	sne.s32 s31, $0x1FC0  }
0x222: {  	v7 =	vadd.f32 v7, v2;
	s26 =	sadd.s32 $0x21, s26;
	s1 =	smov.u32 s31;
	s31 =	sadd.s32 $0x40, s31  }
0x223: {  	v5 =	vadd.f32 v5, v8  }
0x224: {  	s1 =	sshra.s32 s1, $0x2;
	v2 =	vld [tilespmem:s26+$0xFFFFFFF0];
	v3 =	vadd.f32 v3, v7  }
0x225: {  	v4 =	vadd.f32 v4, v5  }
0x226: {  	v3 =	vadd.f32 v6, v3  }
0x227: {  	[tilespmem:s29+$0x0] =	vst v4  }
0x228: {  	[tilespmem:s29+$0xFFFFFFF0] =	vst v3;
	s29 =	smov.u32 s26  }
0x229: {  	v6 =	vld [tilespmem:s26+$0x0]  }
0x22a: {  	v8 =	vld [tilespmem:s1+$0x2F00]  }
.Ltmp7:
0x22b: {  	v7 =	vld [tilespmem:s1+$0x2700];
	(pc) =	sbr.rel @p0 .LBB2_16-.Ltmp7, $4  }
0x22c: {  	v5 =	vld [tilespmem:s1+$0x3F00]  }
0x22d: {  	v3 =	vld [tilespmem:s1+$0x3700]  }
0x22e: {  	v4 =	vld [tilespmem:s1+$0x4F00]  }
0x22f: {  	v8 =	vadd.f32 v8, v6;
	v6 =	vld [tilespmem:s1+$0x4700]  }
0x230: {  	v2 =	vadd.f32 v7, v2  }
0x231: {  	v5 =	vadd.f32 v5, v8  }
0x232: {  	v2 =	vadd.f32 v3, v2  }
0x233: {  	v3 =	vadd.f32 v4, v5  }
0x234: {  	v2 =	vadd.f32 v6, v2  }
0x235: {  	[tilespmem:s29+$0x0] =	vst v3  }
0x236: {  	s1 =	simm.s32 $0x1900;
	[tilespmem:s29+$0xFFFFFFF0] =	vst v2  }
0x237: {  	[tilespmem:s11], [sflag:$0x1] =	stream.indirect.gather [hbm4b:s3+s7], $0x10, s1, s7, $0xb8;
	[tilespmem:$0x9780] =	vst v63  }
0x238: {  	_ = 	snop  }
0x239: {  	[tilespmem:s13], [sflag:$0x1] =	stream.indirect.gather [hbm4b:s3+s7], $0x10, s14, s7, $0xb8;
	[tilespmem:$0x9780] =	vst v63  }
0x23a: {  	_ = 	snop  }
0x23b: {  	[tilespmem:s15], [sflag:$0x1] =	stream.indirect.gather [hbm4b:s3+s7], $0x10, s16, s7, $0xb8;
	[tilespmem:$0x9780] =	vst v63  }
0x23c: {  	_ = 	snop  }
0x23d: {  	[tilespmem:s17], [sflag:$0x1] =	stream.indirect.gather [hbm4b:s3+s7], $0x10, s18, s7, $0xb8;
	[tilespmem:$0x9780] =	vst v63  }
0x23e: {  	_ =	swait.ge [sflag:s24], $0x800  }
0x23f: {  	[sflag:s24] =	ssyncset.done $0x0  }
0x240: {  	[sflag:s24] =	ssyncadd.s32 $0xFFFFF800  }
0x241: {  	_ =	swait.ge [sflag:s24], $0x800  }
0x242: {  	[sflag:s24] =	ssyncset.done $0x0  }
0x243: {  	[sflag:s24] =	ssyncadd.s32 $0xFFFFF800  }
0x244: {  	_ =	swait.ge [sflag:s24], $0x800  }
0x245: {  	[sflag:s24] =	ssyncset.done $0x0  }
0x246: {  	[sflag:s24] =	ssyncadd.s32 $0xFFFFF800  }
0x247: {  	_ =	swait.ge [sflag:s24], $0x800  }
0x248: {  	[sflag:s24] =	ssyncset.done $0x0  }
0x249: {  	[sflag:s24] =	ssyncadd.s32 $0xFFFFF800  }
0x24a: {  	_ =	swait.ge [sflag:s24], $0x800  }
0x24b: {  	[sflag:s24] =	ssyncset.done $0x0  }
0x24c: {  	[sflag:s24] =	ssyncadd.s32 $0xFFFFF800  }
0x24d: {  	_ =	swait.ge [sflag:s24], $0x800  }
0x24e: {  	[sflag:s24] =	ssyncset.done $0x0  }
0x24f: {  	s26 =	simm.s32 $0x8711;
	[sflag:s24] =	ssyncadd.s32 $0xFFFFF800  }
0x250: {  	v2 =	vld [tilespmem:s26+$0xFFFFFFF0]  }
0x251: {  	s1 =	simm.s32 $0x0;
	v6 =	vld [tilespmem:s26+$0x0]  }
0x252: {  	v8 =	vld [tilespmem:s1+$0x5F00]  }
0x253: {  	v7 =	vld [tilespmem:s1+$0x5700]  }
0x254: {  	v5 =	vld [tilespmem:s1+$0x6F00]  }
0x255: {  	v3 =	vld [tilespmem:s1+$0x6700]  }
0x256: {  	v4 =	vld [tilespmem:s1+$0x7F00]  }
0x257: {  	s31 =	simm.s32 $0x40;
	s29 =	simm.s32 $0x8711;
	v8 =	vadd.f32 v8, v6;
	v6 =	vld [tilespmem:s1+$0x7700]  }
.LBB2_18:
0x258: {  	p0 =	sne.s32 s31, $0x1FC0  }
0x259: {  	v7 =	vadd.f32 v7, v2;
	s26 =	sadd.s32 $0x21, s26;
	s1 =	smov.u32 s31;
	s31 =	sadd.s32 $0x40, s31  }
0x25a: {  	v5 =	vadd.f32 v5, v8  }
0x25b: {  	s1 =	sshra.s32 s1, $0x2;
	v2 =	vld [tilespmem:s26+$0xFFFFFFF0];
	v3 =	vadd.f32 v3, v7  }
0x25c: {  	v4 =	vadd.f32 v4, v5  }
0x25d: {  	v3 =	vadd.f32 v6, v3  }
0x25e: {  	[tilespmem:s29+$0x0] =	vst v4  }
0x25f: {  	[tilespmem:s29+$0xFFFFFFF0] =	vst v3;
	s29 =	smov.u32 s26  }
0x260: {  	v6 =	vld [tilespmem:s26+$0x0]  }
0x261: {  	v8 =	vld [tilespmem:s1+$0x5F00]  }
.Ltmp8:
0x262: {  	v7 =	vld [tilespmem:s1+$0x5700];
	(pc) =	sbr.rel @p0 .LBB2_18-.Ltmp8, $4  }
0x263: {  	v5 =	vld [tilespmem:s1+$0x6F00]  }
0x264: {  	v3 =	vld [tilespmem:s1+$0x6700]  }
0x265: {  	v4 =	vld [tilespmem:s1+$0x7F00]  }
0x266: {  	v8 =	vadd.f32 v8, v6;
	v6 =	vld [tilespmem:s1+$0x7700]  }
0x267: {  	v2 =	vadd.f32 v7, v2  }
0x268: {  	v5 =	vadd.f32 v5, v8  }
0x269: {  	v2 =	vadd.f32 v3, v2  }
0x26a: {  	v3 =	vadd.f32 v4, v5  }
0x26b: {  	v2 =	vadd.f32 v6, v2  }
0x26c: {  	[tilespmem:s29+$0x0] =	vst v3  }
0x26d: {  	[tilespmem:s29+$0xFFFFFFF0] =	vst v2  }
0x26e: {  	_ =	swait.ge [sflag:s12], $0x800  }
0x26f: {  	[sflag:s12] =	ssyncset.done $0x0  }
0x270: {  	[sflag:s12] =	ssyncadd.s32 $0xFFFFF800  }
0x271: {  	_ =	swait.ge [sflag:s12], $0x800  }
0x272: {  	[sflag:s12] =	ssyncset.done $0x0  }
0x273: {  	[sflag:s12] =	ssyncadd.s32 $0xFFFFF800  }
0x274: {  	_ =	swait.ge [sflag:s12], $0x800  }
0x275: {  	[sflag:s12] =	ssyncset.done $0x0  }
0x276: {  	[sflag:s12] =	ssyncadd.s32 $0xFFFFF800  }
0x277: {  	_ =	swait.ge [sflag:s12], $0x800  }
0x278: {  	[sflag:s12] =	ssyncset.done $0x0  }
0x279: {  	s26 =	simm.s32 $0x8711;
	[sflag:s12] =	ssyncadd.s32 $0xFFFFF800  }
0x27a: {  	s1 =	simm.s32 $0x0;
	v2 =	vld [tilespmem:s26+$0xFFFFFFF0]  }
0x27b: {  	v4 =	vld [tilespmem:s1+$0x2700]  }
0x27c: {  	v3 =	vld [tilespmem:s26+$0x0]  }
0x27d: {  	v5 =	vld [tilespmem:s1+$0x2F00]  }
0x27e: {  	v6 =	vld [tilespmem:s1+$0x3700];
	_ =	sdelay $0x1  }
0x27f: {  	v7 =	vadd.f32 v4, v2;
	v2 =	vld [tilespmem:s1+$0x3F00];
	_ =	sdelay $0x2  }
0x280: {  	s31 =	simm.s32 $0x8711;
	s29 =	simm.s32 $0x40;
	v4 =	vadd.f32 v5, v3;
	v3 =	vadd.f32 v6, v7  }
.LBB2_20:
0x281: {  	p0 =	sne.s32 s29, $0x1FC0  }
0x282: {  	v2 =	vadd.f32 v2, v4;
	s26 =	sadd.s32 $0x21, s26;
	s1 =	smov.u32 s29;
	s29 =	sadd.s32 $0x40, s29  }
0x283: {  	[tilespmem:s31+$0xFFFFFFF0] =	vst v3  }
0x284: {  	s1 =	sshra.s32 s1, $0x2;
	v3 =	vld [tilespmem:s26+$0xFFFFFFF0];
	[tilespmem:s31+$0x0] =	vst v2;
	s31 =	smov.u32 s26  }
0x285: {  	v4 =	vld [tilespmem:s26+$0x0]  }
0x286: {  	v5 =	vld [tilespmem:s1+$0x2700]  }
0x287: {  	v6 =	vld [tilespmem:s1+$0x2F00]  }
0x288: {  	v7 =	vld [tilespmem:s1+$0x3700]  }
.Ltmp9:
0x289: {  	v2 =	vld [tilespmem:s1+$0x3F00];
	(pc) =	sbr.rel @p0 .LBB2_20-.Ltmp9, $4  }
0x28a: {  	_ = 	snop  }
0x28b: {  	v3 =	vadd.f32 v5, v3  }
0x28c: {  	v4 =	vadd.f32 v6, v4  }
0x28d: {  	v3 =	vadd.f32 v7, v3  }
0x28e: {  	v2 =	vadd.f32 v2, v4;
	s22 =	sadd.s32 $0x1, s22  }
0x28f: {  	[tilespmem:s31+$0xFFFFFFF0] =	vst v3;
	p0 =	sne.s32 s22, s6  }
.Ltmp10:
0x290: {  	[tilespmem:s31+$0x0] =	vst v2;
	(pc) =	sbr.rel @p0 .LBB2_1-.Ltmp10, $4  }
0x291: {  	[hbm4b:s5+s2] =	stream.linear.scatter [tilespmem:s20], [sflag:$0x3], $0x1080, $0x38;
	[tilespmem:$0x9780] =	vst v63  }
0x292: {  	_ =	swait.ge [sflag:s9], $0x1080  }
0x293: {  	[sflag:s9] =	ssyncset.done $0x0  }
0x294: {  	[sflag:s9] =	ssyncadd.s32 $0xFFFFEF80  }
0x295: {  	_ =	sfence.sel $0x180000  }
0x296: {  	[bflag:$0x0] =	sbarrier.arrive $0xFFFF  }
0x297: {  	_ =	strace $0x90000047  }
0x298: {  	s0 =	stileid.u32;
	[bflag:$0x2] =	sbarrier.arrive $0xFFFF  }
0x299: {  	p0 =	sne.s32 s0, $0x0;
	s0 =	rddreg [dreg:$0x2]  }
0x29a: {  	s0 =	sadd.s32 @!p0 $0x100000, s0  }
0x29b: {  	[sflag:s0] =	ssyncadd.tile.s32 @!p0 $0x1;
	_ =	shalt  }
.Lfunc_end2:
_tile_overlayer_lowered:
.L_overlay_start_2:
0x29c: {  	(tag) =	ssettag $0x2  }
0x29d: {  	s0 =	rddreg [dreg:$0x0];
	s2 =	stileid.u32  }
0x29e: {  	s1 =	rddreg [dreg:$0x1];
	p0 =	sne.s32 s2, $0x0  }
0x29f: {  	s3 =	rddreg [dreg:$0x2];
	[bflag:$0x3] =	sbarrier.arrive $0xFFFF;
	s2 =	simm.s32 @!p0 $0x1C03  }
0x2a0: {  	[timem:s3], [sflag:s2] =	dma.local @!p0 [hbm:s0], s1  }
0x2a1: {  	s0 =	simm.s32 @!p0 $0x3  }
0x2a2: {  	_ =	swait.ge @!p0 [sflag:s0], s1  }
0x2a3: {  	s1 =	ssub.s32 @!p0 $0x0, s1;
	[sflag:s0] =	ssyncset.done @!p0 $0x0  }
0x2a4: {  	[sflag:s0] =	ssyncadd.s32 @!p0 s1  }
0x2a5: {  	[bflag:$0x3] =	sbarrier.arrive $0xFFFF  }
0x2a6: {  	_ =	shalt  }

</sc_bundles>
